<compile_context>
chip_gen: v7x
topology: tpu7x:2x2x1
jax: 0.10.2.dev20260603
libtpu: 0.0.44.dev20260713+nightly
codegen_flags: <defaults>
</compile_context>

<pallas_src>
import functools

import jax
import jax.numpy as jnp
from jax import lax
from jax.experimental import pallas as pl
from jax.experimental.pallas import tpu as pltpu
from jax.experimental.pallas import tpu_sc as plsc

N = 10000
E = 320000
D_IN = 128
D_HID = 16
N_CLS = 41

NC = 2
NS = 16
NW = NC * NS
EC = 128
K = 80
KA = 128
KB = 32
KMAX = max(KA, KB)
KD0 = 120
KD1 = 40
KDMAX = max(KD0, KD1)
NCHUNK = NW * K
NALLOC = NCHUNK + KMAX
E_PAD = NALLOC * EC
NP = 10112
RPT = NP // NS
D2 = 48

_mesh = plsc.VectorSubcoreMesh(core_axis_name="c", subcore_axis_name="s")


def _make_deg_kernel():

    @functools.partial(
        pl.kernel,
        mesh=_mesh,
        compiler_params=pltpu.CompilerParams(use_tc_tiling_on_sc=False),
        out_type=jax.ShapeDtypeStruct((NC, NP, 16), jnp.float32),
        scratch_types=[
            pltpu.VMEM((KDMAX, EC), jnp.int32),
            pltpu.VMEM((EC, 16), jnp.float32),
            pltpu.VMEM_SHARED((NP, 16), jnp.float32),
            pltpu.SemaphoreType.DMA,
        ],
    )
    def deg_kernel(dst_hbm, ones_hbm, zeros_hbm, out_hbm, dst_v, ones_v, acc, sem):
        c = lax.axis_index("c")
        s = lax.axis_index("s")
        r0 = s * RPT
        cbase = jnp.where(c == 0, s * KD0, NS * KD0 + s * KD1)
        pltpu.sync_copy(zeros_hbm.at[pl.ds(r0, RPT), :], acc.at[pl.ds(r0, RPT), :])
        pltpu.sync_copy(ones_hbm, ones_v)
        pltpu.sync_copy(dst_hbm.at[pl.ds(cbase, KDMAX), :], dst_v)
        plsc.subcore_barrier()

        GD = 4
        nd = jnp.where(c == 0, KD0 // GD, KD1 // GD)

        def body(j, carry):
            base = j * GD
            for b in range(GD):
                pltpu.async_copy(ones_v, acc.at[dst_v.at[base + b]], sem, add=True)

            @pl.when(j > 0)
            def _():
                for _b in range(GD):
                    pltpu.make_async_copy(ones_v, acc.at[dst_v.at[0]], sem).wait()

            return carry

        lax.fori_loop(0, nd, body, 0)
        for _b in range(GD):
            pltpu.make_async_copy(ones_v, acc.at[dst_v.at[0]], sem).wait()
        plsc.subcore_barrier()
        pltpu.sync_copy(acc.at[pl.ds(r0, RPT), :], out_hbm.at[c, pl.ds(r0, RPT), :])

    return deg_kernel


def _make_edge_kernel(d):

    SG = 4

    @functools.partial(
        pl.kernel,
        mesh=_mesh,
        compiler_params=pltpu.CompilerParams(use_tc_tiling_on_sc=False),
        out_type=jax.ShapeDtypeStruct((NC, NP, d), jnp.float32),
        scratch_types=[
            pltpu.VMEM((KMAX * EC,), jnp.int32),
            pltpu.VMEM((KMAX, EC), jnp.int32),
            [pltpu.VMEM((SG * EC, d), jnp.float32) for _ in range(2)],
            pltpu.VMEM_SHARED((NP, d), jnp.float32),
            pltpu.SemaphoreType.DMA,
            pltpu.SemaphoreType.DMA,
        ],
    )
    def edge_kernel(hs_hbm, src_hbm, dst_hbm, zeros_hbm, out_hbm,
                    src_v, dst_v, rows, acc, gsem, ssem):
        c = lax.axis_index("c")
        s = lax.axis_index("s")
        r0 = s * RPT
        cbase = jnp.where(c == 0, s * KA, NS * KA + s * KB)
        nsup2 = jnp.where(c == 0, KA // (2 * SG), KB // (2 * SG))
        nsup = 2 * nsup2
        @pl.when(c == 0)
        def _():
            pltpu.sync_copy(hs_hbm.at[pl.ds(r0, RPT), :], acc.at[pl.ds(r0, RPT), :])

        @pl.when(c != 0)
        def _():
            pltpu.sync_copy(zeros_hbm.at[pl.ds(r0, RPT), :], acc.at[pl.ds(r0, RPT), :])

        pltpu.sync_copy(src_hbm.at[pl.ds(cbase * EC, KMAX * EC)], src_v)
        pltpu.sync_copy(dst_hbm.at[pl.ds(cbase, KMAX), :], dst_v)
        plsc.subcore_barrier()

        SB = SG * EC
        pltpu.async_copy(hs_hbm.at[src_v.at[pl.ds(0, SB)]], rows[0], gsem)

        def body(gp, carry):
            for h in (0, 1):
                g = 2 * gp + h
                oh = 1 - h
                @pl.when(g >= 1)
                def _(oh=oh):
                    for b in range(SG):
                        pltpu.make_async_copy(
                            rows[oh].at[pl.ds(b * EC, EC), :],
                            acc.at[dst_v.at[0]], ssem).wait()
                pltpu.make_async_copy(
                    hs_hbm.at[src_v.at[pl.ds(0, SB)]], rows[h], gsem).wait()
                @pl.when(g + 1 < nsup)
                def _(g=g, oh=oh):
                    pltpu.async_copy(
                        hs_hbm.at[src_v.at[pl.ds((g + 1) * SB, SB)]],
                        rows[oh], gsem)
                for b in range(SG):
                    pltpu.async_copy(
                        rows[h].at[pl.ds(b * EC, EC), :],
                        acc.at[dst_v.at[g * SG + b]], ssem, add=True)
            return carry

        lax.fori_loop(0, nsup2, body, 0)
        for b in range(SG):
            pltpu.make_async_copy(
                rows[1].at[pl.ds(b * EC, EC), :], acc.at[dst_v.at[0]], ssem).wait()
        plsc.subcore_barrier()
        pltpu.sync_copy(acc.at[pl.ds(r0, RPT), :], out_hbm.at[c, pl.ds(r0, RPT), :])

    return edge_kernel


_deg_kernel = _make_deg_kernel()
_edge_kernel16 = _make_edge_kernel(D_HID)


def _tc_stage1(feats_ref, w1_ref, degp_ref, hs1_ref, dinv_ref):
    deg = degp_ref[0] + degp_ref[1] + 1.0
    dinv = lax.rsqrt(deg)
    dinv_ref[...] = dinv
    h = jnp.dot(feats_ref[...], w1_ref[...], preferred_element_type=jnp.float32)
    hs1_ref[...] = h * dinv[:, 0:1]


def _tc_stage2(p_ref, dinv_ref, b1_ref, h1s_ref):
    dinv1 = dinv_ref[:, 0:1]
    h1 = jnp.maximum((p_ref[0] + p_ref[1]) * dinv1 + b1_ref[...], 0.0)
    h1s_ref[...] = h1 * dinv1


def _tc_stage3(p_ref, dinv_ref, w2_ref, b2_ref, out_ref):
    agg = (p_ref[0, 0:N, :] + p_ref[1, 0:N, :]) * dinv_ref[0:N, 0:1]
    out_ref[...] = (
        jnp.dot(agg, w2_ref[...], preferred_element_type=jnp.float32) + b2_ref[...]
    )


def kernel(feats, edge_index, W1, b1, W2, b2):
    f32 = jnp.float32
    feats_p = jnp.pad(feats, ((0, NP - N), (0, 0)))
    src = jnp.pad(edge_index[0], (0, E_PAD - E))
    dst = jnp.pad(edge_index[1], (0, E_PAD - E), constant_values=N)
    src_t = src
    dst_t = dst.reshape(NALLOC, EC)
    ones16 = jnp.ones((EC, 16), f32)
    zeros16 = jnp.zeros((NP, 16), f32)
    w2p = jnp.pad(W2, ((0, 0), (0, D2 - N_CLS)))
    b1r = b1.reshape(1, D_HID)
    b2r = jnp.pad(b2, (0, D2 - N_CLS)).reshape(1, D2)

    degp = _deg_kernel(dst_t, ones16, zeros16)

    hs1, dinv = pl.pallas_call(
        _tc_stage1,
        out_shape=[
            jax.ShapeDtypeStruct((NP, D_HID), f32),
            jax.ShapeDtypeStruct((NP, 16), f32),
        ],
    )(feats_p, W1, degp)

    p1 = _edge_kernel16(hs1, src_t, dst_t, zeros16)

    h1s = pl.pallas_call(
        _tc_stage2,
        out_shape=jax.ShapeDtypeStruct((NP, D_HID), f32),
    )(p1, dinv, b1r)

    p2 = _edge_kernel16(h1s, src_t, dst_t, zeros16)

    out = pl.pallas_call(
        _tc_stage3,
        out_shape=jax.ShapeDtypeStruct((N, D2), f32),
    )(p2, dinv, w2p, b2r)

    return out[:, :N_CLS]

# --- scband reference (transcript-rebuilt; emitter-appended) ---
"""Pipeline reference for scband-gcn-83580063580461 (READ-ONLY COPY).

The authoritative reference and input builder live on the scoring server;
editing this copy changes nothing except your own understanding.
"""

import jax, jax.numpy as jnp
import numpy as np

N = 10000
E = 320000
D_IN = 128
D_HID = 16
N_CLS = 41


def gcn_conv(x, edge_index, W, b):
    # GCNConv with added self-loops and symmetric normalization:
    # out = D^{-1/2} (A + I) D^{-1/2} X W + b
    n = x.shape[0]
    loops = jnp.arange(n, dtype=edge_index.dtype)
    src = jnp.concatenate([edge_index[0], loops])
    dst = jnp.concatenate([edge_index[1], loops])
    deg = jnp.zeros((n,), x.dtype).at[dst].add(jnp.ones((src.shape[0],), x.dtype))
    dinv = jax.lax.rsqrt(jnp.maximum(deg, 1.0))
    h = x @ W  # dense transform first (small out dim)
    norm = dinv[src] * dinv[dst]
    msg = h[src] * norm[:, None]  # gather
    out = jnp.zeros((n, W.shape[1]), x.dtype).at[dst].add(msg)  # scatter-add
    return out + b


def setup_inputs(seed: int = 0) -> dict:
    key = jax.random.key(seed)
    k1, k2, k3, k4 = jax.random.split(key, 4)
    feats = jax.random.normal(k1, (N, D_IN), dtype=jnp.float32)
    edge_index = jax.random.randint(k2, (2, E), 0, N, dtype=jnp.int32)
    W1 = jax.random.normal(k3, (D_IN, D_HID), dtype=jnp.float32) * (1.0 / np.sqrt(D_IN))
    b1 = jnp.zeros((D_HID,), dtype=jnp.float32)
    W2 = jax.random.normal(k4, (D_HID, N_CLS), dtype=jnp.float32) * (1.0 / np.sqrt(D_HID))
    b2 = jnp.zeros((N_CLS,), dtype=jnp.float32)
    return {"feats": feats, "edge_index": edge_index, "W1": W1, "b1": b1, "W2": W2, "b2": b2}


def reference(feats, edge_index, W1, b1, W2, b2):
    h = jax.nn.relu(gcn_conv(feats, edge_index, W1, b1))
    h = gcn_conv(h, edge_index, W2, b2)
    return h

if __name__ == "__main__":
    import jax
    _d = setup_inputs()
    print(jax.jit(kernel)(*tuple(_d.values())))

</pallas_src>

<mosaic_0001>
#map = affine_map<(d0, d1) -> (0, 0)>
#map1 = affine_map<(d0, d1) -> (0)>
#map2 = affine_map<(d0, d1) -> (0, 0, 0)>
module attributes {stable_mosaic.version = 14 : i64} {
  func.func @edge_kernel(%arg0: i32, %arg1: i32, %arg2: memref<10112x16xf32, #tpu.memory_space<hbm>>, %arg3: memref<344064xi32, #tpu.memory_space<hbm>>, %arg4: memref<2688x128xi32, #tpu.memory_space<hbm>>, %arg5: memref<10112x16xf32, #tpu.memory_space<hbm>>, %arg6: memref<2x10112x16xf32, #tpu.memory_space<hbm>>, %arg7: memref<16384xi32, #tpu.memory_space<vmem>>, %arg8: memref<128x128xi32, #tpu.memory_space<vmem>>, %arg9: memref<512x16xf32, #tpu.memory_space<vmem>>, %arg10: memref<512x16xf32, #tpu.memory_space<vmem>>, %arg11: memref<10112x16xf32, #tpu.memory_space<vmem_shared>>, %arg12: memref<!tpu.dma_semaphore, #tpu.memory_space<semaphore_mem>>, %arg13: memref<!tpu.dma_semaphore, #tpu.memory_space<semaphore_mem>>) attributes {dimension_semantics = [#tpu.dimension_semantics<core_parallel>, #tpu.dimension_semantics<subcore_parallel>], iteration_bounds = array<i64: 2, 16>, scalar_prefetch = 0 : i64, scratch_operands = 7 : i64, tpu.core_type = #tpu.core_type<sc_vector_subcore>, window_params = [{transform_indices = #map}, {transform_indices = #map1}, {transform_indices = #map}, {transform_indices = #map}, {transform_indices = #map2}]} {
    %mul3A = arith.constant 632 : i32
    %mul3A_0 = arith.muli %arg1, %mul3A : i32
    %eq3A = arith.constant 0 : i32
    %eq3A_1 = arith.cmpi eq, %arg0, %eq3A : i32
    %mul3A_2 = arith.constant 128 : i32
    %mul3A_3 = arith.muli %arg1, %mul3A_2 : i32
    %mul3A_4 = arith.constant 32 : i32
    %mul3A_5 = arith.muli %arg1, %mul3A_4 : i32
    %add3A = arith.constant 2048 : i32
    %add3A_6 = arith.addi %add3A, %mul3A_5 : i32
    %select_n3A = arith.select %eq3A_1, %mul3A_3, %add3A_6 : i32
    %eq3A_7 = arith.constant 0 : i32
    %eq3A_8 = arith.cmpi eq, %arg0, %eq3A_7 : i32
    %jit3A = arith.constant 16 : i32
    %jit3A_9 = arith.constant 4 : i32
    %select_n3A_10 = arith.select %eq3A_8, %jit3A, %jit3A_9 : i32
    %mul3A_11 = arith.constant 2 : i32
    %mul3A_12 = arith.muli %mul3A_11, %select_n3A_10 : i32
    %eq3A_13 = arith.constant 0 : i32
    %eq3A_14 = arith.cmpi eq, %arg0, %eq3A_13 : i32
    %convert_element_type3A = arith.extui %eq3A_14 : i1 to i32
    %cond3A = arith.constant 0 : i32
    %cond3A_15 = arith.cmpi ne, %convert_element_type3A, %cond3A : i32
    scf.if %cond3A_15 {
      "tpu.region"() ({
        %run_scoped3A = tpu.sem_alloc : memref<!tpu.dma_semaphore, #tpu.memory_space<semaphore_mem>>
        %dma_start3A_75 = arith.constant 0 : i32
        %dma_start3A_76 = tpu.memref_slice %arg11[%mul3A_0, %dma_start3A_75] : memref<10112x16xf32, #tpu.memory_space<vmem_shared>> -> memref<632x16xf32, #tpu.memory_space<vmem_shared>>
        %dma_start3A_77 = arith.constant 0 : i32
        %dma_start3A_78 = tpu.memref_slice %arg2[%mul3A_0, %dma_start3A_77] : memref<10112x16xf32, #tpu.memory_space<hbm>> -> memref<632x16xf32, #tpu.memory_space<hbm>>
        tpu.enqueue_dma source(%dma_start3A_78 : memref<632x16xf32, #tpu.memory_space<hbm>>) target(%dma_start3A_76 : memref<632x16xf32, #tpu.memory_space<vmem_shared>>) target_semaphore(%run_scoped3A : memref<!tpu.dma_semaphore, #tpu.memory_space<semaphore_mem>>)
        %dma_wait3A_79 = arith.constant 0 : i32
        %dma_wait3A_80 = tpu.memref_slice %arg11[%mul3A_0, %dma_wait3A_79] : memref<10112x16xf32, #tpu.memory_space<vmem_shared>> -> memref<632x16xf32, #tpu.memory_space<vmem_shared>>
        %dma_wait3A_81 = arith.constant 0 : i32
        %dma_wait3A_82 = tpu.memref_slice %arg2[%mul3A_0, %dma_wait3A_81] : memref<10112x16xf32, #tpu.memory_space<hbm>> -> memref<632x16xf32, #tpu.memory_space<hbm>>
        tpu.wait_dma2 semaphore(%run_scoped3A : memref<!tpu.dma_semaphore, #tpu.memory_space<semaphore_mem>>) src(%dma_wait3A_82 : memref<632x16xf32, #tpu.memory_space<hbm>>) dst(%dma_wait3A_80 : memref<632x16xf32, #tpu.memory_space<vmem_shared>>)
        tpu.yield
      }) : () -> ()
    } else {
    }
    %ne3A = arith.constant 0 : i32
    %ne3A_16 = arith.cmpi ne, %arg0, %ne3A : i32
    %convert_element_type3A_17 = arith.extui %ne3A_16 : i1 to i32
    %cond3A_18 = arith.constant 0 : i32
    %cond3A_19 = arith.cmpi ne, %convert_element_type3A_17, %cond3A_18 : i32
    scf.if %cond3A_19 {
      "tpu.region"() ({
        %run_scoped3A = tpu.sem_alloc : memref<!tpu.dma_semaphore, #tpu.memory_space<semaphore_mem>>
        %dma_start3A_75 = arith.constant 0 : i32
        %dma_start3A_76 = tpu.memref_slice %arg11[%mul3A_0, %dma_start3A_75] : memref<10112x16xf32, #tpu.memory_space<vmem_shared>> -> memref<632x16xf32, #tpu.memory_space<vmem_shared>>
        %dma_start3A_77 = arith.constant 0 : i32
        %dma_start3A_78 = tpu.memref_slice %arg5[%mul3A_0, %dma_start3A_77] : memref<10112x16xf32, #tpu.memory_space<hbm>> -> memref<632x16xf32, #tpu.memory_space<hbm>>
        tpu.enqueue_dma source(%dma_start3A_78 : memref<632x16xf32, #tpu.memory_space<hbm>>) target(%dma_start3A_76 : memref<632x16xf32, #tpu.memory_space<vmem_shared>>) target_semaphore(%run_scoped3A : memref<!tpu.dma_semaphore, #tpu.memory_space<semaphore_mem>>)
        %dma_wait3A_79 = arith.constant 0 : i32
        %dma_wait3A_80 = tpu.memref_slice %arg11[%mul3A_0, %dma_wait3A_79] : memref<10112x16xf32, #tpu.memory_space<vmem_shared>> -> memref<632x16xf32, #tpu.memory_space<vmem_shared>>
        %dma_wait3A_81 = arith.constant 0 : i32
        %dma_wait3A_82 = tpu.memref_slice %arg5[%mul3A_0, %dma_wait3A_81] : memref<10112x16xf32, #tpu.memory_space<hbm>> -> memref<632x16xf32, #tpu.memory_space<hbm>>
        tpu.wait_dma2 semaphore(%run_scoped3A : memref<!tpu.dma_semaphore, #tpu.memory_space<semaphore_mem>>) src(%dma_wait3A_82 : memref<632x16xf32, #tpu.memory_space<hbm>>) dst(%dma_wait3A_80 : memref<632x16xf32, #tpu.memory_space<vmem_shared>>)
        tpu.yield
      }) : () -> ()
    } else {
    }
    %mul3A_20 = arith.constant 128 : i32
    %mul3A_21 = arith.muli %select_n3A, %mul3A_20 : i32
    "tpu.region"() ({
      %run_scoped3A = tpu.sem_alloc : memref<!tpu.dma_semaphore, #tpu.memory_space<semaphore_mem>>
      %dma_start3A_75 = tpu.memref_slice %arg3[%mul3A_21] : memref<344064xi32, #tpu.memory_space<hbm>> -> memref<16384xi32, #tpu.memory_space<hbm>>
      %dma_start3A_76 = tpu.memref_slice %arg3[%mul3A_21] : memref<344064xi32, #tpu.memory_space<hbm>> -> memref<16384xi32, #tpu.memory_space<hbm>>
      tpu.enqueue_dma source(%dma_start3A_76 : memref<16384xi32, #tpu.memory_space<hbm>>) target(%arg7 : memref<16384xi32, #tpu.memory_space<vmem>>) target_semaphore(%run_scoped3A : memref<!tpu.dma_semaphore, #tpu.memory_space<semaphore_mem>>)
      %dma_wait3A_77 = tpu.memref_slice %arg3[%mul3A_21] : memref<344064xi32, #tpu.memory_space<hbm>> -> memref<16384xi32, #tpu.memory_space<hbm>>
      %dma_wait3A_78 = tpu.memref_slice %arg3[%mul3A_21] : memref<344064xi32, #tpu.memory_space<hbm>> -> memref<16384xi32, #tpu.memory_space<hbm>>
      tpu.wait_dma2 semaphore(%run_scoped3A : memref<!tpu.dma_semaphore, #tpu.memory_space<semaphore_mem>>) src(%dma_wait3A_78 : memref<16384xi32, #tpu.memory_space<hbm>>) dst(%arg7 : memref<16384xi32, #tpu.memory_space<vmem>>)
      tpu.yield
    }) : () -> ()
    "tpu.region"() ({
      %run_scoped3A = tpu.sem_alloc : memref<!tpu.dma_semaphore, #tpu.memory_space<semaphore_mem>>
      %dma_start3A_75 = arith.constant 0 : i32
      %dma_start3A_76 = tpu.memref_slice %arg4[%select_n3A, %dma_start3A_75] : memref<2688x128xi32, #tpu.memory_space<hbm>> -> memref<128x128xi32, #tpu.memory_space<hbm>>
      %dma_start3A_77 = arith.constant 0 : i32
      %dma_start3A_78 = tpu.memref_slice %arg4[%select_n3A, %dma_start3A_77] : memref<2688x128xi32, #tpu.memory_space<hbm>> -> memref<128x128xi32, #tpu.memory_space<hbm>>
      tpu.enqueue_dma source(%dma_start3A_78 : memref<128x128xi32, #tpu.memory_space<hbm>>) target(%arg8 : memref<128x128xi32, #tpu.memory_space<vmem>>) target_semaphore(%run_scoped3A : memref<!tpu.dma_semaphore, #tpu.memory_space<semaphore_mem>>)
      %dma_wait3A_79 = arith.constant 0 : i32
      %dma_wait3A_80 = tpu.memref_slice %arg4[%select_n3A, %dma_wait3A_79] : memref<2688x128xi32, #tpu.memory_space<hbm>> -> memref<128x128xi32, #tpu.memory_space<hbm>>
      %dma_wait3A_81 = arith.constant 0 : i32
      %dma_wait3A_82 = tpu.memref_slice %arg4[%select_n3A, %dma_wait3A_81] : memref<2688x128xi32, #tpu.memory_space<hbm>> -> memref<128x128xi32, #tpu.memory_space<hbm>>
      tpu.wait_dma2 semaphore(%run_scoped3A : memref<!tpu.dma_semaphore, #tpu.memory_space<semaphore_mem>>) src(%dma_wait3A_82 : memref<128x128xi32, #tpu.memory_space<hbm>>) dst(%arg8 : memref<128x128xi32, #tpu.memory_space<vmem>>)
      tpu.yield
    }) : () -> ()
    %barrier3A = arith.constant 0 : index
    tpu.barrier barrier_id(%barrier3A)
    %dma_start3A = arith.constant 0 : i32
    %dma_start3A_22 = tpu.memref_slice %arg7[%dma_start3A] : memref<16384xi32, #tpu.memory_space<vmem>> -> memref<512xi32, #tpu.memory_space<vmem>>
    %dma_start3A_23 = arith.constant 0 : i32
    %dma_start3A_24 = arith.constant 0 : i32
    %dma_start3A_25 = tpu.memref_slice %arg2[%dma_start3A_23, %dma_start3A_24] : memref<10112x16xf32, #tpu.memory_space<hbm>> -> memref<10112x16xf32, #tpu.memory_space<hbm>>
    tpu.enqueue_indirect_dma source(%dma_start3A_25 : memref<10112x16xf32, #tpu.memory_space<hbm>>) target(%arg9 : memref<512x16xf32, #tpu.memory_space<vmem>>) offsets(%dma_start3A_22 : memref<512xi32, #tpu.memory_space<vmem>>) semaphore(%arg12 : memref<!tpu.dma_semaphore, #tpu.memory_space<semaphore_mem>>)
    %while3A = arith.constant 0 : i32
    %while3A_26 = arith.constant 0 : i32
    %while3A_27 = arith.subi %select_n3A_10, %while3A_26 : i32
    %while3A_28 = arith.addi %while3A_26, %while3A_27 : i32
    %while3A_29 = arith.constant 1 : i32
    %while3A_30 = arith.divsi %while3A_27, %while3A_29 : i32
    %while3A_31 = arith.muli %while3A_30, %while3A_29 : i32
    %while3A_32 = arith.addi %while3A_26, %while3A_31 : i32
    %while3A_33 = arith.constant 1 : i32
    scf.for %while3A_75 = %while3A_26 to %while3A_32 step %while3A_33  : i32 {
      %mul3A_76 = arith.constant 2 : i32
      %mul3A_77 = arith.muli %mul3A_76, %while3A_75 : i32
      %add3A_78 = arith.constant 0 : i32
      %add3A_79 = arith.addi %mul3A_77, %add3A_78 : i32
      %ge3A = arith.constant 1 : i32
      %ge3A_80 = arith.cmpi sge, %add3A_79, %ge3A : i32
      %convert_element_type3A_81 = arith.extui %ge3A_80 : i1 to i32
      %cond3A_82 = arith.constant 0 : i32
      %cond3A_83 = arith.cmpi ne, %convert_element_type3A_81, %cond3A_82 : i32
      scf.if %cond3A_83 {
        %dma_wait3A_218 = arith.constant 0 : i32
        %dma_wait3A_219 = arith.constant 0 : i32
        %dma_wait3A_220 = arith.constant 0 : i32
        %dma_wait3A_221 = tpu.memref_slice %arg10[%dma_wait3A_219, %dma_wait3A_220] : memref<512x16xf32, #tpu.memory_space<vmem>> -> memref<128x16xf32, #tpu.memory_space<vmem>>
        %dma_wait3A_222 = arith.constant 0 : i32
        %dma_wait3A_223 = tpu.memref_slice %arg8[%dma_wait3A_218, %dma_wait3A_222] : memref<128x128xi32, #tpu.memory_space<vmem>> -> memref<1x128xi32, #tpu.memory_space<vmem>>
        %dma_wait3A_224 = tpu.memref_squeeze %dma_wait3A_223 : memref<1x128xi32, #tpu.memory_space<vmem>> -> memref<128xi32, #tpu.memory_space<vmem>>
        %dma_wait3A_225 = arith.constant 0 : i32
        %dma_wait3A_226 = arith.constant 0 : i32
        %dma_wait3A_227 = tpu.memref_slice %arg11[%dma_wait3A_225, %dma_wait3A_226] : memref<10112x16xf32, #tpu.memory_space<vmem_shared>> -> memref<10112x16xf32, #tpu.memory_space<vmem_shared>>
        tpu.wait_indirect_dma semaphore(%arg13 : memref<!tpu.dma_semaphore, #tpu.memory_space<semaphore_mem>>) src(%dma_wait3A_221 : memref<128x16xf32, #tpu.memory_space<vmem>>) dst(%dma_wait3A_227 : memref<10112x16xf32, #tpu.memory_space<vmem_shared>>)
        %dma_wait3A_228 = arith.constant 0 : i32
        %dma_wait3A_229 = arith.constant 128 : i32
        %dma_wait3A_230 = arith.constant 0 : i32
        %dma_wait3A_231 = tpu.memref_slice %arg10[%dma_wait3A_229, %dma_wait3A_230] : memref<512x16xf32, #tpu.memory_space<vmem>> -> memref<128x16xf32, #tpu.memory_space<vmem>>
        %dma_wait3A_232 = arith.constant 0 : i32
        %dma_wait3A_233 = tpu.memref_slice %arg8[%dma_wait3A_228, %dma_wait3A_232] : memref<128x128xi32, #tpu.memory_space<vmem>> -> memref<1x128xi32, #tpu.memory_space<vmem>>
        %dma_wait3A_234 = tpu.memref_squeeze %dma_wait3A_233 : memref<1x128xi32, #tpu.memory_space<vmem>> -> memref<128xi32, #tpu.memory_space<vmem>>
        %dma_wait3A_235 = arith.constant 0 : i32
        %dma_wait3A_236 = arith.constant 0 : i32
        %dma_wait3A_237 = tpu.memref_slice %arg11[%dma_wait3A_235, %dma_wait3A_236] : memref<10112x16xf32, #tpu.memory_space<vmem_shared>> -> memref<10112x16xf32, #tpu.memory_space<vmem_shared>>
        tpu.wait_indirect_dma semaphore(%arg13 : memref<!tpu.dma_semaphore, #tpu.memory_space<semaphore_mem>>) src(%dma_wait3A_231 : memref<128x16xf32, #tpu.memory_space<vmem>>) dst(%dma_wait3A_237 : memref<10112x16xf32, #tpu.memory_space<vmem_shared>>)
        %dma_wait3A_238 = arith.constant 0 : i32
        %dma_wait3A_239 = arith.constant 256 : i32
        %dma_wait3A_240 = arith.constant 0 : i32
        %dma_wait3A_241 = tpu.memref_slice %arg10[%dma_wait3A_239, %dma_wait3A_240] : memref<512x16xf32, #tpu.memory_space<vmem>> -> memref<128x16xf32, #tpu.memory_space<vmem>>
        %dma_wait3A_242 = arith.constant 0 : i32
        %dma_wait3A_243 = tpu.memref_slice %arg8[%dma_wait3A_238, %dma_wait3A_242] : memref<128x128xi32, #tpu.memory_space<vmem>> -> memref<1x128xi32, #tpu.memory_space<vmem>>
        %dma_wait3A_244 = tpu.memref_squeeze %dma_wait3A_243 : memref<1x128xi32, #tpu.memory_space<vmem>> -> memref<128xi32, #tpu.memory_space<vmem>>
        %dma_wait3A_245 = arith.constant 0 : i32
        %dma_wait3A_246 = arith.constant 0 : i32
        %dma_wait3A_247 = tpu.memref_slice %arg11[%dma_wait3A_245, %dma_wait3A_246] : memref<10112x16xf32, #tpu.memory_space<vmem_shared>> -> memref<10112x16xf32, #tpu.memory_space<vmem_shared>>
        tpu.wait_indirect_dma semaphore(%arg13 : memref<!tpu.dma_semaphore, #tpu.memory_space<semaphore_mem>>) src(%dma_wait3A_241 : memref<128x16xf32, #tpu.memory_space<vmem>>) dst(%dma_wait3A_247 : memref<10112x16xf32, #tpu.memory_space<vmem_shared>>)
        %dma_wait3A_248 = arith.constant 0 : i32
        %dma_wait3A_249 = arith.constant 384 : i32
        %dma_wait3A_250 = arith.constant 0 : i32
        %dma_wait3A_251 = tpu.memref_slice %arg10[%dma_wait3A_249, %dma_wait3A_250] : memref<512x16xf32, #tpu.memory_space<vmem>> -> memref<128x16xf32, #tpu.memory_space<vmem>>
        %dma_wait3A_252 = arith.constant 0 : i32
        %dma_wait3A_253 = tpu.memref_slice %arg8[%dma_wait3A_248, %dma_wait3A_252] : memref<128x128xi32, #tpu.memory_space<vmem>> -> memref<1x128xi32, #tpu.memory_space<vmem>>
        %dma_wait3A_254 = tpu.memref_squeeze %dma_wait3A_253 : memref<1x128xi32, #tpu.memory_space<vmem>> -> memref<128xi32, #tpu.memory_space<vmem>>
        %dma_wait3A_255 = arith.constant 0 : i32
        %dma_wait3A_256 = arith.constant 0 : i32
        %dma_wait3A_257 = tpu.memref_slice %arg11[%dma_wait3A_255, %dma_wait3A_256] : memref<10112x16xf32, #tpu.memory_space<vmem_shared>> -> memref<10112x16xf32, #tpu.memory_space<vmem_shared>>
        tpu.wait_indirect_dma semaphore(%arg13 : memref<!tpu.dma_semaphore, #tpu.memory_space<semaphore_mem>>) src(%dma_wait3A_251 : memref<128x16xf32, #tpu.memory_space<vmem>>) dst(%dma_wait3A_257 : memref<10112x16xf32, #tpu.memory_space<vmem_shared>>)
      } else {
      }
      %dma_wait3A_84 = arith.constant 0 : i32
      %dma_wait3A_85 = tpu.memref_slice %arg7[%dma_wait3A_84] : memref<16384xi32, #tpu.memory_space<vmem>> -> memref<512xi32, #tpu.memory_space<vmem>>
      %dma_wait3A_86 = arith.constant 0 : i32
      %dma_wait3A_87 = arith.constant 0 : i32
      %dma_wait3A_88 = tpu.memref_slice %arg2[%dma_wait3A_86, %dma_wait3A_87] : memref<10112x16xf32, #tpu.memory_space<hbm>> -> memref<10112x16xf32, #tpu.memory_space<hbm>>
      tpu.wait_indirect_dma semaphore(%arg12 : memref<!tpu.dma_semaphore, #tpu.memory_space<semaphore_mem>>) src(%dma_wait3A_88 : memref<10112x16xf32, #tpu.memory_space<hbm>>) dst(%arg9 : memref<512x16xf32, #tpu.memory_space<vmem>>)
      %add3A_89 = arith.constant 1 : i32
      %add3A_90 = arith.addi %add3A_79, %add3A_89 : i32
      %lt3A = arith.cmpi slt, %add3A_90, %mul3A_12 : i32
      %convert_element_type3A_91 = arith.extui %lt3A : i1 to i32
      %cond3A_92 = arith.constant 0 : i32
      %cond3A_93 = arith.cmpi ne, %convert_element_type3A_91, %cond3A_92 : i32
      scf.if %cond3A_93 {
        %add3A_218 = arith.constant 1 : i32
        %add3A_219 = arith.addi %add3A_79, %add3A_218 : i32
        %mul3A_220 = arith.constant 512 : i32
        %mul3A_221 = arith.muli %add3A_219, %mul3A_220 : i32
        %dma_start3A_222 = tpu.memref_slice %arg7[%mul3A_221] : memref<16384xi32, #tpu.memory_space<vmem>> -> memref<512xi32, #tpu.memory_space<vmem>>
        %dma_start3A_223 = arith.constant 0 : i32
        %dma_start3A_224 = arith.constant 0 : i32
        %dma_start3A_225 = tpu.memref_slice %arg2[%dma_start3A_223, %dma_start3A_224] : memref<10112x16xf32, #tpu.memory_space<hbm>> -> memref<10112x16xf32, #tpu.memory_space<hbm>>
        tpu.enqueue_indirect_dma source(%dma_start3A_225 : memref<10112x16xf32, #tpu.memory_space<hbm>>) target(%arg10 : memref<512x16xf32, #tpu.memory_space<vmem>>) offsets(%dma_start3A_222 : memref<512xi32, #tpu.memory_space<vmem>>) semaphore(%arg12 : memref<!tpu.dma_semaphore, #tpu.memory_space<semaphore_mem>>)
      } else {
      }
      %mul3A_94 = arith.constant 4 : i32
      %mul3A_95 = arith.muli %add3A_79, %mul3A_94 : i32
      %add3A_96 = arith.constant 0 : i32
      %add3A_97 = arith.addi %mul3A_95, %add3A_96 : i32
      %dma_start3A_98 = arith.constant 0 : i32
      %dma_start3A_99 = arith.constant 0 : i32
      %dma_start3A_100 = tpu.memref_slice %arg9[%dma_start3A_98, %dma_start3A_99] : memref<512x16xf32, #tpu.memory_space<vmem>> -> memref<128x16xf32, #tpu.memory_space<vmem>>
      %dma_start3A_101 = arith.constant 0 : i32
      %dma_start3A_102 = tpu.memref_slice %arg8[%add3A_97, %dma_start3A_101] : memref<128x128xi32, #tpu.memory_space<vmem>> -> memref<1x128xi32, #tpu.memory_space<vmem>>
      %dma_start3A_103 = tpu.memref_squeeze %dma_start3A_102 : memref<1x128xi32, #tpu.memory_space<vmem>> -> memref<128xi32, #tpu.memory_space<vmem>>
      %dma_start3A_104 = arith.constant 0 : i32
      %dma_start3A_105 = arith.constant 0 : i32
      %dma_start3A_106 = tpu.memref_slice %arg11[%dma_start3A_104, %dma_start3A_105] : memref<10112x16xf32, #tpu.memory_space<vmem_shared>> -> memref<10112x16xf32, #tpu.memory_space<vmem_shared>>
      tpu.enqueue_indirect_dma source(%dma_start3A_100 : memref<128x16xf32, #tpu.memory_space<vmem>>) target(%dma_start3A_106 : memref<10112x16xf32, #tpu.memory_space<vmem_shared>>) offsets(%dma_start3A_103 : memref<128xi32, #tpu.memory_space<vmem>>) semaphore(%arg13 : memref<!tpu.dma_semaphore, #tpu.memory_space<semaphore_mem>>) {add = true}
      %mul3A_107 = arith.constant 4 : i32
      %mul3A_108 = arith.muli %add3A_79, %mul3A_107 : i32
      %add3A_109 = arith.constant 1 : i32
      %add3A_110 = arith.addi %mul3A_108, %add3A_109 : i32
      %dma_start3A_111 = arith.constant 128 : i32
      %dma_start3A_112 = arith.constant 0 : i32
      %dma_start3A_113 = tpu.memref_slice %arg9[%dma_start3A_111, %dma_start3A_112] : memref<512x16xf32, #tpu.memory_space<vmem>> -> memref<128x16xf32, #tpu.memory_space<vmem>>
      %dma_start3A_114 = arith.constant 0 : i32
      %dma_start3A_115 = tpu.memref_slice %arg8[%add3A_110, %dma_start3A_114] : memref<128x128xi32, #tpu.memory_space<vmem>> -> memref<1x128xi32, #tpu.memory_space<vmem>>
      %dma_start3A_116 = tpu.memref_squeeze %dma_start3A_115 : memref<1x128xi32, #tpu.memory_space<vmem>> -> memref<128xi32, #tpu.memory_space<vmem>>
      %dma_start3A_117 = arith.constant 0 : i32
      %dma_start3A_118 = arith.constant 0 : i32
      %dma_start3A_119 = tpu.memref_slice %arg11[%dma_start3A_117, %dma_start3A_118] : memref<10112x16xf32, #tpu.memory_space<vmem_shared>> -> memref<10112x16xf32, #tpu.memory_space<vmem_shared>>
      tpu.enqueue_indirect_dma source(%dma_start3A_113 : memref<128x16xf32, #tpu.memory_space<vmem>>) target(%dma_start3A_119 : memref<10112x16xf32, #tpu.memory_space<vmem_shared>>) offsets(%dma_start3A_116 : memref<128xi32, #tpu.memory_space<vmem>>) semaphore(%arg13 : memref<!tpu.dma_semaphore, #tpu.memory_space<semaphore_mem>>) {add = true}
      %mul3A_120 = arith.constant 4 : i32
      %mul3A_121 = arith.muli %add3A_79, %mul3A_120 : i32
      %add3A_122 = arith.constant 2 : i32
      %add3A_123 = arith.addi %mul3A_121, %add3A_122 : i32
      %dma_start3A_124 = arith.constant 256 : i32
      %dma_start3A_125 = arith.constant 0 : i32
      %dma_start3A_126 = tpu.memref_slice %arg9[%dma_start3A_124, %dma_start3A_125] : memref<512x16xf32, #tpu.memory_space<vmem>> -> memref<128x16xf32, #tpu.memory_space<vmem>>
      %dma_start3A_127 = arith.constant 0 : i32
      %dma_start3A_128 = tpu.memref_slice %arg8[%add3A_123, %dma_start3A_127] : memref<128x128xi32, #tpu.memory_space<vmem>> -> memref<1x128xi32, #tpu.memory_space<vmem>>
      %dma_start3A_129 = tpu.memref_squeeze %dma_start3A_128 : memref<1x128xi32, #tpu.memory_space<vmem>> -> memref<128xi32, #tpu.memory_space<vmem>>
      %dma_start3A_130 = arith.constant 0 : i32
      %dma_start3A_131 = arith.constant 0 : i32
      %dma_start3A_132 = tpu.memref_slice %arg11[%dma_start3A_130, %dma_start3A_131] : memref<10112x16xf32, #tpu.memory_space<vmem_shared>> -> memref<10112x16xf32, #tpu.memory_space<vmem_shared>>
      tpu.enqueue_indirect_dma source(%dma_start3A_126 : memref<128x16xf32, #tpu.memory_space<vmem>>) target(%dma_start3A_132 : memref<10112x16xf32, #tpu.memory_space<vmem_shared>>) offsets(%dma_start3A_129 : memref<128xi32, #tpu.memory_space<vmem>>) semaphore(%arg13 : memref<!tpu.dma_semaphore, #tpu.memory_space<semaphore_mem>>) {add = true}
      %mul3A_133 = arith.constant 4 : i32
      %mul3A_134 = arith.muli %add3A_79, %mul3A_133 : i32
      %add3A_135 = arith.constant 3 : i32
      %add3A_136 = arith.addi %mul3A_134, %add3A_135 : i32
      %dma_start3A_137 = arith.constant 384 : i32
      %dma_start3A_138 = arith.constant 0 : i32
      %dma_start3A_139 = tpu.memref_slice %arg9[%dma_start3A_137, %dma_start3A_138] : memref<512x16xf32, #tpu.memory_space<vmem>> -> memref<128x16xf32, #tpu.memory_space<vmem>>
      %dma_start3A_140 = arith.constant 0 : i32
      %dma_start3A_141 = tpu.memref_slice %arg8[%add3A_136, %dma_start3A_140] : memref<128x128xi32, #tpu.memory_space<vmem>> -> memref<1x128xi32, #tpu.memory_space<vmem>>
      %dma_start3A_142 = tpu.memref_squeeze %dma_start3A_141 : memref<1x128xi32, #tpu.memory_space<vmem>> -> memref<128xi32, #tpu.memory_space<vmem>>
      %dma_start3A_143 = arith.constant 0 : i32
      %dma_start3A_144 = arith.constant 0 : i32
      %dma_start3A_145 = tpu.memref_slice %arg11[%dma_start3A_143, %dma_start3A_144] : memref<10112x16xf32, #tpu.memory_space<vmem_shared>> -> memref<10112x16xf32, #tpu.memory_space<vmem_shared>>
      tpu.enqueue_indirect_dma source(%dma_start3A_139 : memref<128x16xf32, #tpu.memory_space<vmem>>) target(%dma_start3A_145 : memref<10112x16xf32, #tpu.memory_space<vmem_shared>>) offsets(%dma_start3A_142 : memref<128xi32, #tpu.memory_space<vmem>>) semaphore(%arg13 : memref<!tpu.dma_semaphore, #tpu.memory_space<semaphore_mem>>) {add = true}
      %mul3A_146 = arith.constant 2 : i32
      %mul3A_147 = arith.muli %mul3A_146, %while3A_75 : i32
      %add3A_148 = arith.constant 1 : i32
      %add3A_149 = arith.addi %mul3A_147, %add3A_148 : i32
      %ge3A_150 = arith.constant 1 : i32
      %ge3A_151 = arith.cmpi sge, %add3A_149, %ge3A_150 : i32
      %convert_element_type3A_152 = arith.extui %ge3A_151 : i1 to i32
      %cond3A_153 = arith.constant 0 : i32
      %cond3A_154 = arith.cmpi ne, %convert_element_type3A_152, %cond3A_153 : i32
      scf.if %cond3A_154 {
        %dma_wait3A_218 = arith.constant 0 : i32
        %dma_wait3A_219 = arith.constant 0 : i32
        %dma_wait3A_220 = arith.constant 0 : i32
        %dma_wait3A_221 = tpu.memref_slice %arg9[%dma_wait3A_219, %dma_wait3A_220] : memref<512x16xf32, #tpu.memory_space<vmem>> -> memref<128x16xf32, #tpu.memory_space<vmem>>
        %dma_wait3A_222 = arith.constant 0 : i32
        %dma_wait3A_223 = tpu.memref_slice %arg8[%dma_wait3A_218, %dma_wait3A_222] : memref<128x128xi32, #tpu.memory_space<vmem>> -> memref<1x128xi32, #tpu.memory_space<vmem>>
        %dma_wait3A_224 = tpu.memref_squeeze %dma_wait3A_223 : memref<1x128xi32, #tpu.memory_space<vmem>> -> memref<128xi32, #tpu.memory_space<vmem>>
        %dma_wait3A_225 = arith.constant 0 : i32
        %dma_wait3A_226 = arith.constant 0 : i32
        %dma_wait3A_227 = tpu.memref_slice %arg11[%dma_wait3A_225, %dma_wait3A_226] : memref<10112x16xf32, #tpu.memory_space<vmem_shared>> -> memref<10112x16xf32, #tpu.memory_space<vmem_shared>>
        tpu.wait_indirect_dma semaphore(%arg13 : memref<!tpu.dma_semaphore, #tpu.memory_space<semaphore_mem>>) src(%dma_wait3A_221 : memref<128x16xf32, #tpu.memory_space<vmem>>) dst(%dma_wait3A_227 : memref<10112x16xf32, #tpu.memory_space<vmem_shared>>)
        %dma_wait3A_228 = arith.constant 0 : i32
        %dma_wait3A_229 = arith.constant 128 : i32
        %dma_wait3A_230 = arith.constant 0 : i32
        %dma_wait3A_231 = tpu.memref_slice %arg9[%dma_wait3A_229, %dma_wait3A_230] : memref<512x16xf32, #tpu.memory_space<vmem>> -> memref<128x16xf32, #tpu.memory_space<vmem>>
        %dma_wait3A_232 = arith.constant 0 : i32
        %dma_wait3A_233 = tpu.memref_slice %arg8[%dma_wait3A_228, %dma_wait3A_232] : memref<128x128xi32, #tpu.memory_space<vmem>> -> memref<1x128xi32, #tpu.memory_space<vmem>>
        %dma_wait3A_234 = tpu.memref_squeeze %dma_wait3A_233 : memref<1x128xi32, #tpu.memory_space<vmem>> -> memref<128xi32, #tpu.memory_space<vmem>>
        %dma_wait3A_235 = arith.constant 0 : i32
        %dma_wait3A_236 = arith.constant 0 : i32
        %dma_wait3A_237 = tpu.memref_slice %arg11[%dma_wait3A_235, %dma_wait3A_236] : memref<10112x16xf32, #tpu.memory_space<vmem_shared>> -> memref<10112x16xf32, #tpu.memory_space<vmem_shared>>
        tpu.wait_indirect_dma semaphore(%arg13 : memref<!tpu.dma_semaphore, #tpu.memory_space<semaphore_mem>>) src(%dma_wait3A_231 : memref<128x16xf32, #tpu.memory_space<vmem>>) dst(%dma_wait3A_237 : memref<10112x16xf32, #tpu.memory_space<vmem_shared>>)
        %dma_wait3A_238 = arith.constant 0 : i32
        %dma_wait3A_239 = arith.constant 256 : i32
        %dma_wait3A_240 = arith.constant 0 : i32
        %dma_wait3A_241 = tpu.memref_slice %arg9[%dma_wait3A_239, %dma_wait3A_240] : memref<512x16xf32, #tpu.memory_space<vmem>> -> memref<128x16xf32, #tpu.memory_space<vmem>>
        %dma_wait3A_242 = arith.constant 0 : i32
        %dma_wait3A_243 = tpu.memref_slice %arg8[%dma_wait3A_238, %dma_wait3A_242] : memref<128x128xi32, #tpu.memory_space<vmem>> -> memref<1x128xi32, #tpu.memory_space<vmem>>
        %dma_wait3A_244 = tpu.memref_squeeze %dma_wait3A_243 : memref<1x128xi32, #tpu.memory_space<vmem>> -> memref<128xi32, #tpu.memory_space<vmem>>
        %dma_wait3A_245 = arith.constant 0 : i32
        %dma_wait3A_246 = arith.constant 0 : i32
        %dma_wait3A_247 = tpu.memref_slice %arg11[%dma_wait3A_245, %dma_wait3A_246] : memref<10112x16xf32, #tpu.memory_space<vmem_shared>> -> memref<10112x16xf32, #tpu.memory_space<vmem_shared>>
        tpu.wait_indirect_dma semaphore(%arg13 : memref<!tpu.dma_semaphore, #tpu.memory_space<semaphore_mem>>) src(%dma_wait3A_241 : memref<128x16xf32, #tpu.memory_space<vmem>>) dst(%dma_wait3A_247 : memref<10112x16xf32, #tpu.memory_space<vmem_shared>>)
        %dma_wait3A_248 = arith.constant 0 : i32
        %dma_wait3A_249 = arith.constant 384 : i32
        %dma_wait3A_250 = arith.constant 0 : i32
        %dma_wait3A_251 = tpu.memref_slice %arg9[%dma_wait3A_249, %dma_wait3A_250] : memref<512x16xf32, #tpu.memory_space<vmem>> -> memref<128x16xf32, #tpu.memory_space<vmem>>
        %dma_wait3A_252 = arith.constant 0 : i32
        %dma_wait3A_253 = tpu.memref_slice %arg8[%dma_wait3A_248, %dma_wait3A_252] : memref<128x128xi32, #tpu.memory_space<vmem>> -> memref<1x128xi32, #tpu.memory_space<vmem>>
        %dma_wait3A_254 = tpu.memref_squeeze %dma_wait3A_253 : memref<1x128xi32, #tpu.memory_space<vmem>> -> memref<128xi32, #tpu.memory_space<vmem>>
        %dma_wait3A_255 = arith.constant 0 : i32
        %dma_wait3A_256 = arith.constant 0 : i32
        %dma_wait3A_257 = tpu.memref_slice %arg11[%dma_wait3A_255, %dma_wait3A_256] : memref<10112x16xf32, #tpu.memory_space<vmem_shared>> -> memref<10112x16xf32, #tpu.memory_space<vmem_shared>>
        tpu.wait_indirect_dma semaphore(%arg13 : memref<!tpu.dma_semaphore, #tpu.memory_space<semaphore_mem>>) src(%dma_wait3A_251 : memref<128x16xf32, #tpu.memory_space<vmem>>) dst(%dma_wait3A_257 : memref<10112x16xf32, #tpu.memory_space<vmem_shared>>)
      } else {
      }
      %dma_wait3A_155 = arith.constant 0 : i32
      %dma_wait3A_156 = tpu.memref_slice %arg7[%dma_wait3A_155] : memref<16384xi32, #tpu.memory_space<vmem>> -> memref<512xi32, #tpu.memory_space<vmem>>
      %dma_wait3A_157 = arith.constant 0 : i32
      %dma_wait3A_158 = arith.constant 0 : i32
      %dma_wait3A_159 = tpu.memref_slice %arg2[%dma_wait3A_157, %dma_wait3A_158] : memref<10112x16xf32, #tpu.memory_space<hbm>> -> memref<10112x16xf32, #tpu.memory_space<hbm>>
      tpu.wait_indirect_dma semaphore(%arg12 : memref<!tpu.dma_semaphore, #tpu.memory_space<semaphore_mem>>) src(%dma_wait3A_159 : memref<10112x16xf32, #tpu.memory_space<hbm>>) dst(%arg10 : memref<512x16xf32, #tpu.memory_space<vmem>>)
      %add3A_160 = arith.constant 1 : i32
      %add3A_161 = arith.addi %add3A_149, %add3A_160 : i32
      %lt3A_162 = arith.cmpi slt, %add3A_161, %mul3A_12 : i32
      %convert_element_type3A_163 = arith.extui %lt3A_162 : i1 to i32
      %cond3A_164 = arith.constant 0 : i32
      %cond3A_165 = arith.cmpi ne, %convert_element_type3A_163, %cond3A_164 : i32
      scf.if %cond3A_165 {
        %add3A_218 = arith.constant 1 : i32
        %add3A_219 = arith.addi %add3A_149, %add3A_218 : i32
        %mul3A_220 = arith.constant 512 : i32
        %mul3A_221 = arith.muli %add3A_219, %mul3A_220 : i32
        %dma_start3A_222 = tpu.memref_slice %arg7[%mul3A_221] : memref<16384xi32, #tpu.memory_space<vmem>> -> memref<512xi32, #tpu.memory_space<vmem>>
        %dma_start3A_223 = arith.constant 0 : i32
        %dma_start3A_224 = arith.constant 0 : i32
        %dma_start3A_225 = tpu.memref_slice %arg2[%dma_start3A_223, %dma_start3A_224] : memref<10112x16xf32, #tpu.memory_space<hbm>> -> memref<10112x16xf32, #tpu.memory_space<hbm>>
        tpu.enqueue_indirect_dma source(%dma_start3A_225 : memref<10112x16xf32, #tpu.memory_space<hbm>>) target(%arg9 : memref<512x16xf32, #tpu.memory_space<vmem>>) offsets(%dma_start3A_222 : memref<512xi32, #tpu.memory_space<vmem>>) semaphore(%arg12 : memref<!tpu.dma_semaphore, #tpu.memory_space<semaphore_mem>>)
      } else {
      }
      %mul3A_166 = arith.constant 4 : i32
      %mul3A_167 = arith.muli %add3A_149, %mul3A_166 : i32
      %add3A_168 = arith.constant 0 : i32
      %add3A_169 = arith.addi %mul3A_167, %add3A_168 : i32
      %dma_start3A_170 = arith.constant 0 : i32
      %dma_start3A_171 = arith.constant 0 : i32
      %dma_start3A_172 = tpu.memref_slice %arg10[%dma_start3A_170, %dma_start3A_171] : memref<512x16xf32, #tpu.memory_space<vmem>> -> memref<128x16xf32, #tpu.memory_space<vmem>>
      %dma_start3A_173 = arith.constant 0 : i32
      %dma_start3A_174 = tpu.memref_slice %arg8[%add3A_169, %dma_start3A_173] : memref<128x128xi32, #tpu.memory_space<vmem>> -> memref<1x128xi32, #tpu.memory_space<vmem>>
      %dma_start3A_175 = tpu.memref_squeeze %dma_start3A_174 : memref<1x128xi32, #tpu.memory_space<vmem>> -> memref<128xi32, #tpu.memory_space<vmem>>
      %dma_start3A_176 = arith.constant 0 : i32
      %dma_start3A_177 = arith.constant 0 : i32
      %dma_start3A_178 = tpu.memref_slice %arg11[%dma_start3A_176, %dma_start3A_177] : memref<10112x16xf32, #tpu.memory_space<vmem_shared>> -> memref<10112x16xf32, #tpu.memory_space<vmem_shared>>
      tpu.enqueue_indirect_dma source(%dma_start3A_172 : memref<128x16xf32, #tpu.memory_space<vmem>>) target(%dma_start3A_178 : memref<10112x16xf32, #tpu.memory_space<vmem_shared>>) offsets(%dma_start3A_175 : memref<128xi32, #tpu.memory_space<vmem>>) semaphore(%arg13 : memref<!tpu.dma_semaphore, #tpu.memory_space<semaphore_mem>>) {add = true}
      %mul3A_179 = arith.constant 4 : i32
      %mul3A_180 = arith.muli %add3A_149, %mul3A_179 : i32
      %add3A_181 = arith.constant 1 : i32
      %add3A_182 = arith.addi %mul3A_180, %add3A_181 : i32
      %dma_start3A_183 = arith.constant 128 : i32
      %dma_start3A_184 = arith.constant 0 : i32
      %dma_start3A_185 = tpu.memref_slice %arg10[%dma_start3A_183, %dma_start3A_184] : memref<512x16xf32, #tpu.memory_space<vmem>> -> memref<128x16xf32, #tpu.memory_space<vmem>>
      %dma_start3A_186 = arith.constant 0 : i32
      %dma_start3A_187 = tpu.memref_slice %arg8[%add3A_182, %dma_start3A_186] : memref<128x128xi32, #tpu.memory_space<vmem>> -> memref<1x128xi32, #tpu.memory_space<vmem>>
      %dma_start3A_188 = tpu.memref_squeeze %dma_start3A_187 : memref<1x128xi32, #tpu.memory_space<vmem>> -> memref<128xi32, #tpu.memory_space<vmem>>
      %dma_start3A_189 = arith.constant 0 : i32
      %dma_start3A_190 = arith.constant 0 : i32
      %dma_start3A_191 = tpu.memref_slice %arg11[%dma_start3A_189, %dma_start3A_190] : memref<10112x16xf32, #tpu.memory_space<vmem_shared>> -> memref<10112x16xf32, #tpu.memory_space<vmem_shared>>
      tpu.enqueue_indirect_dma source(%dma_start3A_185 : memref<128x16xf32, #tpu.memory_space<vmem>>) target(%dma_start3A_191 : memref<10112x16xf32, #tpu.memory_space<vmem_shared>>) offsets(%dma_start3A_188 : memref<128xi32, #tpu.memory_space<vmem>>) semaphore(%arg13 : memref<!tpu.dma_semaphore, #tpu.memory_space<semaphore_mem>>) {add = true}
      %mul3A_192 = arith.constant 4 : i32
      %mul3A_193 = arith.muli %add3A_149, %mul3A_192 : i32
      %add3A_194 = arith.constant 2 : i32
      %add3A_195 = arith.addi %mul3A_193, %add3A_194 : i32
      %dma_start3A_196 = arith.constant 256 : i32
      %dma_start3A_197 = arith.constant 0 : i32
      %dma_start3A_198 = tpu.memref_slice %arg10[%dma_start3A_196, %dma_start3A_197] : memref<512x16xf32, #tpu.memory_space<vmem>> -> memref<128x16xf32, #tpu.memory_space<vmem>>
      %dma_start3A_199 = arith.constant 0 : i32
      %dma_start3A_200 = tpu.memref_slice %arg8[%add3A_195, %dma_start3A_199] : memref<128x128xi32, #tpu.memory_space<vmem>> -> memref<1x128xi32, #tpu.memory_space<vmem>>
      %dma_start3A_201 = tpu.memref_squeeze %dma_start3A_200 : memref<1x128xi32, #tpu.memory_space<vmem>> -> memref<128xi32, #tpu.memory_space<vmem>>
      %dma_start3A_202 = arith.constant 0 : i32
      %dma_start3A_203 = arith.constant 0 : i32
      %dma_start3A_204 = tpu.memref_slice %arg11[%dma_start3A_202, %dma_start3A_203] : memref<10112x16xf32, #tpu.memory_space<vmem_shared>> -> memref<10112x16xf32, #tpu.memory_space<vmem_shared>>
      tpu.enqueue_indirect_dma source(%dma_start3A_198 : memref<128x16xf32, #tpu.memory_space<vmem>>) target(%dma_start3A_204 : memref<10112x16xf32, #tpu.memory_space<vmem_shared>>) offsets(%dma_start3A_201 : memref<128xi32, #tpu.memory_space<vmem>>) semaphore(%arg13 : memref<!tpu.dma_semaphore, #tpu.memory_space<semaphore_mem>>) {add = true}
      %mul3A_205 = arith.constant 4 : i32
      %mul3A_206 = arith.muli %add3A_149, %mul3A_205 : i32
      %add3A_207 = arith.constant 3 : i32
      %add3A_208 = arith.addi %mul3A_206, %add3A_207 : i32
      %dma_start3A_209 = arith.constant 384 : i32
      %dma_start3A_210 = arith.constant 0 : i32
      %dma_start3A_211 = tpu.memref_slice %arg10[%dma_start3A_209, %dma_start3A_210] : memref<512x16xf32, #tpu.memory_space<vmem>> -> memref<128x16xf32, #tpu.memory_space<vmem>>
      %dma_start3A_212 = arith.constant 0 : i32
      %dma_start3A_213 = tpu.memref_slice %arg8[%add3A_208, %dma_start3A_212] : memref<128x128xi32, #tpu.memory_space<vmem>> -> memref<1x128xi32, #tpu.memory_space<vmem>>
      %dma_start3A_214 = tpu.memref_squeeze %dma_start3A_213 : memref<1x128xi32, #tpu.memory_space<vmem>> -> memref<128xi32, #tpu.memory_space<vmem>>
      %dma_start3A_215 = arith.constant 0 : i32
      %dma_start3A_216 = arith.constant 0 : i32
      %dma_start3A_217 = tpu.memref_slice %arg11[%dma_start3A_215, %dma_start3A_216] : memref<10112x16xf32, #tpu.memory_space<vmem_shared>> -> memref<10112x16xf32, #tpu.memory_space<vmem_shared>>
      tpu.enqueue_indirect_dma source(%dma_start3A_211 : memref<128x16xf32, #tpu.memory_space<vmem>>) target(%dma_start3A_217 : memref<10112x16xf32, #tpu.memory_space<vmem_shared>>) offsets(%dma_start3A_214 : memref<128xi32, #tpu.memory_space<vmem>>) semaphore(%arg13 : memref<!tpu.dma_semaphore, #tpu.memory_space<semaphore_mem>>) {add = true}
    }
    %while3A_34 = arith.constant 1 : i32
    scf.for %while3A_75 = %while3A_32 to %while3A_28 step %while3A_34  : i32 {
      %mul3A_76 = arith.constant 2 : i32
      %mul3A_77 = arith.muli %mul3A_76, %while3A_75 : i32
      %add3A_78 = arith.constant 0 : i32
      %add3A_79 = arith.addi %mul3A_77, %add3A_78 : i32
      %ge3A = arith.constant 1 : i32
      %ge3A_80 = arith.cmpi sge, %add3A_79, %ge3A : i32
      %convert_element_type3A_81 = arith.extui %ge3A_80 : i1 to i32
      %cond3A_82 = arith.constant 0 : i32
      %cond3A_83 = arith.cmpi ne, %convert_element_type3A_81, %cond3A_82 : i32
      scf.if %cond3A_83 {
        %dma_wait3A_218 = arith.constant 0 : i32
        %dma_wait3A_219 = arith.constant 0 : i32
        %dma_wait3A_220 = arith.constant 0 : i32
        %dma_wait3A_221 = tpu.memref_slice %arg10[%dma_wait3A_219, %dma_wait3A_220] : memref<512x16xf32, #tpu.memory_space<vmem>> -> memref<128x16xf32, #tpu.memory_space<vmem>>
        %dma_wait3A_222 = arith.constant 0 : i32
        %dma_wait3A_223 = tpu.memref_slice %arg8[%dma_wait3A_218, %dma_wait3A_222] : memref<128x128xi32, #tpu.memory_space<vmem>> -> memref<1x128xi32, #tpu.memory_space<vmem>>
        %dma_wait3A_224 = tpu.memref_squeeze %dma_wait3A_223 : memref<1x128xi32, #tpu.memory_space<vmem>> -> memref<128xi32, #tpu.memory_space<vmem>>
        %dma_wait3A_225 = arith.constant 0 : i32
        %dma_wait3A_226 = arith.constant 0 : i32
        %dma_wait3A_227 = tpu.memref_slice %arg11[%dma_wait3A_225, %dma_wait3A_226] : memref<10112x16xf32, #tpu.memory_space<vmem_shared>> -> memref<10112x16xf32, #tpu.memory_space<vmem_shared>>
        tpu.wait_indirect_dma semaphore(%arg13 : memref<!tpu.dma_semaphore, #tpu.memory_space<semaphore_mem>>) src(%dma_wait3A_221 : memref<128x16xf32, #tpu.memory_space<vmem>>) dst(%dma_wait3A_227 : memref<10112x16xf32, #tpu.memory_space<vmem_shared>>)
        %dma_wait3A_228 = arith.constant 0 : i32
        %dma_wait3A_229 = arith.constant 128 : i32
        %dma_wait3A_230 = arith.constant 0 : i32
        %dma_wait3A_231 = tpu.memref_slice %arg10[%dma_wait3A_229, %dma_wait3A_230] : memref<512x16xf32, #tpu.memory_space<vmem>> -> memref<128x16xf32, #tpu.memory_space<vmem>>
        %dma_wait3A_232 = arith.constant 0 : i32
        %dma_wait3A_233 = tpu.memref_slice %arg8[%dma_wait3A_228, %dma_wait3A_232] : memref<128x128xi32, #tpu.memory_space<vmem>> -> memref<1x128xi32, #tpu.memory_space<vmem>>
        %dma_wait3A_234 = tpu.memref_squeeze %dma_wait3A_233 : memref<1x128xi32, #tpu.memory_space<vmem>> -> memref<128xi32, #tpu.memory_space<vmem>>
        %dma_wait3A_235 = arith.constant 0 : i32
        %dma_wait3A_236 = arith.constant 0 : i32
        %dma_wait3A_237 = tpu.memref_slice %arg11[%dma_wait3A_235, %dma_wait3A_236] : memref<10112x16xf32, #tpu.memory_space<vmem_shared>> -> memref<10112x16xf32, #tpu.memory_space<vmem_shared>>
        tpu.wait_indirect_dma semaphore(%arg13 : memref<!tpu.dma_semaphore, #tpu.memory_space<semaphore_mem>>) src(%dma_wait3A_231 : memref<128x16xf32, #tpu.memory_space<vmem>>) dst(%dma_wait3A_237 : memref<10112x16xf32, #tpu.memory_space<vmem_shared>>)
        %dma_wait3A_238 = arith.constant 0 : i32
        %dma_wait3A_239 = arith.constant 256 : i32
        %dma_wait3A_240 = arith.constant 0 : i32
        %dma_wait3A_241 = tpu.memref_slice %arg10[%dma_wait3A_239, %dma_wait3A_240] : memref<512x16xf32, #tpu.memory_space<vmem>> -> memref<128x16xf32, #tpu.memory_space<vmem>>
        %dma_wait3A_242 = arith.constant 0 : i32
        %dma_wait3A_243 = tpu.memref_slice %arg8[%dma_wait3A_238, %dma_wait3A_242] : memref<128x128xi32, #tpu.memory_space<vmem>> -> memref<1x128xi32, #tpu.memory_space<vmem>>
        %dma_wait3A_244 = tpu.memref_squeeze %dma_wait3A_243 : memref<1x128xi32, #tpu.memory_space<vmem>> -> memref<128xi32, #tpu.memory_space<vmem>>
        %dma_wait3A_245 = arith.constant 0 : i32
        %dma_wait3A_246 = arith.constant 0 : i32
        %dma_wait3A_247 = tpu.memref_slice %arg11[%dma_wait3A_245, %dma_wait3A_246] : memref<10112x16xf32, #tpu.memory_space<vmem_shared>> -> memref<10112x16xf32, #tpu.memory_space<vmem_shared>>
        tpu.wait_indirect_dma semaphore(%arg13 : memref<!tpu.dma_semaphore, #tpu.memory_space<semaphore_mem>>) src(%dma_wait3A_241 : memref<128x16xf32, #tpu.memory_space<vmem>>) dst(%dma_wait3A_247 : memref<10112x16xf32, #tpu.memory_space<vmem_shared>>)
        %dma_wait3A_248 = arith.constant 0 : i32
        %dma_wait3A_249 = arith.constant 384 : i32
        %dma_wait3A_250 = arith.constant 0 : i32
        %dma_wait3A_251 = tpu.memref_slice %arg10[%dma_wait3A_249, %dma_wait3A_250] : memref<512x16xf32, #tpu.memory_space<vmem>> -> memref<128x16xf32, #tpu.memory_space<vmem>>
        %dma_wait3A_252 = arith.constant 0 : i32
        %dma_wait3A_253 = tpu.memref_slice %arg8[%dma_wait3A_248, %dma_wait3A_252] : memref<128x128xi32, #tpu.memory_space<vmem>> -> memref<1x128xi32, #tpu.memory_space<vmem>>
        %dma_wait3A_254 = tpu.memref_squeeze %dma_wait3A_253 : memref<1x128xi32, #tpu.memory_space<vmem>> -> memref<128xi32, #tpu.memory_space<vmem>>
        %dma_wait3A_255 = arith.constant 0 : i32
        %dma_wait3A_256 = arith.constant 0 : i32
        %dma_wait3A_257 = tpu.memref_slice %arg11[%dma_wait3A_255, %dma_wait3A_256] : memref<10112x16xf32, #tpu.memory_space<vmem_shared>> -> memref<10112x16xf32, #tpu.memory_space<vmem_shared>>
        tpu.wait_indirect_dma semaphore(%arg13 : memref<!tpu.dma_semaphore, #tpu.memory_space<semaphore_mem>>) src(%dma_wait3A_251 : memref<128x16xf32, #tpu.memory_space<vmem>>) dst(%dma_wait3A_257 : memref<10112x16xf32, #tpu.memory_space<vmem_shared>>)
      } else {
      }
      %dma_wait3A_84 = arith.constant 0 : i32
      %dma_wait3A_85 = tpu.memref_slice %arg7[%dma_wait3A_84] : memref<16384xi32, #tpu.memory_space<vmem>> -> memref<512xi32, #tpu.memory_space<vmem>>
      %dma_wait3A_86 = arith.constant 0 : i32
      %dma_wait3A_87 = arith.constant 0 : i32
      %dma_wait3A_88 = tpu.memref_slice %arg2[%dma_wait3A_86, %dma_wait3A_87] : memref<10112x16xf32, #tpu.memory_space<hbm>> -> memref<10112x16xf32, #tpu.memory_space<hbm>>
      tpu.wait_indirect_dma semaphore(%arg12 : memref<!tpu.dma_semaphore, #tpu.memory_space<semaphore_mem>>) src(%dma_wait3A_88 : memref<10112x16xf32, #tpu.memory_space<hbm>>) dst(%arg9 : memref<512x16xf32, #tpu.memory_space<vmem>>)
      %add3A_89 = arith.constant 1 : i32
      %add3A_90 = arith.addi %add3A_79, %add3A_89 : i32
      %lt3A = arith.cmpi slt, %add3A_90, %mul3A_12 : i32
      %convert_element_type3A_91 = arith.extui %lt3A : i1 to i32
      %cond3A_92 = arith.constant 0 : i32
      %cond3A_93 = arith.cmpi ne, %convert_element_type3A_91, %cond3A_92 : i32
      scf.if %cond3A_93 {
        %add3A_218 = arith.constant 1 : i32
        %add3A_219 = arith.addi %add3A_79, %add3A_218 : i32
        %mul3A_220 = arith.constant 512 : i32
        %mul3A_221 = arith.muli %add3A_219, %mul3A_220 : i32
        %dma_start3A_222 = tpu.memref_slice %arg7[%mul3A_221] : memref<16384xi32, #tpu.memory_space<vmem>> -> memref<512xi32, #tpu.memory_space<vmem>>
        %dma_start3A_223 = arith.constant 0 : i32
        %dma_start3A_224 = arith.constant 0 : i32
        %dma_start3A_225 = tpu.memref_slice %arg2[%dma_start3A_223, %dma_start3A_224] : memref<10112x16xf32, #tpu.memory_space<hbm>> -> memref<10112x16xf32, #tpu.memory_space<hbm>>
        tpu.enqueue_indirect_dma source(%dma_start3A_225 : memref<10112x16xf32, #tpu.memory_space<hbm>>) target(%arg10 : memref<512x16xf32, #tpu.memory_space<vmem>>) offsets(%dma_start3A_222 : memref<512xi32, #tpu.memory_space<vmem>>) semaphore(%arg12 : memref<!tpu.dma_semaphore, #tpu.memory_space<semaphore_mem>>)
      } else {
      }
      %mul3A_94 = arith.constant 4 : i32
      %mul3A_95 = arith.muli %add3A_79, %mul3A_94 : i32
      %add3A_96 = arith.constant 0 : i32
      %add3A_97 = arith.addi %mul3A_95, %add3A_96 : i32
      %dma_start3A_98 = arith.constant 0 : i32
      %dma_start3A_99 = arith.constant 0 : i32
      %dma_start3A_100 = tpu.memref_slice %arg9[%dma_start3A_98, %dma_start3A_99] : memref<512x16xf32, #tpu.memory_space<vmem>> -> memref<128x16xf32, #tpu.memory_space<vmem>>
      %dma_start3A_101 = arith.constant 0 : i32
      %dma_start3A_102 = tpu.memref_slice %arg8[%add3A_97, %dma_start3A_101] : memref<128x128xi32, #tpu.memory_space<vmem>> -> memref<1x128xi32, #tpu.memory_space<vmem>>
      %dma_start3A_103 = tpu.memref_squeeze %dma_start3A_102 : memref<1x128xi32, #tpu.memory_space<vmem>> -> memref<128xi32, #tpu.memory_space<vmem>>
      %dma_start3A_104 = arith.constant 0 : i32
      %dma_start3A_105 = arith.constant 0 : i32
      %dma_start3A_106 = tpu.memref_slice %arg11[%dma_start3A_104, %dma_start3A_105] : memref<10112x16xf32, #tpu.memory_space<vmem_shared>> -> memref<10112x16xf32, #tpu.memory_space<vmem_shared>>
      tpu.enqueue_indirect_dma source(%dma_start3A_100 : memref<128x16xf32, #tpu.memory_space<vmem>>) target(%dma_start3A_106 : memref<10112x16xf32, #tpu.memory_space<vmem_shared>>) offsets(%dma_start3A_103 : memref<128xi32, #tpu.memory_space<vmem>>) semaphore(%arg13 : memref<!tpu.dma_semaphore, #tpu.memory_space<semaphore_mem>>) {add = true}
      %mul3A_107 = arith.constant 4 : i32
      %mul3A_108 = arith.muli %add3A_79, %mul3A_107 : i32
      %add3A_109 = arith.constant 1 : i32
      %add3A_110 = arith.addi %mul3A_108, %add3A_109 : i32
      %dma_start3A_111 = arith.constant 128 : i32
      %dma_start3A_112 = arith.constant 0 : i32
      %dma_start3A_113 = tpu.memref_slice %arg9[%dma_start3A_111, %dma_start3A_112] : memref<512x16xf32, #tpu.memory_space<vmem>> -> memref<128x16xf32, #tpu.memory_space<vmem>>
      %dma_start3A_114 = arith.constant 0 : i32
      %dma_start3A_115 = tpu.memref_slice %arg8[%add3A_110, %dma_start3A_114] : memref<128x128xi32, #tpu.memory_space<vmem>> -> memref<1x128xi32, #tpu.memory_space<vmem>>
      %dma_start3A_116 = tpu.memref_squeeze %dma_start3A_115 : memref<1x128xi32, #tpu.memory_space<vmem>> -> memref<128xi32, #tpu.memory_space<vmem>>
      %dma_start3A_117 = arith.constant 0 : i32
      %dma_start3A_118 = arith.constant 0 : i32
      %dma_start3A_119 = tpu.memref_slice %arg11[%dma_start3A_117, %dma_start3A_118] : memref<10112x16xf32, #tpu.memory_space<vmem_shared>> -> memref<10112x16xf32, #tpu.memory_space<vmem_shared>>
      tpu.enqueue_indirect_dma source(%dma_start3A_113 : memref<128x16xf32, #tpu.memory_space<vmem>>) target(%dma_start3A_119 : memref<10112x16xf32, #tpu.memory_space<vmem_shared>>) offsets(%dma_start3A_116 : memref<128xi32, #tpu.memory_space<vmem>>) semaphore(%arg13 : memref<!tpu.dma_semaphore, #tpu.memory_space<semaphore_mem>>) {add = true}
      %mul3A_120 = arith.constant 4 : i32
      %mul3A_121 = arith.muli %add3A_79, %mul3A_120 : i32
      %add3A_122 = arith.constant 2 : i32
      %add3A_123 = arith.addi %mul3A_121, %add3A_122 : i32
      %dma_start3A_124 = arith.constant 256 : i32
      %dma_start3A_125 = arith.constant 0 : i32
      %dma_start3A_126 = tpu.memref_slice %arg9[%dma_start3A_124, %dma_start3A_125] : memref<512x16xf32, #tpu.memory_space<vmem>> -> memref<128x16xf32, #tpu.memory_space<vmem>>
      %dma_start3A_127 = arith.constant 0 : i32
      %dma_start3A_128 = tpu.memref_slice %arg8[%add3A_123, %dma_start3A_127] : memref<128x128xi32, #tpu.memory_space<vmem>> -> memref<1x128xi32, #tpu.memory_space<vmem>>
      %dma_start3A_129 = tpu.memref_squeeze %dma_start3A_128 : memref<1x128xi32, #tpu.memory_space<vmem>> -> memref<128xi32, #tpu.memory_space<vmem>>
      %dma_start3A_130 = arith.constant 0 : i32
      %dma_start3A_131 = arith.constant 0 : i32
      %dma_start3A_132 = tpu.memref_slice %arg11[%dma_start3A_130, %dma_start3A_131] : memref<10112x16xf32, #tpu.memory_space<vmem_shared>> -> memref<10112x16xf32, #tpu.memory_space<vmem_shared>>
      tpu.enqueue_indirect_dma source(%dma_start3A_126 : memref<128x16xf32, #tpu.memory_space<vmem>>) target(%dma_start3A_132 : memref<10112x16xf32, #tpu.memory_space<vmem_shared>>) offsets(%dma_start3A_129 : memref<128xi32, #tpu.memory_space<vmem>>) semaphore(%arg13 : memref<!tpu.dma_semaphore, #tpu.memory_space<semaphore_mem>>) {add = true}
      %mul3A_133 = arith.constant 4 : i32
      %mul3A_134 = arith.muli %add3A_79, %mul3A_133 : i32
      %add3A_135 = arith.constant 3 : i32
      %add3A_136 = arith.addi %mul3A_134, %add3A_135 : i32
      %dma_start3A_137 = arith.constant 384 : i32
      %dma_start3A_138 = arith.constant 0 : i32
      %dma_start3A_139 = tpu.memref_slice %arg9[%dma_start3A_137, %dma_start3A_138] : memref<512x16xf32, #tpu.memory_space<vmem>> -> memref<128x16xf32, #tpu.memory_space<vmem>>
      %dma_start3A_140 = arith.constant 0 : i32
      %dma_start3A_141 = tpu.memref_slice %arg8[%add3A_136, %dma_start3A_140] : memref<128x128xi32, #tpu.memory_space<vmem>> -> memref<1x128xi32, #tpu.memory_space<vmem>>
      %dma_start3A_142 = tpu.memref_squeeze %dma_start3A_141 : memref<1x128xi32, #tpu.memory_space<vmem>> -> memref<128xi32, #tpu.memory_space<vmem>>
      %dma_start3A_143 = arith.constant 0 : i32
      %dma_start3A_144 = arith.constant 0 : i32
      %dma_start3A_145 = tpu.memref_slice %arg11[%dma_start3A_143, %dma_start3A_144] : memref<10112x16xf32, #tpu.memory_space<vmem_shared>> -> memref<10112x16xf32, #tpu.memory_space<vmem_shared>>
      tpu.enqueue_indirect_dma source(%dma_start3A_139 : memref<128x16xf32, #tpu.memory_space<vmem>>) target(%dma_start3A_145 : memref<10112x16xf32, #tpu.memory_space<vmem_shared>>) offsets(%dma_start3A_142 : memref<128xi32, #tpu.memory_space<vmem>>) semaphore(%arg13 : memref<!tpu.dma_semaphore, #tpu.memory_space<semaphore_mem>>) {add = true}
      %mul3A_146 = arith.constant 2 : i32
      %mul3A_147 = arith.muli %mul3A_146, %while3A_75 : i32
      %add3A_148 = arith.constant 1 : i32
      %add3A_149 = arith.addi %mul3A_147, %add3A_148 : i32
      %ge3A_150 = arith.constant 1 : i32
      %ge3A_151 = arith.cmpi sge, %add3A_149, %ge3A_150 : i32
      %convert_element_type3A_152 = arith.extui %ge3A_151 : i1 to i32
      %cond3A_153 = arith.constant 0 : i32
      %cond3A_154 = arith.cmpi ne, %convert_element_type3A_152, %cond3A_153 : i32
      scf.if %cond3A_154 {
        %dma_wait3A_218 = arith.constant 0 : i32
        %dma_wait3A_219 = arith.constant 0 : i32
        %dma_wait3A_220 = arith.constant 0 : i32
        %dma_wait3A_221 = tpu.memref_slice %arg9[%dma_wait3A_219, %dma_wait3A_220] : memref<512x16xf32, #tpu.memory_space<vmem>> -> memref<128x16xf32, #tpu.memory_space<vmem>>
        %dma_wait3A_222 = arith.constant 0 : i32
        %dma_wait3A_223 = tpu.memref_slice %arg8[%dma_wait3A_218, %dma_wait3A_222] : memref<128x128xi32, #tpu.memory_space<vmem>> -> memref<1x128xi32, #tpu.memory_space<vmem>>
        %dma_wait3A_224 = tpu.memref_squeeze %dma_wait3A_223 : memref<1x128xi32, #tpu.memory_space<vmem>> -> memref<128xi32, #tpu.memory_space<vmem>>
        %dma_wait3A_225 = arith.constant 0 : i32
        %dma_wait3A_226 = arith.constant 0 : i32
        %dma_wait3A_227 = tpu.memref_slice %arg11[%dma_wait3A_225, %dma_wait3A_226] : memref<10112x16xf32, #tpu.memory_space<vmem_shared>> -> memref<10112x16xf32, #tpu.memory_space<vmem_shared>>
        tpu.wait_indirect_dma semaphore(%arg13 : memref<!tpu.dma_semaphore, #tpu.memory_space<semaphore_mem>>) src(%dma_wait3A_221 : memref<128x16xf32, #tpu.memory_space<vmem>>) dst(%dma_wait3A_227 : memref<10112x16xf32, #tpu.memory_space<vmem_shared>>)
        %dma_wait3A_228 = arith.constant 0 : i32
        %dma_wait3A_229 = arith.constant 128 : i32
        %dma_wait3A_230 = arith.constant 0 : i32
        %dma_wait3A_231 = tpu.memref_slice %arg9[%dma_wait3A_229, %dma_wait3A_230] : memref<512x16xf32, #tpu.memory_space<vmem>> -> memref<128x16xf32, #tpu.memory_space<vmem>>
        %dma_wait3A_232 = arith.constant 0 : i32
        %dma_wait3A_233 = tpu.memref_slice %arg8[%dma_wait3A_228, %dma_wait3A_232] : memref<128x128xi32, #tpu.memory_space<vmem>> -> memref<1x128xi32, #tpu.memory_space<vmem>>
        %dma_wait3A_234 = tpu.memref_squeeze %dma_wait3A_233 : memref<1x128xi32, #tpu.memory_space<vmem>> -> memref<128xi32, #tpu.memory_space<vmem>>
        %dma_wait3A_235 = arith.constant 0 : i32
        %dma_wait3A_236 = arith.constant 0 : i32
        %dma_wait3A_237 = tpu.memref_slice %arg11[%dma_wait3A_235, %dma_wait3A_236] : memref<10112x16xf32, #tpu.memory_space<vmem_shared>> -> memref<10112x16xf32, #tpu.memory_space<vmem_shared>>
        tpu.wait_indirect_dma semaphore(%arg13 : memref<!tpu.dma_semaphore, #tpu.memory_space<semaphore_mem>>) src(%dma_wait3A_231 : memref<128x16xf32, #tpu.memory_space<vmem>>) dst(%dma_wait3A_237 : memref<10112x16xf32, #tpu.memory_space<vmem_shared>>)
        %dma_wait3A_238 = arith.constant 0 : i32
        %dma_wait3A_239 = arith.constant 256 : i32
        %dma_wait3A_240 = arith.constant 0 : i32
        %dma_wait3A_241 = tpu.memref_slice %arg9[%dma_wait3A_239, %dma_wait3A_240] : memref<512x16xf32, #tpu.memory_space<vmem>> -> memref<128x16xf32, #tpu.memory_space<vmem>>
        %dma_wait3A_242 = arith.constant 0 : i32
        %dma_wait3A_243 = tpu.memref_slice %arg8[%dma_wait3A_238, %dma_wait3A_242] : memref<128x128xi32, #tpu.memory_space<vmem>> -> memref<1x128xi32, #tpu.memory_space<vmem>>
        %dma_wait3A_244 = tpu.memref_squeeze %dma_wait3A_243 : memref<1x128xi32, #tpu.memory_space<vmem>> -> memref<128xi32, #tpu.memory_space<vmem>>
        %dma_wait3A_245 = arith.constant 0 : i32
        %dma_wait3A_246 = arith.constant 0 : i32
        %dma_wait3A_247 = tpu.memref_slice %arg11[%dma_wait3A_245, %dma_wait3A_246] : memref<10112x16xf32, #tpu.memory_space<vmem_shared>> -> memref<10112x16xf32, #tpu.memory_space<vmem_shared>>
        tpu.wait_indirect_dma semaphore(%arg13 : memref<!tpu.dma_semaphore, #tpu.memory_space<semaphore_mem>>) src(%dma_wait3A_241 : memref<128x16xf32, #tpu.memory_space<vmem>>) dst(%dma_wait3A_247 : memref<10112x16xf32, #tpu.memory_space<vmem_shared>>)
        %dma_wait3A_248 = arith.constant 0 : i32
        %dma_wait3A_249 = arith.constant 384 : i32
        %dma_wait3A_250 = arith.constant 0 : i32
        %dma_wait3A_251 = tpu.memref_slice %arg9[%dma_wait3A_249, %dma_wait3A_250] : memref<512x16xf32, #tpu.memory_space<vmem>> -> memref<128x16xf32, #tpu.memory_space<vmem>>
        %dma_wait3A_252 = arith.constant 0 : i32
        %dma_wait3A_253 = tpu.memref_slice %arg8[%dma_wait3A_248, %dma_wait3A_252] : memref<128x128xi32, #tpu.memory_space<vmem>> -> memref<1x128xi32, #tpu.memory_space<vmem>>
        %dma_wait3A_254 = tpu.memref_squeeze %dma_wait3A_253 : memref<1x128xi32, #tpu.memory_space<vmem>> -> memref<128xi32, #tpu.memory_space<vmem>>
        %dma_wait3A_255 = arith.constant 0 : i32
        %dma_wait3A_256 = arith.constant 0 : i32
        %dma_wait3A_257 = tpu.memref_slice %arg11[%dma_wait3A_255, %dma_wait3A_256] : memref<10112x16xf32, #tpu.memory_space<vmem_shared>> -> memref<10112x16xf32, #tpu.memory_space<vmem_shared>>
        tpu.wait_indirect_dma semaphore(%arg13 : memref<!tpu.dma_semaphore, #tpu.memory_space<semaphore_mem>>) src(%dma_wait3A_251 : memref<128x16xf32, #tpu.memory_space<vmem>>) dst(%dma_wait3A_257 : memref<10112x16xf32, #tpu.memory_space<vmem_shared>>)
      } else {
      }
      %dma_wait3A_155 = arith.constant 0 : i32
      %dma_wait3A_156 = tpu.memref_slice %arg7[%dma_wait3A_155] : memref<16384xi32, #tpu.memory_space<vmem>> -> memref<512xi32, #tpu.memory_space<vmem>>
      %dma_wait3A_157 = arith.constant 0 : i32
      %dma_wait3A_158 = arith.constant 0 : i32
      %dma_wait3A_159 = tpu.memref_slice %arg2[%dma_wait3A_157, %dma_wait3A_158] : memref<10112x16xf32, #tpu.memory_space<hbm>> -> memref<10112x16xf32, #tpu.memory_space<hbm>>
      tpu.wait_indirect_dma semaphore(%arg12 : memref<!tpu.dma_semaphore, #tpu.memory_space<semaphore_mem>>) src(%dma_wait3A_159 : memref<10112x16xf32, #tpu.memory_space<hbm>>) dst(%arg10 : memref<512x16xf32, #tpu.memory_space<vmem>>)
      %add3A_160 = arith.constant 1 : i32
      %add3A_161 = arith.addi %add3A_149, %add3A_160 : i32
      %lt3A_162 = arith.cmpi slt, %add3A_161, %mul3A_12 : i32
      %convert_element_type3A_163 = arith.extui %lt3A_162 : i1 to i32
      %cond3A_164 = arith.constant 0 : i32
      %cond3A_165 = arith.cmpi ne, %convert_element_type3A_163, %cond3A_164 : i32
      scf.if %cond3A_165 {
        %add3A_218 = arith.constant 1 : i32
        %add3A_219 = arith.addi %add3A_149, %add3A_218 : i32
        %mul3A_220 = arith.constant 512 : i32
        %mul3A_221 = arith.muli %add3A_219, %mul3A_220 : i32
        %dma_start3A_222 = tpu.memref_slice %arg7[%mul3A_221] : memref<16384xi32, #tpu.memory_space<vmem>> -> memref<512xi32, #tpu.memory_space<vmem>>
        %dma_start3A_223 = arith.constant 0 : i32
        %dma_start3A_224 = arith.constant 0 : i32
        %dma_start3A_225 = tpu.memref_slice %arg2[%dma_start3A_223, %dma_start3A_224] : memref<10112x16xf32, #tpu.memory_space<hbm>> -> memref<10112x16xf32, #tpu.memory_space<hbm>>
        tpu.enqueue_indirect_dma source(%dma_start3A_225 : memref<10112x16xf32, #tpu.memory_space<hbm>>) target(%arg9 : memref<512x16xf32, #tpu.memory_space<vmem>>) offsets(%dma_start3A_222 : memref<512xi32, #tpu.memory_space<vmem>>) semaphore(%arg12 : memref<!tpu.dma_semaphore, #tpu.memory_space<semaphore_mem>>)
      } else {
      }
      %mul3A_166 = arith.constant 4 : i32
      %mul3A_167 = arith.muli %add3A_149, %mul3A_166 : i32
      %add3A_168 = arith.constant 0 : i32
      %add3A_169 = arith.addi %mul3A_167, %add3A_168 : i32
      %dma_start3A_170 = arith.constant 0 : i32
      %dma_start3A_171 = arith.constant 0 : i32
      %dma_start3A_172 = tpu.memref_slice %arg10[%dma_start3A_170, %dma_start3A_171] : memref<512x16xf32, #tpu.memory_space<vmem>> -> memref<128x16xf32, #tpu.memory_space<vmem>>
      %dma_start3A_173 = arith.constant 0 : i32
      %dma_start3A_174 = tpu.memref_slice %arg8[%add3A_169, %dma_start3A_173] : memref<128x128xi32, #tpu.memory_space<vmem>> -> memref<1x128xi32, #tpu.memory_space<vmem>>
      %dma_start3A_175 = tpu.memref_squeeze %dma_start3A_174 : memref<1x128xi32, #tpu.memory_space<vmem>> -> memref<128xi32, #tpu.memory_space<vmem>>
      %dma_start3A_176 = arith.constant 0 : i32
      %dma_start3A_177 = arith.constant 0 : i32
      %dma_start3A_178 = tpu.memref_slice %arg11[%dma_start3A_176, %dma_start3A_177] : memref<10112x16xf32, #tpu.memory_space<vmem_shared>> -> memref<10112x16xf32, #tpu.memory_space<vmem_shared>>
      tpu.enqueue_indirect_dma source(%dma_start3A_172 : memref<128x16xf32, #tpu.memory_space<vmem>>) target(%dma_start3A_178 : memref<10112x16xf32, #tpu.memory_space<vmem_shared>>) offsets(%dma_start3A_175 : memref<128xi32, #tpu.memory_space<vmem>>) semaphore(%arg13 : memref<!tpu.dma_semaphore, #tpu.memory_space<semaphore_mem>>) {add = true}
      %mul3A_179 = arith.constant 4 : i32
      %mul3A_180 = arith.muli %add3A_149, %mul3A_179 : i32
      %add3A_181 = arith.constant 1 : i32
      %add3A_182 = arith.addi %mul3A_180, %add3A_181 : i32
      %dma_start3A_183 = arith.constant 128 : i32
      %dma_start3A_184 = arith.constant 0 : i32
      %dma_start3A_185 = tpu.memref_slice %arg10[%dma_start3A_183, %dma_start3A_184] : memref<512x16xf32, #tpu.memory_space<vmem>> -> memref<128x16xf32, #tpu.memory_space<vmem>>
      %dma_start3A_186 = arith.constant 0 : i32
      %dma_start3A_187 = tpu.memref_slice %arg8[%add3A_182, %dma_start3A_186] : memref<128x128xi32, #tpu.memory_space<vmem>> -> memref<1x128xi32, #tpu.memory_space<vmem>>
      %dma_start3A_188 = tpu.memref_squeeze %dma_start3A_187 : memref<1x128xi32, #tpu.memory_space<vmem>> -> memref<128xi32, #tpu.memory_space<vmem>>
      %dma_start3A_189 = arith.constant 0 : i32
      %dma_start3A_190 = arith.constant 0 : i32
      %dma_start3A_191 = tpu.memref_slice %arg11[%dma_start3A_189, %dma_start3A_190] : memref<10112x16xf32, #tpu.memory_space<vmem_shared>> -> memref<10112x16xf32, #tpu.memory_space<vmem_shared>>
      tpu.enqueue_indirect_dma source(%dma_start3A_185 : memref<128x16xf32, #tpu.memory_space<vmem>>) target(%dma_start3A_191 : memref<10112x16xf32, #tpu.memory_space<vmem_shared>>) offsets(%dma_start3A_188 : memref<128xi32, #tpu.memory_space<vmem>>) semaphore(%arg13 : memref<!tpu.dma_semaphore, #tpu.memory_space<semaphore_mem>>) {add = true}
      %mul3A_192 = arith.constant 4 : i32
      %mul3A_193 = arith.muli %add3A_149, %mul3A_192 : i32
      %add3A_194 = arith.constant 2 : i32
      %add3A_195 = arith.addi %mul3A_193, %add3A_194 : i32
      %dma_start3A_196 = arith.constant 256 : i32
      %dma_start3A_197 = arith.constant 0 : i32
      %dma_start3A_198 = tpu.memref_slice %arg10[%dma_start3A_196, %dma_start3A_197] : memref<512x16xf32, #tpu.memory_space<vmem>> -> memref<128x16xf32, #tpu.memory_space<vmem>>
      %dma_start3A_199 = arith.constant 0 : i32
      %dma_start3A_200 = tpu.memref_slice %arg8[%add3A_195, %dma_start3A_199] : memref<128x128xi32, #tpu.memory_space<vmem>> -> memref<1x128xi32, #tpu.memory_space<vmem>>
      %dma_start3A_201 = tpu.memref_squeeze %dma_start3A_200 : memref<1x128xi32, #tpu.memory_space<vmem>> -> memref<128xi32, #tpu.memory_space<vmem>>
      %dma_start3A_202 = arith.constant 0 : i32
      %dma_start3A_203 = arith.constant 0 : i32
      %dma_start3A_204 = tpu.memref_slice %arg11[%dma_start3A_202, %dma_start3A_203] : memref<10112x16xf32, #tpu.memory_space<vmem_shared>> -> memref<10112x16xf32, #tpu.memory_space<vmem_shared>>
      tpu.enqueue_indirect_dma source(%dma_start3A_198 : memref<128x16xf32, #tpu.memory_space<vmem>>) target(%dma_start3A_204 : memref<10112x16xf32, #tpu.memory_space<vmem_shared>>) offsets(%dma_start3A_201 : memref<128xi32, #tpu.memory_space<vmem>>) semaphore(%arg13 : memref<!tpu.dma_semaphore, #tpu.memory_space<semaphore_mem>>) {add = true}
      %mul3A_205 = arith.constant 4 : i32
      %mul3A_206 = arith.muli %add3A_149, %mul3A_205 : i32
      %add3A_207 = arith.constant 3 : i32
      %add3A_208 = arith.addi %mul3A_206, %add3A_207 : i32
      %dma_start3A_209 = arith.constant 384 : i32
      %dma_start3A_210 = arith.constant 0 : i32
      %dma_start3A_211 = tpu.memref_slice %arg10[%dma_start3A_209, %dma_start3A_210] : memref<512x16xf32, #tpu.memory_space<vmem>> -> memref<128x16xf32, #tpu.memory_space<vmem>>
      %dma_start3A_212 = arith.constant 0 : i32
      %dma_start3A_213 = tpu.memref_slice %arg8[%add3A_208, %dma_start3A_212] : memref<128x128xi32, #tpu.memory_space<vmem>> -> memref<1x128xi32, #tpu.memory_space<vmem>>
      %dma_start3A_214 = tpu.memref_squeeze %dma_start3A_213 : memref<1x128xi32, #tpu.memory_space<vmem>> -> memref<128xi32, #tpu.memory_space<vmem>>
      %dma_start3A_215 = arith.constant 0 : i32
      %dma_start3A_216 = arith.constant 0 : i32
      %dma_start3A_217 = tpu.memref_slice %arg11[%dma_start3A_215, %dma_start3A_216] : memref<10112x16xf32, #tpu.memory_space<vmem_shared>> -> memref<10112x16xf32, #tpu.memory_space<vmem_shared>>
      tpu.enqueue_indirect_dma source(%dma_start3A_211 : memref<128x16xf32, #tpu.memory_space<vmem>>) target(%dma_start3A_217 : memref<10112x16xf32, #tpu.memory_space<vmem_shared>>) offsets(%dma_start3A_214 : memref<128xi32, #tpu.memory_space<vmem>>) semaphore(%arg13 : memref<!tpu.dma_semaphore, #tpu.memory_space<semaphore_mem>>) {add = true}
    }
    %dma_wait3A = arith.constant 0 : i32
    %dma_wait3A_35 = arith.constant 0 : i32
    %dma_wait3A_36 = arith.constant 0 : i32
    %dma_wait3A_37 = tpu.memref_slice %arg10[%dma_wait3A_35, %dma_wait3A_36] : memref<512x16xf32, #tpu.memory_space<vmem>> -> memref<128x16xf32, #tpu.memory_space<vmem>>
    %dma_wait3A_38 = arith.constant 0 : i32
    %dma_wait3A_39 = tpu.memref_slice %arg8[%dma_wait3A, %dma_wait3A_38] : memref<128x128xi32, #tpu.memory_space<vmem>> -> memref<1x128xi32, #tpu.memory_space<vmem>>
    %dma_wait3A_40 = tpu.memref_squeeze %dma_wait3A_39 : memref<1x128xi32, #tpu.memory_space<vmem>> -> memref<128xi32, #tpu.memory_space<vmem>>
    %dma_wait3A_41 = arith.constant 0 : i32
    %dma_wait3A_42 = arith.constant 0 : i32
    %dma_wait3A_43 = tpu.memref_slice %arg11[%dma_wait3A_41, %dma_wait3A_42] : memref<10112x16xf32, #tpu.memory_space<vmem_shared>> -> memref<10112x16xf32, #tpu.memory_space<vmem_shared>>
    tpu.wait_indirect_dma semaphore(%arg13 : memref<!tpu.dma_semaphore, #tpu.memory_space<semaphore_mem>>) src(%dma_wait3A_37 : memref<128x16xf32, #tpu.memory_space<vmem>>) dst(%dma_wait3A_43 : memref<10112x16xf32, #tpu.memory_space<vmem_shared>>)
    %dma_wait3A_44 = arith.constant 0 : i32
    %dma_wait3A_45 = arith.constant 128 : i32
    %dma_wait3A_46 = arith.constant 0 : i32
    %dma_wait3A_47 = tpu.memref_slice %arg10[%dma_wait3A_45, %dma_wait3A_46] : memref<512x16xf32, #tpu.memory_space<vmem>> -> memref<128x16xf32, #tpu.memory_space<vmem>>
    %dma_wait3A_48 = arith.constant 0 : i32
    %dma_wait3A_49 = tpu.memref_slice %arg8[%dma_wait3A_44, %dma_wait3A_48] : memref<128x128xi32, #tpu.memory_space<vmem>> -> memref<1x128xi32, #tpu.memory_space<vmem>>
    %dma_wait3A_50 = tpu.memref_squeeze %dma_wait3A_49 : memref<1x128xi32, #tpu.memory_space<vmem>> -> memref<128xi32, #tpu.memory_space<vmem>>
    %dma_wait3A_51 = arith.constant 0 : i32
    %dma_wait3A_52 = arith.constant 0 : i32
    %dma_wait3A_53 = tpu.memref_slice %arg11[%dma_wait3A_51, %dma_wait3A_52] : memref<10112x16xf32, #tpu.memory_space<vmem_shared>> -> memref<10112x16xf32, #tpu.memory_space<vmem_shared>>
    tpu.wait_indirect_dma semaphore(%arg13 : memref<!tpu.dma_semaphore, #tpu.memory_space<semaphore_mem>>) src(%dma_wait3A_47 : memref<128x16xf32, #tpu.memory_space<vmem>>) dst(%dma_wait3A_53 : memref<10112x16xf32, #tpu.memory_space<vmem_shared>>)
    %dma_wait3A_54 = arith.constant 0 : i32
    %dma_wait3A_55 = arith.constant 256 : i32
    %dma_wait3A_56 = arith.constant 0 : i32
    %dma_wait3A_57 = tpu.memref_slice %arg10[%dma_wait3A_55, %dma_wait3A_56] : memref<512x16xf32, #tpu.memory_space<vmem>> -> memref<128x16xf32, #tpu.memory_space<vmem>>
    %dma_wait3A_58 = arith.constant 0 : i32
    %dma_wait3A_59 = tpu.memref_slice %arg8[%dma_wait3A_54, %dma_wait3A_58] : memref<128x128xi32, #tpu.memory_space<vmem>> -> memref<1x128xi32, #tpu.memory_space<vmem>>
    %dma_wait3A_60 = tpu.memref_squeeze %dma_wait3A_59 : memref<1x128xi32, #tpu.memory_space<vmem>> -> memref<128xi32, #tpu.memory_space<vmem>>
    %dma_wait3A_61 = arith.constant 0 : i32
    %dma_wait3A_62 = arith.constant 0 : i32
    %dma_wait3A_63 = tpu.memref_slice %arg11[%dma_wait3A_61, %dma_wait3A_62] : memref<10112x16xf32, #tpu.memory_space<vmem_shared>> -> memref<10112x16xf32, #tpu.memory_space<vmem_shared>>
    tpu.wait_indirect_dma semaphore(%arg13 : memref<!tpu.dma_semaphore, #tpu.memory_space<semaphore_mem>>) src(%dma_wait3A_57 : memref<128x16xf32, #tpu.memory_space<vmem>>) dst(%dma_wait3A_63 : memref<10112x16xf32, #tpu.memory_space<vmem_shared>>)
    %dma_wait3A_64 = arith.constant 0 : i32
    %dma_wait3A_65 = arith.constant 384 : i32
    %dma_wait3A_66 = arith.constant 0 : i32
    %dma_wait3A_67 = tpu.memref_slice %arg10[%dma_wait3A_65, %dma_wait3A_66] : memref<512x16xf32, #tpu.memory_space<vmem>> -> memref<128x16xf32, #tpu.memory_space<vmem>>
    %dma_wait3A_68 = arith.constant 0 : i32
    %dma_wait3A_69 = tpu.memref_slice %arg8[%dma_wait3A_64, %dma_wait3A_68] : memref<128x128xi32, #tpu.memory_space<vmem>> -> memref<1x128xi32, #tpu.memory_space<vmem>>
    %dma_wait3A_70 = tpu.memref_squeeze %dma_wait3A_69 : memref<1x128xi32, #tpu.memory_space<vmem>> -> memref<128xi32, #tpu.memory_space<vmem>>
    %dma_wait3A_71 = arith.constant 0 : i32
    %dma_wait3A_72 = arith.constant 0 : i32
    %dma_wait3A_73 = tpu.memref_slice %arg11[%dma_wait3A_71, %dma_wait3A_72] : memref<10112x16xf32, #tpu.memory_space<vmem_shared>> -> memref<10112x16xf32, #tpu.memory_space<vmem_shared>>
    tpu.wait_indirect_dma semaphore(%arg13 : memref<!tpu.dma_semaphore, #tpu.memory_space<semaphore_mem>>) src(%dma_wait3A_67 : memref<128x16xf32, #tpu.memory_space<vmem>>) dst(%dma_wait3A_73 : memref<10112x16xf32, #tpu.memory_space<vmem_shared>>)
    %barrier3A_74 = arith.constant 0 : index
    tpu.barrier barrier_id(%barrier3A_74)
    "tpu.region"() ({
      %run_scoped3A = tpu.sem_alloc : memref<!tpu.dma_semaphore, #tpu.memory_space<semaphore_mem>>
      %dma_start3A_75 = arith.constant 0 : i32
      %dma_start3A_76 = tpu.memref_slice %arg6[%arg0, %mul3A_0, %dma_start3A_75] : memref<2x10112x16xf32, #tpu.memory_space<hbm>> -> memref<1x632x16xf32, #tpu.memory_space<hbm>>
      %dma_start3A_77 = tpu.memref_squeeze %dma_start3A_76 : memref<1x632x16xf32, #tpu.memory_space<hbm>> -> memref<632x16xf32, #tpu.memory_space<hbm>>
      %dma_start3A_78 = arith.constant 0 : i32
      %dma_start3A_79 = tpu.memref_slice %arg11[%mul3A_0, %dma_start3A_78] : memref<10112x16xf32, #tpu.memory_space<vmem_shared>> -> memref<632x16xf32, #tpu.memory_space<vmem_shared>>
      tpu.enqueue_dma source(%dma_start3A_79 : memref<632x16xf32, #tpu.memory_space<vmem_shared>>) target(%dma_start3A_77 : memref<632x16xf32, #tpu.memory_space<hbm>>) target_semaphore(%run_scoped3A : memref<!tpu.dma_semaphore, #tpu.memory_space<semaphore_mem>>)
      %dma_wait3A_80 = arith.constant 0 : i32
      %dma_wait3A_81 = tpu.memref_slice %arg6[%arg0, %mul3A_0, %dma_wait3A_80] : memref<2x10112x16xf32, #tpu.memory_space<hbm>> -> memref<1x632x16xf32, #tpu.memory_space<hbm>>
      %dma_wait3A_82 = tpu.memref_squeeze %dma_wait3A_81 : memref<1x632x16xf32, #tpu.memory_space<hbm>> -> memref<632x16xf32, #tpu.memory_space<hbm>>
      %dma_wait3A_83 = arith.constant 0 : i32
      %dma_wait3A_84 = tpu.memref_slice %arg11[%mul3A_0, %dma_wait3A_83] : memref<10112x16xf32, #tpu.memory_space<vmem_shared>> -> memref<632x16xf32, #tpu.memory_space<vmem_shared>>
      tpu.wait_dma2 semaphore(%run_scoped3A : memref<!tpu.dma_semaphore, #tpu.memory_space<semaphore_mem>>) src(%dma_wait3A_84 : memref<632x16xf32, #tpu.memory_space<vmem_shared>>) dst(%dma_wait3A_82 : memref<632x16xf32, #tpu.memory_space<hbm>>)
      tpu.yield
    }) : () -> ()
    return
  }
}

#map = affine_map<(d0, d1) -> (0, 0)>
#map1 = affine_map<(d0, d1) -> (0, 0, 0)>
module attributes {stable_mosaic.version = 14 : i64} {
  func.func @deg_kernel(%arg0: i32, %arg1: i32, %arg2: memref<2688x128xi32, #tpu.memory_space<hbm>>, %arg3: memref<128x16xf32, #tpu.memory_space<hbm>>, %arg4: memref<10112x16xf32, #tpu.memory_space<hbm>>, %arg5: memref<2x10112x16xf32, #tpu.memory_space<hbm>>, %arg6: memref<120x128xi32, #tpu.memory_space<vmem>>, %arg7: memref<128x16xf32, #tpu.memory_space<vmem>>, %arg8: memref<10112x16xf32, #tpu.memory_space<vmem_shared>>, %arg9: memref<!tpu.dma_semaphore, #tpu.memory_space<semaphore_mem>>) attributes {dimension_semantics = [#tpu.dimension_semantics<core_parallel>, #tpu.dimension_semantics<subcore_parallel>], iteration_bounds = array<i64: 2, 16>, scalar_prefetch = 0 : i64, scratch_operands = 4 : i64, tpu.core_type = #tpu.core_type<sc_vector_subcore>, window_params = [{transform_indices = #map}, {transform_indices = #map}, {transform_indices = #map}, {transform_indices = #map1}]} {
    %mul3A = arith.constant 632 : i32
    %mul3A_0 = arith.muli %arg1, %mul3A : i32
    %eq3A = arith.constant 0 : i32
    %eq3A_1 = arith.cmpi eq, %arg0, %eq3A : i32
    %mul3A_2 = arith.constant 120 : i32
    %mul3A_3 = arith.muli %arg1, %mul3A_2 : i32
    %mul3A_4 = arith.constant 40 : i32
    %mul3A_5 = arith.muli %arg1, %mul3A_4 : i32
    %add3A = arith.constant 1920 : i32
    %add3A_6 = arith.addi %add3A, %mul3A_5 : i32
    %select_n3A = arith.select %eq3A_1, %mul3A_3, %add3A_6 : i32
    "tpu.region"() ({
      %run_scoped3A = tpu.sem_alloc : memref<!tpu.dma_semaphore, #tpu.memory_space<semaphore_mem>>
      %dma_start3A = arith.constant 0 : i32
      %dma_start3A_48 = tpu.memref_slice %arg8[%mul3A_0, %dma_start3A] : memref<10112x16xf32, #tpu.memory_space<vmem_shared>> -> memref<632x16xf32, #tpu.memory_space<vmem_shared>>
      %dma_start3A_49 = arith.constant 0 : i32
      %dma_start3A_50 = tpu.memref_slice %arg4[%mul3A_0, %dma_start3A_49] : memref<10112x16xf32, #tpu.memory_space<hbm>> -> memref<632x16xf32, #tpu.memory_space<hbm>>
      tpu.enqueue_dma source(%dma_start3A_50 : memref<632x16xf32, #tpu.memory_space<hbm>>) target(%dma_start3A_48 : memref<632x16xf32, #tpu.memory_space<vmem_shared>>) target_semaphore(%run_scoped3A : memref<!tpu.dma_semaphore, #tpu.memory_space<semaphore_mem>>)
      %dma_wait3A_51 = arith.constant 0 : i32
      %dma_wait3A_52 = tpu.memref_slice %arg8[%mul3A_0, %dma_wait3A_51] : memref<10112x16xf32, #tpu.memory_space<vmem_shared>> -> memref<632x16xf32, #tpu.memory_space<vmem_shared>>
      %dma_wait3A_53 = arith.constant 0 : i32
      %dma_wait3A_54 = tpu.memref_slice %arg4[%mul3A_0, %dma_wait3A_53] : memref<10112x16xf32, #tpu.memory_space<hbm>> -> memref<632x16xf32, #tpu.memory_space<hbm>>
      tpu.wait_dma2 semaphore(%run_scoped3A : memref<!tpu.dma_semaphore, #tpu.memory_space<semaphore_mem>>) src(%dma_wait3A_54 : memref<632x16xf32, #tpu.memory_space<hbm>>) dst(%dma_wait3A_52 : memref<632x16xf32, #tpu.memory_space<vmem_shared>>)
      tpu.yield
    }) : () -> ()
    "tpu.region"() ({
      %run_scoped3A = tpu.sem_alloc : memref<!tpu.dma_semaphore, #tpu.memory_space<semaphore_mem>>
      tpu.enqueue_dma source(%arg3 : memref<128x16xf32, #tpu.memory_space<hbm>>) target(%arg7 : memref<128x16xf32, #tpu.memory_space<vmem>>) target_semaphore(%run_scoped3A : memref<!tpu.dma_semaphore, #tpu.memory_space<semaphore_mem>>)
      tpu.wait_dma2 semaphore(%run_scoped3A : memref<!tpu.dma_semaphore, #tpu.memory_space<semaphore_mem>>) src(%arg3 : memref<128x16xf32, #tpu.memory_space<hbm>>) dst(%arg7 : memref<128x16xf32, #tpu.memory_space<vmem>>)
      tpu.yield
    }) : () -> ()
    "tpu.region"() ({
      %run_scoped3A = tpu.sem_alloc : memref<!tpu.dma_semaphore, #tpu.memory_space<semaphore_mem>>
      %dma_start3A = arith.constant 0 : i32
      %dma_start3A_48 = tpu.memref_slice %arg2[%select_n3A, %dma_start3A] : memref<2688x128xi32, #tpu.memory_space<hbm>> -> memref<120x128xi32, #tpu.memory_space<hbm>>
      %dma_start3A_49 = arith.constant 0 : i32
      %dma_start3A_50 = tpu.memref_slice %arg2[%select_n3A, %dma_start3A_49] : memref<2688x128xi32, #tpu.memory_space<hbm>> -> memref<120x128xi32, #tpu.memory_space<hbm>>
      tpu.enqueue_dma source(%dma_start3A_50 : memref<120x128xi32, #tpu.memory_space<hbm>>) target(%arg6 : memref<120x128xi32, #tpu.memory_space<vmem>>) target_semaphore(%run_scoped3A : memref<!tpu.dma_semaphore, #tpu.memory_space<semaphore_mem>>)
      %dma_wait3A_51 = arith.constant 0 : i32
      %dma_wait3A_52 = tpu.memref_slice %arg2[%select_n3A, %dma_wait3A_51] : memref<2688x128xi32, #tpu.memory_space<hbm>> -> memref<120x128xi32, #tpu.memory_space<hbm>>
      %dma_wait3A_53 = arith.constant 0 : i32
      %dma_wait3A_54 = tpu.memref_slice %arg2[%select_n3A, %dma_wait3A_53] : memref<2688x128xi32, #tpu.memory_space<hbm>> -> memref<120x128xi32, #tpu.memory_space<hbm>>
      tpu.wait_dma2 semaphore(%run_scoped3A : memref<!tpu.dma_semaphore, #tpu.memory_space<semaphore_mem>>) src(%dma_wait3A_54 : memref<120x128xi32, #tpu.memory_space<hbm>>) dst(%arg6 : memref<120x128xi32, #tpu.memory_space<vmem>>)
      tpu.yield
    }) : () -> ()
    %barrier3A = arith.constant 0 : index
    tpu.barrier barrier_id(%barrier3A)
    %eq3A_7 = arith.constant 0 : i32
    %eq3A_8 = arith.cmpi eq, %arg0, %eq3A_7 : i32
    %jit3A = arith.constant 30 : i32
    %jit3A_9 = arith.constant 10 : i32
    %select_n3A_10 = arith.select %eq3A_8, %jit3A, %jit3A_9 : i32
    %while3A = arith.constant 0 : i32
    %while3A_11 = arith.constant 0 : i32
    %while3A_12 = arith.subi %select_n3A_10, %while3A_11 : i32
    %while3A_13 = arith.addi %while3A_11, %while3A_12 : i32
    %while3A_14 = arith.constant 1 : i32
    %while3A_15 = arith.divsi %while3A_12, %while3A_14 : i32
    %while3A_16 = arith.muli %while3A_15, %while3A_14 : i32
    %while3A_17 = arith.addi %while3A_11, %while3A_16 : i32
    %while3A_18 = arith.constant 1 : i32
    scf.for %while3A_48 = %while3A_11 to %while3A_17 step %while3A_18  : i32 {
      %mul3A_49 = arith.constant 4 : i32
      %mul3A_50 = arith.muli %while3A_48, %mul3A_49 : i32
      %add3A_51 = arith.constant 0 : i32
      %add3A_52 = arith.addi %mul3A_50, %add3A_51 : i32
      %dma_start3A = arith.constant 0 : i32
      %dma_start3A_53 = tpu.memref_slice %arg6[%add3A_52, %dma_start3A] : memref<120x128xi32, #tpu.memory_space<vmem>> -> memref<1x128xi32, #tpu.memory_space<vmem>>
      %dma_start3A_54 = tpu.memref_squeeze %dma_start3A_53 : memref<1x128xi32, #tpu.memory_space<vmem>> -> memref<128xi32, #tpu.memory_space<vmem>>
      %dma_start3A_55 = arith.constant 0 : i32
      %dma_start3A_56 = arith.constant 0 : i32
      %dma_start3A_57 = tpu.memref_slice %arg8[%dma_start3A_55, %dma_start3A_56] : memref<10112x16xf32, #tpu.memory_space<vmem_shared>> -> memref<10112x16xf32, #tpu.memory_space<vmem_shared>>
      tpu.enqueue_indirect_dma source(%arg7 : memref<128x16xf32, #tpu.memory_space<vmem>>) target(%dma_start3A_57 : memref<10112x16xf32, #tpu.memory_space<vmem_shared>>) offsets(%dma_start3A_54 : memref<128xi32, #tpu.memory_space<vmem>>) semaphore(%arg9 : memref<!tpu.dma_semaphore, #tpu.memory_space<semaphore_mem>>) {add = true}
      %add3A_58 = arith.constant 1 : i32
      %add3A_59 = arith.addi %mul3A_50, %add3A_58 : i32
      %dma_start3A_60 = arith.constant 0 : i32
      %dma_start3A_61 = tpu.memref_slice %arg6[%add3A_59, %dma_start3A_60] : memref<120x128xi32, #tpu.memory_space<vmem>> -> memref<1x128xi32, #tpu.memory_space<vmem>>
      %dma_start3A_62 = tpu.memref_squeeze %dma_start3A_61 : memref<1x128xi32, #tpu.memory_space<vmem>> -> memref<128xi32, #tpu.memory_space<vmem>>
      %dma_start3A_63 = arith.constant 0 : i32
      %dma_start3A_64 = arith.constant 0 : i32
      %dma_start3A_65 = tpu.memref_slice %arg8[%dma_start3A_63, %dma_start3A_64] : memref<10112x16xf32, #tpu.memory_space<vmem_shared>> -> memref<10112x16xf32, #tpu.memory_space<vmem_shared>>
      tpu.enqueue_indirect_dma source(%arg7 : memref<128x16xf32, #tpu.memory_space<vmem>>) target(%dma_start3A_65 : memref<10112x16xf32, #tpu.memory_space<vmem_shared>>) offsets(%dma_start3A_62 : memref<128xi32, #tpu.memory_space<vmem>>) semaphore(%arg9 : memref<!tpu.dma_semaphore, #tpu.memory_space<semaphore_mem>>) {add = true}
      %add3A_66 = arith.constant 2 : i32
      %add3A_67 = arith.addi %mul3A_50, %add3A_66 : i32
      %dma_start3A_68 = arith.constant 0 : i32
      %dma_start3A_69 = tpu.memref_slice %arg6[%add3A_67, %dma_start3A_68] : memref<120x128xi32, #tpu.memory_space<vmem>> -> memref<1x128xi32, #tpu.memory_space<vmem>>
      %dma_start3A_70 = tpu.memref_squeeze %dma_start3A_69 : memref<1x128xi32, #tpu.memory_space<vmem>> -> memref<128xi32, #tpu.memory_space<vmem>>
      %dma_start3A_71 = arith.constant 0 : i32
      %dma_start3A_72 = arith.constant 0 : i32
      %dma_start3A_73 = tpu.memref_slice %arg8[%dma_start3A_71, %dma_start3A_72] : memref<10112x16xf32, #tpu.memory_space<vmem_shared>> -> memref<10112x16xf32, #tpu.memory_space<vmem_shared>>
      tpu.enqueue_indirect_dma source(%arg7 : memref<128x16xf32, #tpu.memory_space<vmem>>) target(%dma_start3A_73 : memref<10112x16xf32, #tpu.memory_space<vmem_shared>>) offsets(%dma_start3A_70 : memref<128xi32, #tpu.memory_space<vmem>>) semaphore(%arg9 : memref<!tpu.dma_semaphore, #tpu.memory_space<semaphore_mem>>) {add = true}
      %add3A_74 = arith.constant 3 : i32
      %add3A_75 = arith.addi %mul3A_50, %add3A_74 : i32
      %dma_start3A_76 = arith.constant 0 : i32
      %dma_start3A_77 = tpu.memref_slice %arg6[%add3A_75, %dma_start3A_76] : memref<120x128xi32, #tpu.memory_space<vmem>> -> memref<1x128xi32, #tpu.memory_space<vmem>>
      %dma_start3A_78 = tpu.memref_squeeze %dma_start3A_77 : memref<1x128xi32, #tpu.memory_space<vmem>> -> memref<128xi32, #tpu.memory_space<vmem>>
      %dma_start3A_79 = arith.constant 0 : i32
      %dma_start3A_80 = arith.constant 0 : i32
      %dma_start3A_81 = tpu.memref_slice %arg8[%dma_start3A_79, %dma_start3A_80] : memref<10112x16xf32, #tpu.memory_space<vmem_shared>> -> memref<10112x16xf32, #tpu.memory_space<vmem_shared>>
      tpu.enqueue_indirect_dma source(%arg7 : memref<128x16xf32, #tpu.memory_space<vmem>>) target(%dma_start3A_81 : memref<10112x16xf32, #tpu.memory_space<vmem_shared>>) offsets(%dma_start3A_78 : memref<128xi32, #tpu.memory_space<vmem>>) semaphore(%arg9 : memref<!tpu.dma_semaphore, #tpu.memory_space<semaphore_mem>>) {add = true}
      %gt3A = arith.constant 0 : i32
      %gt3A_82 = arith.cmpi sgt, %while3A_48, %gt3A : i32
      %convert_element_type3A = arith.extui %gt3A_82 : i1 to i32
      %cond3A = arith.constant 0 : i32
      %cond3A_83 = arith.cmpi ne, %convert_element_type3A, %cond3A : i32
      scf.if %cond3A_83 {
        %dma_wait3A_84 = arith.constant 0 : i32
        %dma_wait3A_85 = arith.constant 0 : i32
        %dma_wait3A_86 = tpu.memref_slice %arg6[%dma_wait3A_84, %dma_wait3A_85] : memref<120x128xi32, #tpu.memory_space<vmem>> -> memref<1x128xi32, #tpu.memory_space<vmem>>
        %dma_wait3A_87 = tpu.memref_squeeze %dma_wait3A_86 : memref<1x128xi32, #tpu.memory_space<vmem>> -> memref<128xi32, #tpu.memory_space<vmem>>
        %dma_wait3A_88 = arith.constant 0 : i32
        %dma_wait3A_89 = arith.constant 0 : i32
        %dma_wait3A_90 = tpu.memref_slice %arg8[%dma_wait3A_88, %dma_wait3A_89] : memref<10112x16xf32, #tpu.memory_space<vmem_shared>> -> memref<10112x16xf32, #tpu.memory_space<vmem_shared>>
        tpu.wait_indirect_dma semaphore(%arg9 : memref<!tpu.dma_semaphore, #tpu.memory_space<semaphore_mem>>) src(%arg7 : memref<128x16xf32, #tpu.memory_space<vmem>>) dst(%dma_wait3A_90 : memref<10112x16xf32, #tpu.memory_space<vmem_shared>>)
        %dma_wait3A_91 = arith.constant 0 : i32
        %dma_wait3A_92 = arith.constant 0 : i32
        %dma_wait3A_93 = tpu.memref_slice %arg6[%dma_wait3A_91, %dma_wait3A_92] : memref<120x128xi32, #tpu.memory_space<vmem>> -> memref<1x128xi32, #tpu.memory_space<vmem>>
        %dma_wait3A_94 = tpu.memref_squeeze %dma_wait3A_93 : memref<1x128xi32, #tpu.memory_space<vmem>> -> memref<128xi32, #tpu.memory_space<vmem>>
        %dma_wait3A_95 = arith.constant 0 : i32
        %dma_wait3A_96 = arith.constant 0 : i32
        %dma_wait3A_97 = tpu.memref_slice %arg8[%dma_wait3A_95, %dma_wait3A_96] : memref<10112x16xf32, #tpu.memory_space<vmem_shared>> -> memref<10112x16xf32, #tpu.memory_space<vmem_shared>>
        tpu.wait_indirect_dma semaphore(%arg9 : memref<!tpu.dma_semaphore, #tpu.memory_space<semaphore_mem>>) src(%arg7 : memref<128x16xf32, #tpu.memory_space<vmem>>) dst(%dma_wait3A_97 : memref<10112x16xf32, #tpu.memory_space<vmem_shared>>)
        %dma_wait3A_98 = arith.constant 0 : i32
        %dma_wait3A_99 = arith.constant 0 : i32
        %dma_wait3A_100 = tpu.memref_slice %arg6[%dma_wait3A_98, %dma_wait3A_99] : memref<120x128xi32, #tpu.memory_space<vmem>> -> memref<1x128xi32, #tpu.memory_space<vmem>>
        %dma_wait3A_101 = tpu.memref_squeeze %dma_wait3A_100 : memref<1x128xi32, #tpu.memory_space<vmem>> -> memref<128xi32, #tpu.memory_space<vmem>>
        %dma_wait3A_102 = arith.constant 0 : i32
        %dma_wait3A_103 = arith.constant 0 : i32
        %dma_wait3A_104 = tpu.memref_slice %arg8[%dma_wait3A_102, %dma_wait3A_103] : memref<10112x16xf32, #tpu.memory_space<vmem_shared>> -> memref<10112x16xf32, #tpu.memory_space<vmem_shared>>
        tpu.wait_indirect_dma semaphore(%arg9 : memref<!tpu.dma_semaphore, #tpu.memory_space<semaphore_mem>>) src(%arg7 : memref<128x16xf32, #tpu.memory_space<vmem>>) dst(%dma_wait3A_104 : memref<10112x16xf32, #tpu.memory_space<vmem_shared>>)
        %dma_wait3A_105 = arith.constant 0 : i32
        %dma_wait3A_106 = arith.constant 0 : i32
        %dma_wait3A_107 = tpu.memref_slice %arg6[%dma_wait3A_105, %dma_wait3A_106] : memref<120x128xi32, #tpu.memory_space<vmem>> -> memref<1x128xi32, #tpu.memory_space<vmem>>
        %dma_wait3A_108 = tpu.memref_squeeze %dma_wait3A_107 : memref<1x128xi32, #tpu.memory_space<vmem>> -> memref<128xi32, #tpu.memory_space<vmem>>
        %dma_wait3A_109 = arith.constant 0 : i32
        %dma_wait3A_110 = arith.constant 0 : i32
        %dma_wait3A_111 = tpu.memref_slice %arg8[%dma_wait3A_109, %dma_wait3A_110] : memref<10112x16xf32, #tpu.memory_space<vmem_shared>> -> memref<10112x16xf32, #tpu.memory_space<vmem_shared>>
        tpu.wait_indirect_dma semaphore(%arg9 : memref<!tpu.dma_semaphore, #tpu.memory_space<semaphore_mem>>) src(%arg7 : memref<128x16xf32, #tpu.memory_space<vmem>>) dst(%dma_wait3A_111 : memref<10112x16xf32, #tpu.memory_space<vmem_shared>>)
      } else {
      }
    }
    %while3A_19 = arith.constant 1 : i32
    scf.for %while3A_48 = %while3A_17 to %while3A_13 step %while3A_19  : i32 {
      %mul3A_49 = arith.constant 4 : i32
      %mul3A_50 = arith.muli %while3A_48, %mul3A_49 : i32
      %add3A_51 = arith.constant 0 : i32
      %add3A_52 = arith.addi %mul3A_50, %add3A_51 : i32
      %dma_start3A = arith.constant 0 : i32
      %dma_start3A_53 = tpu.memref_slice %arg6[%add3A_52, %dma_start3A] : memref<120x128xi32, #tpu.memory_space<vmem>> -> memref<1x128xi32, #tpu.memory_space<vmem>>
      %dma_start3A_54 = tpu.memref_squeeze %dma_start3A_53 : memref<1x128xi32, #tpu.memory_space<vmem>> -> memref<128xi32, #tpu.memory_space<vmem>>
      %dma_start3A_55 = arith.constant 0 : i32
      %dma_start3A_56 = arith.constant 0 : i32
      %dma_start3A_57 = tpu.memref_slice %arg8[%dma_start3A_55, %dma_start3A_56] : memref<10112x16xf32, #tpu.memory_space<vmem_shared>> -> memref<10112x16xf32, #tpu.memory_space<vmem_shared>>
      tpu.enqueue_indirect_dma source(%arg7 : memref<128x16xf32, #tpu.memory_space<vmem>>) target(%dma_start3A_57 : memref<10112x16xf32, #tpu.memory_space<vmem_shared>>) offsets(%dma_start3A_54 : memref<128xi32, #tpu.memory_space<vmem>>) semaphore(%arg9 : memref<!tpu.dma_semaphore, #tpu.memory_space<semaphore_mem>>) {add = true}
      %add3A_58 = arith.constant 1 : i32
      %add3A_59 = arith.addi %mul3A_50, %add3A_58 : i32
      %dma_start3A_60 = arith.constant 0 : i32
      %dma_start3A_61 = tpu.memref_slice %arg6[%add3A_59, %dma_start3A_60] : memref<120x128xi32, #tpu.memory_space<vmem>> -> memref<1x128xi32, #tpu.memory_space<vmem>>
      %dma_start3A_62 = tpu.memref_squeeze %dma_start3A_61 : memref<1x128xi32, #tpu.memory_space<vmem>> -> memref<128xi32, #tpu.memory_space<vmem>>
      %dma_start3A_63 = arith.constant 0 : i32
      %dma_start3A_64 = arith.constant 0 : i32
      %dma_start3A_65 = tpu.memref_slice %arg8[%dma_start3A_63, %dma_start3A_64] : memref<10112x16xf32, #tpu.memory_space<vmem_shared>> -> memref<10112x16xf32, #tpu.memory_space<vmem_shared>>
      tpu.enqueue_indirect_dma source(%arg7 : memref<128x16xf32, #tpu.memory_space<vmem>>) target(%dma_start3A_65 : memref<10112x16xf32, #tpu.memory_space<vmem_shared>>) offsets(%dma_start3A_62 : memref<128xi32, #tpu.memory_space<vmem>>) semaphore(%arg9 : memref<!tpu.dma_semaphore, #tpu.memory_space<semaphore_mem>>) {add = true}
      %add3A_66 = arith.constant 2 : i32
      %add3A_67 = arith.addi %mul3A_50, %add3A_66 : i32
      %dma_start3A_68 = arith.constant 0 : i32
      %dma_start3A_69 = tpu.memref_slice %arg6[%add3A_67, %dma_start3A_68] : memref<120x128xi32, #tpu.memory_space<vmem>> -> memref<1x128xi32, #tpu.memory_space<vmem>>
      %dma_start3A_70 = tpu.memref_squeeze %dma_start3A_69 : memref<1x128xi32, #tpu.memory_space<vmem>> -> memref<128xi32, #tpu.memory_space<vmem>>
      %dma_start3A_71 = arith.constant 0 : i32
      %dma_start3A_72 = arith.constant 0 : i32
      %dma_start3A_73 = tpu.memref_slice %arg8[%dma_start3A_71, %dma_start3A_72] : memref<10112x16xf32, #tpu.memory_space<vmem_shared>> -> memref<10112x16xf32, #tpu.memory_space<vmem_shared>>
      tpu.enqueue_indirect_dma source(%arg7 : memref<128x16xf32, #tpu.memory_space<vmem>>) target(%dma_start3A_73 : memref<10112x16xf32, #tpu.memory_space<vmem_shared>>) offsets(%dma_start3A_70 : memref<128xi32, #tpu.memory_space<vmem>>) semaphore(%arg9 : memref<!tpu.dma_semaphore, #tpu.memory_space<semaphore_mem>>) {add = true}
      %add3A_74 = arith.constant 3 : i32
      %add3A_75 = arith.addi %mul3A_50, %add3A_74 : i32
      %dma_start3A_76 = arith.constant 0 : i32
      %dma_start3A_77 = tpu.memref_slice %arg6[%add3A_75, %dma_start3A_76] : memref<120x128xi32, #tpu.memory_space<vmem>> -> memref<1x128xi32, #tpu.memory_space<vmem>>
      %dma_start3A_78 = tpu.memref_squeeze %dma_start3A_77 : memref<1x128xi32, #tpu.memory_space<vmem>> -> memref<128xi32, #tpu.memory_space<vmem>>
      %dma_start3A_79 = arith.constant 0 : i32
      %dma_start3A_80 = arith.constant 0 : i32
      %dma_start3A_81 = tpu.memref_slice %arg8[%dma_start3A_79, %dma_start3A_80] : memref<10112x16xf32, #tpu.memory_space<vmem_shared>> -> memref<10112x16xf32, #tpu.memory_space<vmem_shared>>
      tpu.enqueue_indirect_dma source(%arg7 : memref<128x16xf32, #tpu.memory_space<vmem>>) target(%dma_start3A_81 : memref<10112x16xf32, #tpu.memory_space<vmem_shared>>) offsets(%dma_start3A_78 : memref<128xi32, #tpu.memory_space<vmem>>) semaphore(%arg9 : memref<!tpu.dma_semaphore, #tpu.memory_space<semaphore_mem>>) {add = true}
      %gt3A = arith.constant 0 : i32
      %gt3A_82 = arith.cmpi sgt, %while3A_48, %gt3A : i32
      %convert_element_type3A = arith.extui %gt3A_82 : i1 to i32
      %cond3A = arith.constant 0 : i32
      %cond3A_83 = arith.cmpi ne, %convert_element_type3A, %cond3A : i32
      scf.if %cond3A_83 {
        %dma_wait3A_84 = arith.constant 0 : i32
        %dma_wait3A_85 = arith.constant 0 : i32
        %dma_wait3A_86 = tpu.memref_slice %arg6[%dma_wait3A_84, %dma_wait3A_85] : memref<120x128xi32, #tpu.memory_space<vmem>> -> memref<1x128xi32, #tpu.memory_space<vmem>>
        %dma_wait3A_87 = tpu.memref_squeeze %dma_wait3A_86 : memref<1x128xi32, #tpu.memory_space<vmem>> -> memref<128xi32, #tpu.memory_space<vmem>>
        %dma_wait3A_88 = arith.constant 0 : i32
        %dma_wait3A_89 = arith.constant 0 : i32
        %dma_wait3A_90 = tpu.memref_slice %arg8[%dma_wait3A_88, %dma_wait3A_89] : memref<10112x16xf32, #tpu.memory_space<vmem_shared>> -> memref<10112x16xf32, #tpu.memory_space<vmem_shared>>
        tpu.wait_indirect_dma semaphore(%arg9 : memref<!tpu.dma_semaphore, #tpu.memory_space<semaphore_mem>>) src(%arg7 : memref<128x16xf32, #tpu.memory_space<vmem>>) dst(%dma_wait3A_90 : memref<10112x16xf32, #tpu.memory_space<vmem_shared>>)
        %dma_wait3A_91 = arith.constant 0 : i32
        %dma_wait3A_92 = arith.constant 0 : i32
        %dma_wait3A_93 = tpu.memref_slice %arg6[%dma_wait3A_91, %dma_wait3A_92] : memref<120x128xi32, #tpu.memory_space<vmem>> -> memref<1x128xi32, #tpu.memory_space<vmem>>
        %dma_wait3A_94 = tpu.memref_squeeze %dma_wait3A_93 : memref<1x128xi32, #tpu.memory_space<vmem>> -> memref<128xi32, #tpu.memory_space<vmem>>
        %dma_wait3A_95 = arith.constant 0 : i32
        %dma_wait3A_96 = arith.constant 0 : i32
        %dma_wait3A_97 = tpu.memref_slice %arg8[%dma_wait3A_95, %dma_wait3A_96] : memref<10112x16xf32, #tpu.memory_space<vmem_shared>> -> memref<10112x16xf32, #tpu.memory_space<vmem_shared>>
        tpu.wait_indirect_dma semaphore(%arg9 : memref<!tpu.dma_semaphore, #tpu.memory_space<semaphore_mem>>) src(%arg7 : memref<128x16xf32, #tpu.memory_space<vmem>>) dst(%dma_wait3A_97 : memref<10112x16xf32, #tpu.memory_space<vmem_shared>>)
        %dma_wait3A_98 = arith.constant 0 : i32
        %dma_wait3A_99 = arith.constant 0 : i32
        %dma_wait3A_100 = tpu.memref_slice %arg6[%dma_wait3A_98, %dma_wait3A_99] : memref<120x128xi32, #tpu.memory_space<vmem>> -> memref<1x128xi32, #tpu.memory_space<vmem>>
        %dma_wait3A_101 = tpu.memref_squeeze %dma_wait3A_100 : memref<1x128xi32, #tpu.memory_space<vmem>> -> memref<128xi32, #tpu.memory_space<vmem>>
        %dma_wait3A_102 = arith.constant 0 : i32
        %dma_wait3A_103 = arith.constant 0 : i32
        %dma_wait3A_104 = tpu.memref_slice %arg8[%dma_wait3A_102, %dma_wait3A_103] : memref<10112x16xf32, #tpu.memory_space<vmem_shared>> -> memref<10112x16xf32, #tpu.memory_space<vmem_shared>>
        tpu.wait_indirect_dma semaphore(%arg9 : memref<!tpu.dma_semaphore, #tpu.memory_space<semaphore_mem>>) src(%arg7 : memref<128x16xf32, #tpu.memory_space<vmem>>) dst(%dma_wait3A_104 : memref<10112x16xf32, #tpu.memory_space<vmem_shared>>)
        %dma_wait3A_105 = arith.constant 0 : i32
        %dma_wait3A_106 = arith.constant 0 : i32
        %dma_wait3A_107 = tpu.memref_slice %arg6[%dma_wait3A_105, %dma_wait3A_106] : memref<120x128xi32, #tpu.memory_space<vmem>> -> memref<1x128xi32, #tpu.memory_space<vmem>>
        %dma_wait3A_108 = tpu.memref_squeeze %dma_wait3A_107 : memref<1x128xi32, #tpu.memory_space<vmem>> -> memref<128xi32, #tpu.memory_space<vmem>>
        %dma_wait3A_109 = arith.constant 0 : i32
        %dma_wait3A_110 = arith.constant 0 : i32
        %dma_wait3A_111 = tpu.memref_slice %arg8[%dma_wait3A_109, %dma_wait3A_110] : memref<10112x16xf32, #tpu.memory_space<vmem_shared>> -> memref<10112x16xf32, #tpu.memory_space<vmem_shared>>
        tpu.wait_indirect_dma semaphore(%arg9 : memref<!tpu.dma_semaphore, #tpu.memory_space<semaphore_mem>>) src(%arg7 : memref<128x16xf32, #tpu.memory_space<vmem>>) dst(%dma_wait3A_111 : memref<10112x16xf32, #tpu.memory_space<vmem_shared>>)
      } else {
      }
    }
    %dma_wait3A = arith.constant 0 : i32
    %dma_wait3A_20 = arith.constant 0 : i32
    %dma_wait3A_21 = tpu.memref_slice %arg6[%dma_wait3A, %dma_wait3A_20] : memref<120x128xi32, #tpu.memory_space<vmem>> -> memref<1x128xi32, #tpu.memory_space<vmem>>
    %dma_wait3A_22 = tpu.memref_squeeze %dma_wait3A_21 : memref<1x128xi32, #tpu.memory_space<vmem>> -> memref<128xi32, #tpu.memory_space<vmem>>
    %dma_wait3A_23 = arith.constant 0 : i32
    %dma_wait3A_24 = arith.constant 0 : i32
    %dma_wait3A_25 = tpu.memref_slice %arg8[%dma_wait3A_23, %dma_wait3A_24] : memref<10112x16xf32, #tpu.memory_space<vmem_shared>> -> memref<10112x16xf32, #tpu.memory_space<vmem_shared>>
    tpu.wait_indirect_dma semaphore(%arg9 : memref<!tpu.dma_semaphore, #tpu.memory_space<semaphore_mem>>) src(%arg7 : memref<128x16xf32, #tpu.memory_space<vmem>>) dst(%dma_wait3A_25 : memref<10112x16xf32, #tpu.memory_space<vmem_shared>>)
    %dma_wait3A_26 = arith.constant 0 : i32
    %dma_wait3A_27 = arith.constant 0 : i32
    %dma_wait3A_28 = tpu.memref_slice %arg6[%dma_wait3A_26, %dma_wait3A_27] : memref<120x128xi32, #tpu.memory_space<vmem>> -> memref<1x128xi32, #tpu.memory_space<vmem>>
    %dma_wait3A_29 = tpu.memref_squeeze %dma_wait3A_28 : memref<1x128xi32, #tpu.memory_space<vmem>> -> memref<128xi32, #tpu.memory_space<vmem>>
    %dma_wait3A_30 = arith.constant 0 : i32
    %dma_wait3A_31 = arith.constant 0 : i32
    %dma_wait3A_32 = tpu.memref_slice %arg8[%dma_wait3A_30, %dma_wait3A_31] : memref<10112x16xf32, #tpu.memory_space<vmem_shared>> -> memref<10112x16xf32, #tpu.memory_space<vmem_shared>>
    tpu.wait_indirect_dma semaphore(%arg9 : memref<!tpu.dma_semaphore, #tpu.memory_space<semaphore_mem>>) src(%arg7 : memref<128x16xf32, #tpu.memory_space<vmem>>) dst(%dma_wait3A_32 : memref<10112x16xf32, #tpu.memory_space<vmem_shared>>)
    %dma_wait3A_33 = arith.constant 0 : i32
    %dma_wait3A_34 = arith.constant 0 : i32
    %dma_wait3A_35 = tpu.memref_slice %arg6[%dma_wait3A_33, %dma_wait3A_34] : memref<120x128xi32, #tpu.memory_space<vmem>> -> memref<1x128xi32, #tpu.memory_space<vmem>>
    %dma_wait3A_36 = tpu.memref_squeeze %dma_wait3A_35 : memref<1x128xi32, #tpu.memory_space<vmem>> -> memref<128xi32, #tpu.memory_space<vmem>>
    %dma_wait3A_37 = arith.constant 0 : i32
    %dma_wait3A_38 = arith.constant 0 : i32
    %dma_wait3A_39 = tpu.memref_slice %arg8[%dma_wait3A_37, %dma_wait3A_38] : memref<10112x16xf32, #tpu.memory_space<vmem_shared>> -> memref<10112x16xf32, #tpu.memory_space<vmem_shared>>
    tpu.wait_indirect_dma semaphore(%arg9 : memref<!tpu.dma_semaphore, #tpu.memory_space<semaphore_mem>>) src(%arg7 : memref<128x16xf32, #tpu.memory_space<vmem>>) dst(%dma_wait3A_39 : memref<10112x16xf32, #tpu.memory_space<vmem_shared>>)
    %dma_wait3A_40 = arith.constant 0 : i32
    %dma_wait3A_41 = arith.constant 0 : i32
    %dma_wait3A_42 = tpu.memref_slice %arg6[%dma_wait3A_40, %dma_wait3A_41] : memref<120x128xi32, #tpu.memory_space<vmem>> -> memref<1x128xi32, #tpu.memory_space<vmem>>
    %dma_wait3A_43 = tpu.memref_squeeze %dma_wait3A_42 : memref<1x128xi32, #tpu.memory_space<vmem>> -> memref<128xi32, #tpu.memory_space<vmem>>
    %dma_wait3A_44 = arith.constant 0 : i32
    %dma_wait3A_45 = arith.constant 0 : i32
    %dma_wait3A_46 = tpu.memref_slice %arg8[%dma_wait3A_44, %dma_wait3A_45] : memref<10112x16xf32, #tpu.memory_space<vmem_shared>> -> memref<10112x16xf32, #tpu.memory_space<vmem_shared>>
    tpu.wait_indirect_dma semaphore(%arg9 : memref<!tpu.dma_semaphore, #tpu.memory_space<semaphore_mem>>) src(%arg7 : memref<128x16xf32, #tpu.memory_space<vmem>>) dst(%dma_wait3A_46 : memref<10112x16xf32, #tpu.memory_space<vmem_shared>>)
    %barrier3A_47 = arith.constant 0 : index
    tpu.barrier barrier_id(%barrier3A_47)
    "tpu.region"() ({
      %run_scoped3A = tpu.sem_alloc : memref<!tpu.dma_semaphore, #tpu.memory_space<semaphore_mem>>
      %dma_start3A = arith.constant 0 : i32
      %dma_start3A_48 = tpu.memref_slice %arg5[%arg0, %mul3A_0, %dma_start3A] : memref<2x10112x16xf32, #tpu.memory_space<hbm>> -> memref<1x632x16xf32, #tpu.memory_space<hbm>>
      %dma_start3A_49 = tpu.memref_squeeze %dma_start3A_48 : memref<1x632x16xf32, #tpu.memory_space<hbm>> -> memref<632x16xf32, #tpu.memory_space<hbm>>
      %dma_start3A_50 = arith.constant 0 : i32
      %dma_start3A_51 = tpu.memref_slice %arg8[%mul3A_0, %dma_start3A_50] : memref<10112x16xf32, #tpu.memory_space<vmem_shared>> -> memref<632x16xf32, #tpu.memory_space<vmem_shared>>
      tpu.enqueue_dma source(%dma_start3A_51 : memref<632x16xf32, #tpu.memory_space<vmem_shared>>) target(%dma_start3A_49 : memref<632x16xf32, #tpu.memory_space<hbm>>) target_semaphore(%run_scoped3A : memref<!tpu.dma_semaphore, #tpu.memory_space<semaphore_mem>>)
      %dma_wait3A_52 = arith.constant 0 : i32
      %dma_wait3A_53 = tpu.memref_slice %arg5[%arg0, %mul3A_0, %dma_wait3A_52] : memref<2x10112x16xf32, #tpu.memory_space<hbm>> -> memref<1x632x16xf32, #tpu.memory_space<hbm>>
      %dma_wait3A_54 = tpu.memref_squeeze %dma_wait3A_53 : memref<1x632x16xf32, #tpu.memory_space<hbm>> -> memref<632x16xf32, #tpu.memory_space<hbm>>
      %dma_wait3A_55 = arith.constant 0 : i32
      %dma_wait3A_56 = tpu.memref_slice %arg8[%mul3A_0, %dma_wait3A_55] : memref<10112x16xf32, #tpu.memory_space<vmem_shared>> -> memref<632x16xf32, #tpu.memory_space<vmem_shared>>
      tpu.wait_dma2 semaphore(%run_scoped3A : memref<!tpu.dma_semaphore, #tpu.memory_space<semaphore_mem>>) src(%dma_wait3A_56 : memref<632x16xf32, #tpu.memory_space<vmem_shared>>) dst(%dma_wait3A_54 : memref<632x16xf32, #tpu.memory_space<hbm>>)
      tpu.yield
    }) : () -> ()
    return
  }
}

#map = affine_map<(d0, d1) -> (0, 0)>
#map1 = affine_map<(d0, d1) -> (0)>
#map2 = affine_map<(d0, d1) -> (0, 0, 0)>
module attributes {stable_mosaic.version = 14 : i64} {
  func.func @edge_kernel(%arg0: i32, %arg1: i32, %arg2: memref<10112x16xf32, #tpu.memory_space<hbm>>, %arg3: memref<344064xi32, #tpu.memory_space<hbm>>, %arg4: memref<2688x128xi32, #tpu.memory_space<hbm>>, %arg5: memref<10112x16xf32, #tpu.memory_space<hbm>>, %arg6: memref<2x10112x16xf32, #tpu.memory_space<hbm>>, %arg7: memref<16384xi32, #tpu.memory_space<vmem>>, %arg8: memref<128x128xi32, #tpu.memory_space<vmem>>, %arg9: memref<512x16xf32, #tpu.memory_space<vmem>>, %arg10: memref<512x16xf32, #tpu.memory_space<vmem>>, %arg11: memref<10112x16xf32, #tpu.memory_space<vmem_shared>>, %arg12: memref<!tpu.dma_semaphore, #tpu.memory_space<semaphore_mem>>, %arg13: memref<!tpu.dma_semaphore, #tpu.memory_space<semaphore_mem>>) attributes {dimension_semantics = [#tpu.dimension_semantics<core_parallel>, #tpu.dimension_semantics<subcore_parallel>], iteration_bounds = array<i64: 2, 16>, scalar_prefetch = 0 : i64, scratch_operands = 7 : i64, tpu.core_type = #tpu.core_type<sc_vector_subcore>, window_params = [{transform_indices = #map}, {transform_indices = #map1}, {transform_indices = #map}, {transform_indices = #map}, {transform_indices = #map2}]} {
    %mul3A = arith.constant 632 : i32
    %mul3A_0 = arith.muli %arg1, %mul3A : i32
    %eq3A = arith.constant 0 : i32
    %eq3A_1 = arith.cmpi eq, %arg0, %eq3A : i32
    %mul3A_2 = arith.constant 128 : i32
    %mul3A_3 = arith.muli %arg1, %mul3A_2 : i32
    %mul3A_4 = arith.constant 32 : i32
    %mul3A_5 = arith.muli %arg1, %mul3A_4 : i32
    %add3A = arith.constant 2048 : i32
    %add3A_6 = arith.addi %add3A, %mul3A_5 : i32
    %select_n3A = arith.select %eq3A_1, %mul3A_3, %add3A_6 : i32
    %eq3A_7 = arith.constant 0 : i32
    %eq3A_8 = arith.cmpi eq, %arg0, %eq3A_7 : i32
    %jit3A = arith.constant 16 : i32
    %jit3A_9 = arith.constant 4 : i32
    %select_n3A_10 = arith.select %eq3A_8, %jit3A, %jit3A_9 : i32
    %mul3A_11 = arith.constant 2 : i32
    %mul3A_12 = arith.muli %mul3A_11, %select_n3A_10 : i32
    %eq3A_13 = arith.constant 0 : i32
    %eq3A_14 = arith.cmpi eq, %arg0, %eq3A_13 : i32
    %convert_element_type3A = arith.extui %eq3A_14 : i1 to i32
    %cond3A = arith.constant 0 : i32
    %cond3A_15 = arith.cmpi ne, %convert_element_type3A, %cond3A : i32
    scf.if %cond3A_15 {
      "tpu.region"() ({
        %run_scoped3A = tpu.sem_alloc : memref<!tpu.dma_semaphore, #tpu.memory_space<semaphore_mem>>
        %dma_start3A_75 = arith.constant 0 : i32
        %dma_start3A_76 = tpu.memref_slice %arg11[%mul3A_0, %dma_start3A_75] : memref<10112x16xf32, #tpu.memory_space<vmem_shared>> -> memref<632x16xf32, #tpu.memory_space<vmem_shared>>
        %dma_start3A_77 = arith.constant 0 : i32
        %dma_start3A_78 = tpu.memref_slice %arg2[%mul3A_0, %dma_start3A_77] : memref<10112x16xf32, #tpu.memory_space<hbm>> -> memref<632x16xf32, #tpu.memory_space<hbm>>
        tpu.enqueue_dma source(%dma_start3A_78 : memref<632x16xf32, #tpu.memory_space<hbm>>) target(%dma_start3A_76 : memref<632x16xf32, #tpu.memory_space<vmem_shared>>) target_semaphore(%run_scoped3A : memref<!tpu.dma_semaphore, #tpu.memory_space<semaphore_mem>>)
        %dma_wait3A_79 = arith.constant 0 : i32
        %dma_wait3A_80 = tpu.memref_slice %arg11[%mul3A_0, %dma_wait3A_79] : memref<10112x16xf32, #tpu.memory_space<vmem_shared>> -> memref<632x16xf32, #tpu.memory_space<vmem_shared>>
        %dma_wait3A_81 = arith.constant 0 : i32
        %dma_wait3A_82 = tpu.memref_slice %arg2[%mul3A_0, %dma_wait3A_81] : memref<10112x16xf32, #tpu.memory_space<hbm>> -> memref<632x16xf32, #tpu.memory_space<hbm>>
        tpu.wait_dma2 semaphore(%run_scoped3A : memref<!tpu.dma_semaphore, #tpu.memory_space<semaphore_mem>>) src(%dma_wait3A_82 : memref<632x16xf32, #tpu.memory_space<hbm>>) dst(%dma_wait3A_80 : memref<632x16xf32, #tpu.memory_space<vmem_shared>>)
        tpu.yield
      }) : () -> ()
    } else {
    }
    %ne3A = arith.constant 0 : i32
    %ne3A_16 = arith.cmpi ne, %arg0, %ne3A : i32
    %convert_element_type3A_17 = arith.extui %ne3A_16 : i1 to i32
    %cond3A_18 = arith.constant 0 : i32
    %cond3A_19 = arith.cmpi ne, %convert_element_type3A_17, %cond3A_18 : i32
    scf.if %cond3A_19 {
      "tpu.region"() ({
        %run_scoped3A = tpu.sem_alloc : memref<!tpu.dma_semaphore, #tpu.memory_space<semaphore_mem>>
        %dma_start3A_75 = arith.constant 0 : i32
        %dma_start3A_76 = tpu.memref_slice %arg11[%mul3A_0, %dma_start3A_75] : memref<10112x16xf32, #tpu.memory_space<vmem_shared>> -> memref<632x16xf32, #tpu.memory_space<vmem_shared>>
        %dma_start3A_77 = arith.constant 0 : i32
        %dma_start3A_78 = tpu.memref_slice %arg5[%mul3A_0, %dma_start3A_77] : memref<10112x16xf32, #tpu.memory_space<hbm>> -> memref<632x16xf32, #tpu.memory_space<hbm>>
        tpu.enqueue_dma source(%dma_start3A_78 : memref<632x16xf32, #tpu.memory_space<hbm>>) target(%dma_start3A_76 : memref<632x16xf32, #tpu.memory_space<vmem_shared>>) target_semaphore(%run_scoped3A : memref<!tpu.dma_semaphore, #tpu.memory_space<semaphore_mem>>)
        %dma_wait3A_79 = arith.constant 0 : i32
        %dma_wait3A_80 = tpu.memref_slice %arg11[%mul3A_0, %dma_wait3A_79] : memref<10112x16xf32, #tpu.memory_space<vmem_shared>> -> memref<632x16xf32, #tpu.memory_space<vmem_shared>>
        %dma_wait3A_81 = arith.constant 0 : i32
        %dma_wait3A_82 = tpu.memref_slice %arg5[%mul3A_0, %dma_wait3A_81] : memref<10112x16xf32, #tpu.memory_space<hbm>> -> memref<632x16xf32, #tpu.memory_space<hbm>>
        tpu.wait_dma2 semaphore(%run_scoped3A : memref<!tpu.dma_semaphore, #tpu.memory_space<semaphore_mem>>) src(%dma_wait3A_82 : memref<632x16xf32, #tpu.memory_space<hbm>>) dst(%dma_wait3A_80 : memref<632x16xf32, #tpu.memory_space<vmem_shared>>)
        tpu.yield
      }) : () -> ()
    } else {
    }
    %mul3A_20 = arith.constant 128 : i32
    %mul3A_21 = arith.muli %select_n3A, %mul3A_20 : i32
    "tpu.region"() ({
      %run_scoped3A = tpu.sem_alloc : memref<!tpu.dma_semaphore, #tpu.memory_space<semaphore_mem>>
      %dma_start3A_75 = tpu.memref_slice %arg3[%mul3A_21] : memref<344064xi32, #tpu.memory_space<hbm>> -> memref<16384xi32, #tpu.memory_space<hbm>>
      %dma_start3A_76 = tpu.memref_slice %arg3[%mul3A_21] : memref<344064xi32, #tpu.memory_space<hbm>> -> memref<16384xi32, #tpu.memory_space<hbm>>
      tpu.enqueue_dma source(%dma_start3A_76 : memref<16384xi32, #tpu.memory_space<hbm>>) target(%arg7 : memref<16384xi32, #tpu.memory_space<vmem>>) target_semaphore(%run_scoped3A : memref<!tpu.dma_semaphore, #tpu.memory_space<semaphore_mem>>)
      %dma_wait3A_77 = tpu.memref_slice %arg3[%mul3A_21] : memref<344064xi32, #tpu.memory_space<hbm>> -> memref<16384xi32, #tpu.memory_space<hbm>>
      %dma_wait3A_78 = tpu.memref_slice %arg3[%mul3A_21] : memref<344064xi32, #tpu.memory_space<hbm>> -> memref<16384xi32, #tpu.memory_space<hbm>>
      tpu.wait_dma2 semaphore(%run_scoped3A : memref<!tpu.dma_semaphore, #tpu.memory_space<semaphore_mem>>) src(%dma_wait3A_78 : memref<16384xi32, #tpu.memory_space<hbm>>) dst(%arg7 : memref<16384xi32, #tpu.memory_space<vmem>>)
      tpu.yield
    }) : () -> ()
    "tpu.region"() ({
      %run_scoped3A = tpu.sem_alloc : memref<!tpu.dma_semaphore, #tpu.memory_space<semaphore_mem>>
      %dma_start3A_75 = arith.constant 0 : i32
      %dma_start3A_76 = tpu.memref_slice %arg4[%select_n3A, %dma_start3A_75] : memref<2688x128xi32, #tpu.memory_space<hbm>> -> memref<128x128xi32, #tpu.memory_space<hbm>>
      %dma_start3A_77 = arith.constant 0 : i32
      %dma_start3A_78 = tpu.memref_slice %arg4[%select_n3A, %dma_start3A_77] : memref<2688x128xi32, #tpu.memory_space<hbm>> -> memref<128x128xi32, #tpu.memory_space<hbm>>
      tpu.enqueue_dma source(%dma_start3A_78 : memref<128x128xi32, #tpu.memory_space<hbm>>) target(%arg8 : memref<128x128xi32, #tpu.memory_space<vmem>>) target_semaphore(%run_scoped3A : memref<!tpu.dma_semaphore, #tpu.memory_space<semaphore_mem>>)
      %dma_wait3A_79 = arith.constant 0 : i32
      %dma_wait3A_80 = tpu.memref_slice %arg4[%select_n3A, %dma_wait3A_79] : memref<2688x128xi32, #tpu.memory_space<hbm>> -> memref<128x128xi32, #tpu.memory_space<hbm>>
      %dma_wait3A_81 = arith.constant 0 : i32
      %dma_wait3A_82 = tpu.memref_slice %arg4[%select_n3A, %dma_wait3A_81] : memref<2688x128xi32, #tpu.memory_space<hbm>> -> memref<128x128xi32, #tpu.memory_space<hbm>>
      tpu.wait_dma2 semaphore(%run_scoped3A : memref<!tpu.dma_semaphore, #tpu.memory_space<semaphore_mem>>) src(%dma_wait3A_82 : memref<128x128xi32, #tpu.memory_space<hbm>>) dst(%arg8 : memref<128x128xi32, #tpu.memory_space<vmem>>)
      tpu.yield
    }) : () -> ()
    %barrier3A = arith.constant 0 : index
    tpu.barrier barrier_id(%barrier3A)
    %dma_start3A = arith.constant 0 : i32
    %dma_start3A_22 = tpu.memref_slice %arg7[%dma_start3A] : memref<16384xi32, #tpu.memory_space<vmem>> -> memref<512xi32, #tpu.memory_space<vmem>>
    %dma_start3A_23 = arith.constant 0 : i32
    %dma_start3A_24 = arith.constant 0 : i32
    %dma_start3A_25 = tpu.memref_slice %arg2[%dma_start3A_23, %dma_start3A_24] : memref<10112x16xf32, #tpu.memory_space<hbm>> -> memref<10112x16xf32, #tpu.memory_space<hbm>>
    tpu.enqueue_indirect_dma source(%dma_start3A_25 : memref<10112x16xf32, #tpu.memory_space<hbm>>) target(%arg9 : memref<512x16xf32, #tpu.memory_space<vmem>>) offsets(%dma_start3A_22 : memref<512xi32, #tpu.memory_space<vmem>>) semaphore(%arg12 : memref<!tpu.dma_semaphore, #tpu.memory_space<semaphore_mem>>)
    %while3A = arith.constant 0 : i32
    %while3A_26 = arith.constant 0 : i32
    %while3A_27 = arith.subi %select_n3A_10, %while3A_26 : i32
    %while3A_28 = arith.addi %while3A_26, %while3A_27 : i32
    %while3A_29 = arith.constant 1 : i32
    %while3A_30 = arith.divsi %while3A_27, %while3A_29 : i32
    %while3A_31 = arith.muli %while3A_30, %while3A_29 : i32
    %while3A_32 = arith.addi %while3A_26, %while3A_31 : i32
    %while3A_33 = arith.constant 1 : i32
    scf.for %while3A_75 = %while3A_26 to %while3A_32 step %while3A_33  : i32 {
      %mul3A_76 = arith.constant 2 : i32
      %mul3A_77 = arith.muli %mul3A_76, %while3A_75 : i32
      %add3A_78 = arith.constant 0 : i32
      %add3A_79 = arith.addi %mul3A_77, %add3A_78 : i32
      %ge3A = arith.constant 1 : i32
      %ge3A_80 = arith.cmpi sge, %add3A_79, %ge3A : i32
      %convert_element_type3A_81 = arith.extui %ge3A_80 : i1 to i32
      %cond3A_82 = arith.constant 0 : i32
      %cond3A_83 = arith.cmpi ne, %convert_element_type3A_81, %cond3A_82 : i32
      scf.if %cond3A_83 {
        %dma_wait3A_218 = arith.constant 0 : i32
        %dma_wait3A_219 = arith.constant 0 : i32
        %dma_wait3A_220 = arith.constant 0 : i32
        %dma_wait3A_221 = tpu.memref_slice %arg10[%dma_wait3A_219, %dma_wait3A_220] : memref<512x16xf32, #tpu.memory_space<vmem>> -> memref<128x16xf32, #tpu.memory_space<vmem>>
        %dma_wait3A_222 = arith.constant 0 : i32
        %dma_wait3A_223 = tpu.memref_slice %arg8[%dma_wait3A_218, %dma_wait3A_222] : memref<128x128xi32, #tpu.memory_space<vmem>> -> memref<1x128xi32, #tpu.memory_space<vmem>>
        %dma_wait3A_224 = tpu.memref_squeeze %dma_wait3A_223 : memref<1x128xi32, #tpu.memory_space<vmem>> -> memref<128xi32, #tpu.memory_space<vmem>>
        %dma_wait3A_225 = arith.constant 0 : i32
        %dma_wait3A_226 = arith.constant 0 : i32
        %dma_wait3A_227 = tpu.memref_slice %arg11[%dma_wait3A_225, %dma_wait3A_226] : memref<10112x16xf32, #tpu.memory_space<vmem_shared>> -> memref<10112x16xf32, #tpu.memory_space<vmem_shared>>
        tpu.wait_indirect_dma semaphore(%arg13 : memref<!tpu.dma_semaphore, #tpu.memory_space<semaphore_mem>>) src(%dma_wait3A_221 : memref<128x16xf32, #tpu.memory_space<vmem>>) dst(%dma_wait3A_227 : memref<10112x16xf32, #tpu.memory_space<vmem_shared>>)
        %dma_wait3A_228 = arith.constant 0 : i32
        %dma_wait3A_229 = arith.constant 128 : i32
        %dma_wait3A_230 = arith.constant 0 : i32
        %dma_wait3A_231 = tpu.memref_slice %arg10[%dma_wait3A_229, %dma_wait3A_230] : memref<512x16xf32, #tpu.memory_space<vmem>> -> memref<128x16xf32, #tpu.memory_space<vmem>>
        %dma_wait3A_232 = arith.constant 0 : i32
        %dma_wait3A_233 = tpu.memref_slice %arg8[%dma_wait3A_228, %dma_wait3A_232] : memref<128x128xi32, #tpu.memory_space<vmem>> -> memref<1x128xi32, #tpu.memory_space<vmem>>
        %dma_wait3A_234 = tpu.memref_squeeze %dma_wait3A_233 : memref<1x128xi32, #tpu.memory_space<vmem>> -> memref<128xi32, #tpu.memory_space<vmem>>
        %dma_wait3A_235 = arith.constant 0 : i32
        %dma_wait3A_236 = arith.constant 0 : i32
        %dma_wait3A_237 = tpu.memref_slice %arg11[%dma_wait3A_235, %dma_wait3A_236] : memref<10112x16xf32, #tpu.memory_space<vmem_shared>> -> memref<10112x16xf32, #tpu.memory_space<vmem_shared>>
        tpu.wait_indirect_dma semaphore(%arg13 : memref<!tpu.dma_semaphore, #tpu.memory_space<semaphore_mem>>) src(%dma_wait3A_231 : memref<128x16xf32, #tpu.memory_space<vmem>>) dst(%dma_wait3A_237 : memref<10112x16xf32, #tpu.memory_space<vmem_shared>>)
        %dma_wait3A_238 = arith.constant 0 : i32
        %dma_wait3A_239 = arith.constant 256 : i32
        %dma_wait3A_240 = arith.constant 0 : i32
        %dma_wait3A_241 = tpu.memref_slice %arg10[%dma_wait3A_239, %dma_wait3A_240] : memref<512x16xf32, #tpu.memory_space<vmem>> -> memref<128x16xf32, #tpu.memory_space<vmem>>
        %dma_wait3A_242 = arith.constant 0 : i32
        %dma_wait3A_243 = tpu.memref_slice %arg8[%dma_wait3A_238, %dma_wait3A_242] : memref<128x128xi32, #tpu.memory_space<vmem>> -> memref<1x128xi32, #tpu.memory_space<vmem>>
        %dma_wait3A_244 = tpu.memref_squeeze %dma_wait3A_243 : memref<1x128xi32, #tpu.memory_space<vmem>> -> memref<128xi32, #tpu.memory_space<vmem>>
        %dma_wait3A_245 = arith.constant 0 : i32
        %dma_wait3A_246 = arith.constant 0 : i32
        %dma_wait3A_247 = tpu.memref_slice %arg11[%dma_wait3A_245, %dma_wait3A_246] : memref<10112x16xf32, #tpu.memory_space<vmem_shared>> -> memref<10112x16xf32, #tpu.memory_space<vmem_shared>>
        tpu.wait_indirect_dma semaphore(%arg13 : memref<!tpu.dma_semaphore, #tpu.memory_space<semaphore_mem>>) src(%dma_wait3A_241 : memref<128x16xf32, #tpu.memory_space<vmem>>) dst(%dma_wait3A_247 : memref<10112x16xf32, #tpu.memory_space<vmem_shared>>)
        %dma_wait3A_248 = arith.constant 0 : i32
        %dma_wait3A_249 = arith.constant 384 : i32
        %dma_wait3A_250 = arith.constant 0 : i32
        %dma_wait3A_251 = tpu.memref_slice %arg10[%dma_wait3A_249, %dma_wait3A_250] : memref<512x16xf32, #tpu.memory_space<vmem>> -> memref<128x16xf32, #tpu.memory_space<vmem>>
        %dma_wait3A_252 = arith.constant 0 : i32
        %dma_wait3A_253 = tpu.memref_slice %arg8[%dma_wait3A_248, %dma_wait3A_252] : memref<128x128xi32, #tpu.memory_space<vmem>> -> memref<1x128xi32, #tpu.memory_space<vmem>>
        %dma_wait3A_254 = tpu.memref_squeeze %dma_wait3A_253 : memref<1x128xi32, #tpu.memory_space<vmem>> -> memref<128xi32, #tpu.memory_space<vmem>>
        %dma_wait3A_255 = arith.constant 0 : i32
        %dma_wait3A_256 = arith.constant 0 : i32
        %dma_wait3A_257 = tpu.memref_slice %arg11[%dma_wait3A_255, %dma_wait3A_256] : memref<10112x16xf32, #tpu.memory_space<vmem_shared>> -> memref<10112x16xf32, #tpu.memory_space<vmem_shared>>
        tpu.wait_indirect_dma semaphore(%arg13 : memref<!tpu.dma_semaphore, #tpu.memory_space<semaphore_mem>>) src(%dma_wait3A_251 : memref<128x16xf32, #tpu.memory_space<vmem>>) dst(%dma_wait3A_257 : memref<10112x16xf32, #tpu.memory_space<vmem_shared>>)
      } else {
      }
      %dma_wait3A_84 = arith.constant 0 : i32
      %dma_wait3A_85 = tpu.memref_slice %arg7[%dma_wait3A_84] : memref<16384xi32, #tpu.memory_space<vmem>> -> memref<512xi32, #tpu.memory_space<vmem>>
      %dma_wait3A_86 = arith.constant 0 : i32
      %dma_wait3A_87 = arith.constant 0 : i32
      %dma_wait3A_88 = tpu.memref_slice %arg2[%dma_wait3A_86, %dma_wait3A_87] : memref<10112x16xf32, #tpu.memory_space<hbm>> -> memref<10112x16xf32, #tpu.memory_space<hbm>>
      tpu.wait_indirect_dma semaphore(%arg12 : memref<!tpu.dma_semaphore, #tpu.memory_space<semaphore_mem>>) src(%dma_wait3A_88 : memref<10112x16xf32, #tpu.memory_space<hbm>>) dst(%arg9 : memref<512x16xf32, #tpu.memory_space<vmem>>)
      %add3A_89 = arith.constant 1 : i32
      %add3A_90 = arith.addi %add3A_79, %add3A_89 : i32
      %lt3A = arith.cmpi slt, %add3A_90, %mul3A_12 : i32
      %convert_element_type3A_91 = arith.extui %lt3A : i1 to i32
      %cond3A_92 = arith.constant 0 : i32
      %cond3A_93 = arith.cmpi ne, %convert_element_type3A_91, %cond3A_92 : i32
      scf.if %cond3A_93 {
        %add3A_218 = arith.constant 1 : i32
        %add3A_219 = arith.addi %add3A_79, %add3A_218 : i32
        %mul3A_220 = arith.constant 512 : i32
        %mul3A_221 = arith.muli %add3A_219, %mul3A_220 : i32
        %dma_start3A_222 = tpu.memref_slice %arg7[%mul3A_221] : memref<16384xi32, #tpu.memory_space<vmem>> -> memref<512xi32, #tpu.memory_space<vmem>>
        %dma_start3A_223 = arith.constant 0 : i32
        %dma_start3A_224 = arith.constant 0 : i32
        %dma_start3A_225 = tpu.memref_slice %arg2[%dma_start3A_223, %dma_start3A_224] : memref<10112x16xf32, #tpu.memory_space<hbm>> -> memref<10112x16xf32, #tpu.memory_space<hbm>>
        tpu.enqueue_indirect_dma source(%dma_start3A_225 : memref<10112x16xf32, #tpu.memory_space<hbm>>) target(%arg10 : memref<512x16xf32, #tpu.memory_space<vmem>>) offsets(%dma_start3A_222 : memref<512xi32, #tpu.memory_space<vmem>>) semaphore(%arg12 : memref<!tpu.dma_semaphore, #tpu.memory_space<semaphore_mem>>)
      } else {
      }
      %mul3A_94 = arith.constant 4 : i32
      %mul3A_95 = arith.muli %add3A_79, %mul3A_94 : i32
      %add3A_96 = arith.constant 0 : i32
      %add3A_97 = arith.addi %mul3A_95, %add3A_96 : i32
      %dma_start3A_98 = arith.constant 0 : i32
      %dma_start3A_99 = arith.constant 0 : i32
      %dma_start3A_100 = tpu.memref_slice %arg9[%dma_start3A_98, %dma_start3A_99] : memref<512x16xf32, #tpu.memory_space<vmem>> -> memref<128x16xf32, #tpu.memory_space<vmem>>
      %dma_start3A_101 = arith.constant 0 : i32
      %dma_start3A_102 = tpu.memref_slice %arg8[%add3A_97, %dma_start3A_101] : memref<128x128xi32, #tpu.memory_space<vmem>> -> memref<1x128xi32, #tpu.memory_space<vmem>>
      %dma_start3A_103 = tpu.memref_squeeze %dma_start3A_102 : memref<1x128xi32, #tpu.memory_space<vmem>> -> memref<128xi32, #tpu.memory_space<vmem>>
      %dma_start3A_104 = arith.constant 0 : i32
      %dma_start3A_105 = arith.constant 0 : i32
      %dma_start3A_106 = tpu.memref_slice %arg11[%dma_start3A_104, %dma_start3A_105] : memref<10112x16xf32, #tpu.memory_space<vmem_shared>> -> memref<10112x16xf32, #tpu.memory_space<vmem_shared>>
      tpu.enqueue_indirect_dma source(%dma_start3A_100 : memref<128x16xf32, #tpu.memory_space<vmem>>) target(%dma_start3A_106 : memref<10112x16xf32, #tpu.memory_space<vmem_shared>>) offsets(%dma_start3A_103 : memref<128xi32, #tpu.memory_space<vmem>>) semaphore(%arg13 : memref<!tpu.dma_semaphore, #tpu.memory_space<semaphore_mem>>) {add = true}
      %mul3A_107 = arith.constant 4 : i32
      %mul3A_108 = arith.muli %add3A_79, %mul3A_107 : i32
      %add3A_109 = arith.constant 1 : i32
      %add3A_110 = arith.addi %mul3A_108, %add3A_109 : i32
      %dma_start3A_111 = arith.constant 128 : i32
      %dma_start3A_112 = arith.constant 0 : i32
      %dma_start3A_113 = tpu.memref_slice %arg9[%dma_start3A_111, %dma_start3A_112] : memref<512x16xf32, #tpu.memory_space<vmem>> -> memref<128x16xf32, #tpu.memory_space<vmem>>
      %dma_start3A_114 = arith.constant 0 : i32
      %dma_start3A_115 = tpu.memref_slice %arg8[%add3A_110, %dma_start3A_114] : memref<128x128xi32, #tpu.memory_space<vmem>> -> memref<1x128xi32, #tpu.memory_space<vmem>>
      %dma_start3A_116 = tpu.memref_squeeze %dma_start3A_115 : memref<1x128xi32, #tpu.memory_space<vmem>> -> memref<128xi32, #tpu.memory_space<vmem>>
      %dma_start3A_117 = arith.constant 0 : i32
      %dma_start3A_118 = arith.constant 0 : i32
      %dma_start3A_119 = tpu.memref_slice %arg11[%dma_start3A_117, %dma_start3A_118] : memref<10112x16xf32, #tpu.memory_space<vmem_shared>> -> memref<10112x16xf32, #tpu.memory_space<vmem_shared>>
      tpu.enqueue_indirect_dma source(%dma_start3A_113 : memref<128x16xf32, #tpu.memory_space<vmem>>) target(%dma_start3A_119 : memref<10112x16xf32, #tpu.memory_space<vmem_shared>>) offsets(%dma_start3A_116 : memref<128xi32, #tpu.memory_space<vmem>>) semaphore(%arg13 : memref<!tpu.dma_semaphore, #tpu.memory_space<semaphore_mem>>) {add = true}
      %mul3A_120 = arith.constant 4 : i32
      %mul3A_121 = arith.muli %add3A_79, %mul3A_120 : i32
      %add3A_122 = arith.constant 2 : i32
      %add3A_123 = arith.addi %mul3A_121, %add3A_122 : i32
      %dma_start3A_124 = arith.constant 256 : i32
      %dma_start3A_125 = arith.constant 0 : i32
      %dma_start3A_126 = tpu.memref_slice %arg9[%dma_start3A_124, %dma_start3A_125] : memref<512x16xf32, #tpu.memory_space<vmem>> -> memref<128x16xf32, #tpu.memory_space<vmem>>
      %dma_start3A_127 = arith.constant 0 : i32
      %dma_start3A_128 = tpu.memref_slice %arg8[%add3A_123, %dma_start3A_127] : memref<128x128xi32, #tpu.memory_space<vmem>> -> memref<1x128xi32, #tpu.memory_space<vmem>>
      %dma_start3A_129 = tpu.memref_squeeze %dma_start3A_128 : memref<1x128xi32, #tpu.memory_space<vmem>> -> memref<128xi32, #tpu.memory_space<vmem>>
      %dma_start3A_130 = arith.constant 0 : i32
      %dma_start3A_131 = arith.constant 0 : i32
      %dma_start3A_132 = tpu.memref_slice %arg11[%dma_start3A_130, %dma_start3A_131] : memref<10112x16xf32, #tpu.memory_space<vmem_shared>> -> memref<10112x16xf32, #tpu.memory_space<vmem_shared>>
      tpu.enqueue_indirect_dma source(%dma_start3A_126 : memref<128x16xf32, #tpu.memory_space<vmem>>) target(%dma_start3A_132 : memref<10112x16xf32, #tpu.memory_space<vmem_shared>>) offsets(%dma_start3A_129 : memref<128xi32, #tpu.memory_space<vmem>>) semaphore(%arg13 : memref<!tpu.dma_semaphore, #tpu.memory_space<semaphore_mem>>) {add = true}
      %mul3A_133 = arith.constant 4 : i32
      %mul3A_134 = arith.muli %add3A_79, %mul3A_133 : i32
      %add3A_135 = arith.constant 3 : i32
      %add3A_136 = arith.addi %mul3A_134, %add3A_135 : i32
      %dma_start3A_137 = arith.constant 384 : i32
      %dma_start3A_138 = arith.constant 0 : i32
      %dma_start3A_139 = tpu.memref_slice %arg9[%dma_start3A_137, %dma_start3A_138] : memref<512x16xf32, #tpu.memory_space<vmem>> -> memref<128x16xf32, #tpu.memory_space<vmem>>
      %dma_start3A_140 = arith.constant 0 : i32
      %dma_start3A_141 = tpu.memref_slice %arg8[%add3A_136, %dma_start3A_140] : memref<128x128xi32, #tpu.memory_space<vmem>> -> memref<1x128xi32, #tpu.memory_space<vmem>>
      %dma_start3A_142 = tpu.memref_squeeze %dma_start3A_141 : memref<1x128xi32, #tpu.memory_space<vmem>> -> memref<128xi32, #tpu.memory_space<vmem>>
      %dma_start3A_143 = arith.constant 0 : i32
      %dma_start3A_144 = arith.constant 0 : i32
      %dma_start3A_145 = tpu.memref_slice %arg11[%dma_start3A_143, %dma_start3A_144] : memref<10112x16xf32, #tpu.memory_space<vmem_shared>> -> memref<10112x16xf32, #tpu.memory_space<vmem_shared>>
      tpu.enqueue_indirect_dma source(%dma_start3A_139 : memref<128x16xf32, #tpu.memory_space<vmem>>) target(%dma_start3A_145 : memref<10112x16xf32, #tpu.memory_space<vmem_shared>>) offsets(%dma_start3A_142 : memref<128xi32, #tpu.memory_space<vmem>>) semaphore(%arg13 : memref<!tpu.dma_semaphore, #tpu.memory_space<semaphore_mem>>) {add = true}
      %mul3A_146 = arith.constant 2 : i32
      %mul3A_147 = arith.muli %mul3A_146, %while3A_75 : i32
      %add3A_148 = arith.constant 1 : i32
      %add3A_149 = arith.addi %mul3A_147, %add3A_148 : i32
      %ge3A_150 = arith.constant 1 : i32
      %ge3A_151 = arith.cmpi sge, %add3A_149, %ge3A_150 : i32
      %convert_element_type3A_152 = arith.extui %ge3A_151 : i1 to i32
      %cond3A_153 = arith.constant 0 : i32
      %cond3A_154 = arith.cmpi ne, %convert_element_type3A_152, %cond3A_153 : i32
      scf.if %cond3A_154 {
        %dma_wait3A_218 = arith.constant 0 : i32
        %dma_wait3A_219 = arith.constant 0 : i32
        %dma_wait3A_220 = arith.constant 0 : i32
        %dma_wait3A_221 = tpu.memref_slice %arg9[%dma_wait3A_219, %dma_wait3A_220] : memref<512x16xf32, #tpu.memory_space<vmem>> -> memref<128x16xf32, #tpu.memory_space<vmem>>
        %dma_wait3A_222 = arith.constant 0 : i32
        %dma_wait3A_223 = tpu.memref_slice %arg8[%dma_wait3A_218, %dma_wait3A_222] : memref<128x128xi32, #tpu.memory_space<vmem>> -> memref<1x128xi32, #tpu.memory_space<vmem>>
        %dma_wait3A_224 = tpu.memref_squeeze %dma_wait3A_223 : memref<1x128xi32, #tpu.memory_space<vmem>> -> memref<128xi32, #tpu.memory_space<vmem>>
        %dma_wait3A_225 = arith.constant 0 : i32
        %dma_wait3A_226 = arith.constant 0 : i32
        %dma_wait3A_227 = tpu.memref_slice %arg11[%dma_wait3A_225, %dma_wait3A_226] : memref<10112x16xf32, #tpu.memory_space<vmem_shared>> -> memref<10112x16xf32, #tpu.memory_space<vmem_shared>>
        tpu.wait_indirect_dma semaphore(%arg13 : memref<!tpu.dma_semaphore, #tpu.memory_space<semaphore_mem>>) src(%dma_wait3A_221 : memref<128x16xf32, #tpu.memory_space<vmem>>) dst(%dma_wait3A_227 : memref<10112x16xf32, #tpu.memory_space<vmem_shared>>)
        %dma_wait3A_228 = arith.constant 0 : i32
        %dma_wait3A_229 = arith.constant 128 : i32
        %dma_wait3A_230 = arith.constant 0 : i32
        %dma_wait3A_231 = tpu.memref_slice %arg9[%dma_wait3A_229, %dma_wait3A_230] : memref<512x16xf32, #tpu.memory_space<vmem>> -> memref<128x16xf32, #tpu.memory_space<vmem>>
        %dma_wait3A_232 = arith.constant 0 : i32
        %dma_wait3A_233 = tpu.memref_slice %arg8[%dma_wait3A_228, %dma_wait3A_232] : memref<128x128xi32, #tpu.memory_space<vmem>> -> memref<1x128xi32, #tpu.memory_space<vmem>>
        %dma_wait3A_234 = tpu.memref_squeeze %dma_wait3A_233 : memref<1x128xi32, #tpu.memory_space<vmem>> -> memref<128xi32, #tpu.memory_space<vmem>>
        %dma_wait3A_235 = arith.constant 0 : i32
        %dma_wait3A_236 = arith.constant 0 : i32
        %dma_wait3A_237 = tpu.memref_slice %arg11[%dma_wait3A_235, %dma_wait3A_236] : memref<10112x16xf32, #tpu.memory_space<vmem_shared>> -> memref<10112x16xf32, #tpu.memory_space<vmem_shared>>
        tpu.wait_indirect_dma semaphore(%arg13 : memref<!tpu.dma_semaphore, #tpu.memory_space<semaphore_mem>>) src(%dma_wait3A_231 : memref<128x16xf32, #tpu.memory_space<vmem>>) dst(%dma_wait3A_237 : memref<10112x16xf32, #tpu.memory_space<vmem_shared>>)
        %dma_wait3A_238 = arith.constant 0 : i32
        %dma_wait3A_239 = arith.constant 256 : i32
        %dma_wait3A_240 = arith.constant 0 : i32
        %dma_wait3A_241 = tpu.memref_slice %arg9[%dma_wait3A_239, %dma_wait3A_240] : memref<512x16xf32, #tpu.memory_space<vmem>> -> memref<128x16xf32, #tpu.memory_space<vmem>>
        %dma_wait3A_242 = arith.constant 0 : i32
        %dma_wait3A_243 = tpu.memref_slice %arg8[%dma_wait3A_238, %dma_wait3A_242] : memref<128x128xi32, #tpu.memory_space<vmem>> -> memref<1x128xi32, #tpu.memory_space<vmem>>
        %dma_wait3A_244 = tpu.memref_squeeze %dma_wait3A_243 : memref<1x128xi32, #tpu.memory_space<vmem>> -> memref<128xi32, #tpu.memory_space<vmem>>
        %dma_wait3A_245 = arith.constant 0 : i32
        %dma_wait3A_246 = arith.constant 0 : i32
        %dma_wait3A_247 = tpu.memref_slice %arg11[%dma_wait3A_245, %dma_wait3A_246] : memref<10112x16xf32, #tpu.memory_space<vmem_shared>> -> memref<10112x16xf32, #tpu.memory_space<vmem_shared>>
        tpu.wait_indirect_dma semaphore(%arg13 : memref<!tpu.dma_semaphore, #tpu.memory_space<semaphore_mem>>) src(%dma_wait3A_241 : memref<128x16xf32, #tpu.memory_space<vmem>>) dst(%dma_wait3A_247 : memref<10112x16xf32, #tpu.memory_space<vmem_shared>>)
        %dma_wait3A_248 = arith.constant 0 : i32
        %dma_wait3A_249 = arith.constant 384 : i32
        %dma_wait3A_250 = arith.constant 0 : i32
        %dma_wait3A_251 = tpu.memref_slice %arg9[%dma_wait3A_249, %dma_wait3A_250] : memref<512x16xf32, #tpu.memory_space<vmem>> -> memref<128x16xf32, #tpu.memory_space<vmem>>
        %dma_wait3A_252 = arith.constant 0 : i32
        %dma_wait3A_253 = tpu.memref_slice %arg8[%dma_wait3A_248, %dma_wait3A_252] : memref<128x128xi32, #tpu.memory_space<vmem>> -> memref<1x128xi32, #tpu.memory_space<vmem>>
        %dma_wait3A_254 = tpu.memref_squeeze %dma_wait3A_253 : memref<1x128xi32, #tpu.memory_space<vmem>> -> memref<128xi32, #tpu.memory_space<vmem>>
        %dma_wait3A_255 = arith.constant 0 : i32
        %dma_wait3A_256 = arith.constant 0 : i32
        %dma_wait3A_257 = tpu.memref_slice %arg11[%dma_wait3A_255, %dma_wait3A_256] : memref<10112x16xf32, #tpu.memory_space<vmem_shared>> -> memref<10112x16xf32, #tpu.memory_space<vmem_shared>>
        tpu.wait_indirect_dma semaphore(%arg13 : memref<!tpu.dma_semaphore, #tpu.memory_space<semaphore_mem>>) src(%dma_wait3A_251 : memref<128x16xf32, #tpu.memory_space<vmem>>) dst(%dma_wait3A_257 : memref<10112x16xf32, #tpu.memory_space<vmem_shared>>)
      } else {
      }
      %dma_wait3A_155 = arith.constant 0 : i32
      %dma_wait3A_156 = tpu.memref_slice %arg7[%dma_wait3A_155] : memref<16384xi32, #tpu.memory_space<vmem>> -> memref<512xi32, #tpu.memory_space<vmem>>
      %dma_wait3A_157 = arith.constant 0 : i32
      %dma_wait3A_158 = arith.constant 0 : i32
      %dma_wait3A_159 = tpu.memref_slice %arg2[%dma_wait3A_157, %dma_wait3A_158] : memref<10112x16xf32, #tpu.memory_space<hbm>> -> memref<10112x16xf32, #tpu.memory_space<hbm>>
      tpu.wait_indirect_dma semaphore(%arg12 : memref<!tpu.dma_semaphore, #tpu.memory_space<semaphore_mem>>) src(%dma_wait3A_159 : memref<10112x16xf32, #tpu.memory_space<hbm>>) dst(%arg10 : memref<512x16xf32, #tpu.memory_space<vmem>>)
      %add3A_160 = arith.constant 1 : i32
      %add3A_161 = arith.addi %add3A_149, %add3A_160 : i32
      %lt3A_162 = arith.cmpi slt, %add3A_161, %mul3A_12 : i32
      %convert_element_type3A_163 = arith.extui %lt3A_162 : i1 to i32
      %cond3A_164 = arith.constant 0 : i32
      %cond3A_165 = arith.cmpi ne, %convert_element_type3A_163, %cond3A_164 : i32
      scf.if %cond3A_165 {
        %add3A_218 = arith.constant 1 : i32
        %add3A_219 = arith.addi %add3A_149, %add3A_218 : i32
        %mul3A_220 = arith.constant 512 : i32
        %mul3A_221 = arith.muli %add3A_219, %mul3A_220 : i32
        %dma_start3A_222 = tpu.memref_slice %arg7[%mul3A_221] : memref<16384xi32, #tpu.memory_space<vmem>> -> memref<512xi32, #tpu.memory_space<vmem>>
        %dma_start3A_223 = arith.constant 0 : i32
        %dma_start3A_224 = arith.constant 0 : i32
        %dma_start3A_225 = tpu.memref_slice %arg2[%dma_start3A_223, %dma_start3A_224] : memref<10112x16xf32, #tpu.memory_space<hbm>> -> memref<10112x16xf32, #tpu.memory_space<hbm>>
        tpu.enqueue_indirect_dma source(%dma_start3A_225 : memref<10112x16xf32, #tpu.memory_space<hbm>>) target(%arg9 : memref<512x16xf32, #tpu.memory_space<vmem>>) offsets(%dma_start3A_222 : memref<512xi32, #tpu.memory_space<vmem>>) semaphore(%arg12 : memref<!tpu.dma_semaphore, #tpu.memory_space<semaphore_mem>>)
      } else {
      }
      %mul3A_166 = arith.constant 4 : i32
      %mul3A_167 = arith.muli %add3A_149, %mul3A_166 : i32
      %add3A_168 = arith.constant 0 : i32
      %add3A_169 = arith.addi %mul3A_167, %add3A_168 : i32
      %dma_start3A_170 = arith.constant 0 : i32
      %dma_start3A_171 = arith.constant 0 : i32
      %dma_start3A_172 = tpu.memref_slice %arg10[%dma_start3A_170, %dma_start3A_171] : memref<512x16xf32, #tpu.memory_space<vmem>> -> memref<128x16xf32, #tpu.memory_space<vmem>>
      %dma_start3A_173 = arith.constant 0 : i32
      %dma_start3A_174 = tpu.memref_slice %arg8[%add3A_169, %dma_start3A_173] : memref<128x128xi32, #tpu.memory_space<vmem>> -> memref<1x128xi32, #tpu.memory_space<vmem>>
      %dma_start3A_175 = tpu.memref_squeeze %dma_start3A_174 : memref<1x128xi32, #tpu.memory_space<vmem>> -> memref<128xi32, #tpu.memory_space<vmem>>
      %dma_start3A_176 = arith.constant 0 : i32
      %dma_start3A_177 = arith.constant 0 : i32
      %dma_start3A_178 = tpu.memref_slice %arg11[%dma_start3A_176, %dma_start3A_177] : memref<10112x16xf32, #tpu.memory_space<vmem_shared>> -> memref<10112x16xf32, #tpu.memory_space<vmem_shared>>
      tpu.enqueue_indirect_dma source(%dma_start3A_172 : memref<128x16xf32, #tpu.memory_space<vmem>>) target(%dma_start3A_178 : memref<10112x16xf32, #tpu.memory_space<vmem_shared>>) offsets(%dma_start3A_175 : memref<128xi32, #tpu.memory_space<vmem>>) semaphore(%arg13 : memref<!tpu.dma_semaphore, #tpu.memory_space<semaphore_mem>>) {add = true}
      %mul3A_179 = arith.constant 4 : i32
      %mul3A_180 = arith.muli %add3A_149, %mul3A_179 : i32
      %add3A_181 = arith.constant 1 : i32
      %add3A_182 = arith.addi %mul3A_180, %add3A_181 : i32
      %dma_start3A_183 = arith.constant 128 : i32
      %dma_start3A_184 = arith.constant 0 : i32
      %dma_start3A_185 = tpu.memref_slice %arg10[%dma_start3A_183, %dma_start3A_184] : memref<512x16xf32, #tpu.memory_space<vmem>> -> memref<128x16xf32, #tpu.memory_space<vmem>>
      %dma_start3A_186 = arith.constant 0 : i32
      %dma_start3A_187 = tpu.memref_slice %arg8[%add3A_182, %dma_start3A_186] : memref<128x128xi32, #tpu.memory_space<vmem>> -> memref<1x128xi32, #tpu.memory_space<vmem>>
      %dma_start3A_188 = tpu.memref_squeeze %dma_start3A_187 : memref<1x128xi32, #tpu.memory_space<vmem>> -> memref<128xi32, #tpu.memory_space<vmem>>
      %dma_start3A_189 = arith.constant 0 : i32
      %dma_start3A_190 = arith.constant 0 : i32
      %dma_start3A_191 = tpu.memref_slice %arg11[%dma_start3A_189, %dma_start3A_190] : memref<10112x16xf32, #tpu.memory_space<vmem_shared>> -> memref<10112x16xf32, #tpu.memory_space<vmem_shared>>
      tpu.enqueue_indirect_dma source(%dma_start3A_185 : memref<128x16xf32, #tpu.memory_space<vmem>>) target(%dma_start3A_191 : memref<10112x16xf32, #tpu.memory_space<vmem_shared>>) offsets(%dma_start3A_188 : memref<128xi32, #tpu.memory_space<vmem>>) semaphore(%arg13 : memref<!tpu.dma_semaphore, #tpu.memory_space<semaphore_mem>>) {add = true}
      %mul3A_192 = arith.constant 4 : i32
      %mul3A_193 = arith.muli %add3A_149, %mul3A_192 : i32
      %add3A_194 = arith.constant 2 : i32
      %add3A_195 = arith.addi %mul3A_193, %add3A_194 : i32
      %dma_start3A_196 = arith.constant 256 : i32
      %dma_start3A_197 = arith.constant 0 : i32
      %dma_start3A_198 = tpu.memref_slice %arg10[%dma_start3A_196, %dma_start3A_197] : memref<512x16xf32, #tpu.memory_space<vmem>> -> memref<128x16xf32, #tpu.memory_space<vmem>>
      %dma_start3A_199 = arith.constant 0 : i32
      %dma_start3A_200 = tpu.memref_slice %arg8[%add3A_195, %dma_start3A_199] : memref<128x128xi32, #tpu.memory_space<vmem>> -> memref<1x128xi32, #tpu.memory_space<vmem>>
      %dma_start3A_201 = tpu.memref_squeeze %dma_start3A_200 : memref<1x128xi32, #tpu.memory_space<vmem>> -> memref<128xi32, #tpu.memory_space<vmem>>
      %dma_start3A_202 = arith.constant 0 : i32
      %dma_start3A_203 = arith.constant 0 : i32
      %dma_start3A_204 = tpu.memref_slice %arg11[%dma_start3A_202, %dma_start3A_203] : memref<10112x16xf32, #tpu.memory_space<vmem_shared>> -> memref<10112x16xf32, #tpu.memory_space<vmem_shared>>
      tpu.enqueue_indirect_dma source(%dma_start3A_198 : memref<128x16xf32, #tpu.memory_space<vmem>>) target(%dma_start3A_204 : memref<10112x16xf32, #tpu.memory_space<vmem_shared>>) offsets(%dma_start3A_201 : memref<128xi32, #tpu.memory_space<vmem>>) semaphore(%arg13 : memref<!tpu.dma_semaphore, #tpu.memory_space<semaphore_mem>>) {add = true}
      %mul3A_205 = arith.constant 4 : i32
      %mul3A_206 = arith.muli %add3A_149, %mul3A_205 : i32
      %add3A_207 = arith.constant 3 : i32
      %add3A_208 = arith.addi %mul3A_206, %add3A_207 : i32
      %dma_start3A_209 = arith.constant 384 : i32
      %dma_start3A_210 = arith.constant 0 : i32
      %dma_start3A_211 = tpu.memref_slice %arg10[%dma_start3A_209, %dma_start3A_210] : memref<512x16xf32, #tpu.memory_space<vmem>> -> memref<128x16xf32, #tpu.memory_space<vmem>>
      %dma_start3A_212 = arith.constant 0 : i32
      %dma_start3A_213 = tpu.memref_slice %arg8[%add3A_208, %dma_start3A_212] : memref<128x128xi32, #tpu.memory_space<vmem>> -> memref<1x128xi32, #tpu.memory_space<vmem>>
      %dma_start3A_214 = tpu.memref_squeeze %dma_start3A_213 : memref<1x128xi32, #tpu.memory_space<vmem>> -> memref<128xi32, #tpu.memory_space<vmem>>
      %dma_start3A_215 = arith.constant 0 : i32
      %dma_start3A_216 = arith.constant 0 : i32
      %dma_start3A_217 = tpu.memref_slice %arg11[%dma_start3A_215, %dma_start3A_216] : memref<10112x16xf32, #tpu.memory_space<vmem_shared>> -> memref<10112x16xf32, #tpu.memory_space<vmem_shared>>
      tpu.enqueue_indirect_dma source(%dma_start3A_211 : memref<128x16xf32, #tpu.memory_space<vmem>>) target(%dma_start3A_217 : memref<10112x16xf32, #tpu.memory_space<vmem_shared>>) offsets(%dma_start3A_214 : memref<128xi32, #tpu.memory_space<vmem>>) semaphore(%arg13 : memref<!tpu.dma_semaphore, #tpu.memory_space<semaphore_mem>>) {add = true}
    }
    %while3A_34 = arith.constant 1 : i32
    scf.for %while3A_75 = %while3A_32 to %while3A_28 step %while3A_34  : i32 {
      %mul3A_76 = arith.constant 2 : i32
      %mul3A_77 = arith.muli %mul3A_76, %while3A_75 : i32
      %add3A_78 = arith.constant 0 : i32
      %add3A_79 = arith.addi %mul3A_77, %add3A_78 : i32
      %ge3A = arith.constant 1 : i32
      %ge3A_80 = arith.cmpi sge, %add3A_79, %ge3A : i32
      %convert_element_type3A_81 = arith.extui %ge3A_80 : i1 to i32
      %cond3A_82 = arith.constant 0 : i32
      %cond3A_83 = arith.cmpi ne, %convert_element_type3A_81, %cond3A_82 : i32
      scf.if %cond3A_83 {
        %dma_wait3A_218 = arith.constant 0 : i32
        %dma_wait3A_219 = arith.constant 0 : i32
        %dma_wait3A_220 = arith.constant 0 : i32
        %dma_wait3A_221 = tpu.memref_slice %arg10[%dma_wait3A_219, %dma_wait3A_220] : memref<512x16xf32, #tpu.memory_space<vmem>> -> memref<128x16xf32, #tpu.memory_space<vmem>>
        %dma_wait3A_222 = arith.constant 0 : i32
        %dma_wait3A_223 = tpu.memref_slice %arg8[%dma_wait3A_218, %dma_wait3A_222] : memref<128x128xi32, #tpu.memory_space<vmem>> -> memref<1x128xi32, #tpu.memory_space<vmem>>
        %dma_wait3A_224 = tpu.memref_squeeze %dma_wait3A_223 : memref<1x128xi32, #tpu.memory_space<vmem>> -> memref<128xi32, #tpu.memory_space<vmem>>
        %dma_wait3A_225 = arith.constant 0 : i32
        %dma_wait3A_226 = arith.constant 0 : i32
        %dma_wait3A_227 = tpu.memref_slice %arg11[%dma_wait3A_225, %dma_wait3A_226] : memref<10112x16xf32, #tpu.memory_space<vmem_shared>> -> memref<10112x16xf32, #tpu.memory_space<vmem_shared>>
        tpu.wait_indirect_dma semaphore(%arg13 : memref<!tpu.dma_semaphore, #tpu.memory_space<semaphore_mem>>) src(%dma_wait3A_221 : memref<128x16xf32, #tpu.memory_space<vmem>>) dst(%dma_wait3A_227 : memref<10112x16xf32, #tpu.memory_space<vmem_shared>>)
        %dma_wait3A_228 = arith.constant 0 : i32
        %dma_wait3A_229 = arith.constant 128 : i32
        %dma_wait3A_230 = arith.constant 0 : i32
        %dma_wait3A_231 = tpu.memref_slice %arg10[%dma_wait3A_229, %dma_wait3A_230] : memref<512x16xf32, #tpu.memory_space<vmem>> -> memref<128x16xf32, #tpu.memory_space<vmem>>
        %dma_wait3A_232 = arith.constant 0 : i32
        %dma_wait3A_233 = tpu.memref_slice %arg8[%dma_wait3A_228, %dma_wait3A_232] : memref<128x128xi32, #tpu.memory_space<vmem>> -> memref<1x128xi32, #tpu.memory_space<vmem>>
        %dma_wait3A_234 = tpu.memref_squeeze %dma_wait3A_233 : memref<1x128xi32, #tpu.memory_space<vmem>> -> memref<128xi32, #tpu.memory_space<vmem>>
        %dma_wait3A_235 = arith.constant 0 : i32
        %dma_wait3A_236 = arith.constant 0 : i32
        %dma_wait3A_237 = tpu.memref_slice %arg11[%dma_wait3A_235, %dma_wait3A_236] : memref<10112x16xf32, #tpu.memory_space<vmem_shared>> -> memref<10112x16xf32, #tpu.memory_space<vmem_shared>>
        tpu.wait_indirect_dma semaphore(%arg13 : memref<!tpu.dma_semaphore, #tpu.memory_space<semaphore_mem>>) src(%dma_wait3A_231 : memref<128x16xf32, #tpu.memory_space<vmem>>) dst(%dma_wait3A_237 : memref<10112x16xf32, #tpu.memory_space<vmem_shared>>)
        %dma_wait3A_238 = arith.constant 0 : i32
        %dma_wait3A_239 = arith.constant 256 : i32
        %dma_wait3A_240 = arith.constant 0 : i32
        %dma_wait3A_241 = tpu.memref_slice %arg10[%dma_wait3A_239, %dma_wait3A_240] : memref<512x16xf32, #tpu.memory_space<vmem>> -> memref<128x16xf32, #tpu.memory_space<vmem>>
        %dma_wait3A_242 = arith.constant 0 : i32
        %dma_wait3A_243 = tpu.memref_slice %arg8[%dma_wait3A_238, %dma_wait3A_242] : memref<128x128xi32, #tpu.memory_space<vmem>> -> memref<1x128xi32, #tpu.memory_space<vmem>>
        %dma_wait3A_244 = tpu.memref_squeeze %dma_wait3A_243 : memref<1x128xi32, #tpu.memory_space<vmem>> -> memref<128xi32, #tpu.memory_space<vmem>>
        %dma_wait3A_245 = arith.constant 0 : i32
        %dma_wait3A_246 = arith.constant 0 : i32
        %dma_wait3A_247 = tpu.memref_slice %arg11[%dma_wait3A_245, %dma_wait3A_246] : memref<10112x16xf32, #tpu.memory_space<vmem_shared>> -> memref<10112x16xf32, #tpu.memory_space<vmem_shared>>
        tpu.wait_indirect_dma semaphore(%arg13 : memref<!tpu.dma_semaphore, #tpu.memory_space<semaphore_mem>>) src(%dma_wait3A_241 : memref<128x16xf32, #tpu.memory_space<vmem>>) dst(%dma_wait3A_247 : memref<10112x16xf32, #tpu.memory_space<vmem_shared>>)
        %dma_wait3A_248 = arith.constant 0 : i32
        %dma_wait3A_249 = arith.constant 384 : i32
        %dma_wait3A_250 = arith.constant 0 : i32
        %dma_wait3A_251 = tpu.memref_slice %arg10[%dma_wait3A_249, %dma_wait3A_250] : memref<512x16xf32, #tpu.memory_space<vmem>> -> memref<128x16xf32, #tpu.memory_space<vmem>>
        %dma_wait3A_252 = arith.constant 0 : i32
        %dma_wait3A_253 = tpu.memref_slice %arg8[%dma_wait3A_248, %dma_wait3A_252] : memref<128x128xi32, #tpu.memory_space<vmem>> -> memref<1x128xi32, #tpu.memory_space<vmem>>
        %dma_wait3A_254 = tpu.memref_squeeze %dma_wait3A_253 : memref<1x128xi32, #tpu.memory_space<vmem>> -> memref<128xi32, #tpu.memory_space<vmem>>
        %dma_wait3A_255 = arith.constant 0 : i32
        %dma_wait3A_256 = arith.constant 0 : i32
        %dma_wait3A_257 = tpu.memref_slice %arg11[%dma_wait3A_255, %dma_wait3A_256] : memref<10112x16xf32, #tpu.memory_space<vmem_shared>> -> memref<10112x16xf32, #tpu.memory_space<vmem_shared>>
        tpu.wait_indirect_dma semaphore(%arg13 : memref<!tpu.dma_semaphore, #tpu.memory_space<semaphore_mem>>) src(%dma_wait3A_251 : memref<128x16xf32, #tpu.memory_space<vmem>>) dst(%dma_wait3A_257 : memref<10112x16xf32, #tpu.memory_space<vmem_shared>>)
      } else {
      }
      %dma_wait3A_84 = arith.constant 0 : i32
      %dma_wait3A_85 = tpu.memref_slice %arg7[%dma_wait3A_84] : memref<16384xi32, #tpu.memory_space<vmem>> -> memref<512xi32, #tpu.memory_space<vmem>>
      %dma_wait3A_86 = arith.constant 0 : i32
      %dma_wait3A_87 = arith.constant 0 : i32
      %dma_wait3A_88 = tpu.memref_slice %arg2[%dma_wait3A_86, %dma_wait3A_87] : memref<10112x16xf32, #tpu.memory_space<hbm>> -> memref<10112x16xf32, #tpu.memory_space<hbm>>
      tpu.wait_indirect_dma semaphore(%arg12 : memref<!tpu.dma_semaphore, #tpu.memory_space<semaphore_mem>>) src(%dma_wait3A_88 : memref<10112x16xf32, #tpu.memory_space<hbm>>) dst(%arg9 : memref<512x16xf32, #tpu.memory_space<vmem>>)
      %add3A_89 = arith.constant 1 : i32
      %add3A_90 = arith.addi %add3A_79, %add3A_89 : i32
      %lt3A = arith.cmpi slt, %add3A_90, %mul3A_12 : i32
      %convert_element_type3A_91 = arith.extui %lt3A : i1 to i32
      %cond3A_92 = arith.constant 0 : i32
      %cond3A_93 = arith.cmpi ne, %convert_element_type3A_91, %cond3A_92 : i32
      scf.if %cond3A_93 {
        %add3A_218 = arith.constant 1 : i32
        %add3A_219 = arith.addi %add3A_79, %add3A_218 : i32
        %mul3A_220 = arith.constant 512 : i32
        %mul3A_221 = arith.muli %add3A_219, %mul3A_220 : i32
        %dma_start3A_222 = tpu.memref_slice %arg7[%mul3A_221] : memref<16384xi32, #tpu.memory_space<vmem>> -> memref<512xi32, #tpu.memory_space<vmem>>
        %dma_start3A_223 = arith.constant 0 : i32
        %dma_start3A_224 = arith.constant 0 : i32
        %dma_start3A_225 = tpu.memref_slice %arg2[%dma_start3A_223, %dma_start3A_224] : memref<10112x16xf32, #tpu.memory_space<hbm>> -> memref<10112x16xf32, #tpu.memory_space<hbm>>
        tpu.enqueue_indirect_dma source(%dma_start3A_225 : memref<10112x16xf32, #tpu.memory_space<hbm>>) target(%arg10 : memref<512x16xf32, #tpu.memory_space<vmem>>) offsets(%dma_start3A_222 : memref<512xi32, #tpu.memory_space<vmem>>) semaphore(%arg12 : memref<!tpu.dma_semaphore, #tpu.memory_space<semaphore_mem>>)
      } else {
      }
      %mul3A_94 = arith.constant 4 : i32
      %mul3A_95 = arith.muli %add3A_79, %mul3A_94 : i32
      %add3A_96 = arith.constant 0 : i32
      %add3A_97 = arith.addi %mul3A_95, %add3A_96 : i32
      %dma_start3A_98 = arith.constant 0 : i32
      %dma_start3A_99 = arith.constant 0 : i32
      %dma_start3A_100 = tpu.memref_slice %arg9[%dma_start3A_98, %dma_start3A_99] : memref<512x16xf32, #tpu.memory_space<vmem>> -> memref<128x16xf32, #tpu.memory_space<vmem>>
      %dma_start3A_101 = arith.constant 0 : i32
      %dma_start3A_102 = tpu.memref_slice %arg8[%add3A_97, %dma_start3A_101] : memref<128x128xi32, #tpu.memory_space<vmem>> -> memref<1x128xi32, #tpu.memory_space<vmem>>
      %dma_start3A_103 = tpu.memref_squeeze %dma_start3A_102 : memref<1x128xi32, #tpu.memory_space<vmem>> -> memref<128xi32, #tpu.memory_space<vmem>>
      %dma_start3A_104 = arith.constant 0 : i32
      %dma_start3A_105 = arith.constant 0 : i32
      %dma_start3A_106 = tpu.memref_slice %arg11[%dma_start3A_104, %dma_start3A_105] : memref<10112x16xf32, #tpu.memory_space<vmem_shared>> -> memref<10112x16xf32, #tpu.memory_space<vmem_shared>>
      tpu.enqueue_indirect_dma source(%dma_start3A_100 : memref<128x16xf32, #tpu.memory_space<vmem>>) target(%dma_start3A_106 : memref<10112x16xf32, #tpu.memory_space<vmem_shared>>) offsets(%dma_start3A_103 : memref<128xi32, #tpu.memory_space<vmem>>) semaphore(%arg13 : memref<!tpu.dma_semaphore, #tpu.memory_space<semaphore_mem>>) {add = true}
      %mul3A_107 = arith.constant 4 : i32
      %mul3A_108 = arith.muli %add3A_79, %mul3A_107 : i32
      %add3A_109 = arith.constant 1 : i32
      %add3A_110 = arith.addi %mul3A_108, %add3A_109 : i32
      %dma_start3A_111 = arith.constant 128 : i32
      %dma_start3A_112 = arith.constant 0 : i32
      %dma_start3A_113 = tpu.memref_slice %arg9[%dma_start3A_111, %dma_start3A_112] : memref<512x16xf32, #tpu.memory_space<vmem>> -> memref<128x16xf32, #tpu.memory_space<vmem>>
      %dma_start3A_114 = arith.constant 0 : i32
      %dma_start3A_115 = tpu.memref_slice %arg8[%add3A_110, %dma_start3A_114] : memref<128x128xi32, #tpu.memory_space<vmem>> -> memref<1x128xi32, #tpu.memory_space<vmem>>
      %dma_start3A_116 = tpu.memref_squeeze %dma_start3A_115 : memref<1x128xi32, #tpu.memory_space<vmem>> -> memref<128xi32, #tpu.memory_space<vmem>>
      %dma_start3A_117 = arith.constant 0 : i32
      %dma_start3A_118 = arith.constant 0 : i32
      %dma_start3A_119 = tpu.memref_slice %arg11[%dma_start3A_117, %dma_start3A_118] : memref<10112x16xf32, #tpu.memory_space<vmem_shared>> -> memref<10112x16xf32, #tpu.memory_space<vmem_shared>>
      tpu.enqueue_indirect_dma source(%dma_start3A_113 : memref<128x16xf32, #tpu.memory_space<vmem>>) target(%dma_start3A_119 : memref<10112x16xf32, #tpu.memory_space<vmem_shared>>) offsets(%dma_start3A_116 : memref<128xi32, #tpu.memory_space<vmem>>) semaphore(%arg13 : memref<!tpu.dma_semaphore, #tpu.memory_space<semaphore_mem>>) {add = true}
      %mul3A_120 = arith.constant 4 : i32
      %mul3A_121 = arith.muli %add3A_79, %mul3A_120 : i32
      %add3A_122 = arith.constant 2 : i32
      %add3A_123 = arith.addi %mul3A_121, %add3A_122 : i32
      %dma_start3A_124 = arith.constant 256 : i32
      %dma_start3A_125 = arith.constant 0 : i32
      %dma_start3A_126 = tpu.memref_slice %arg9[%dma_start3A_124, %dma_start3A_125] : memref<512x16xf32, #tpu.memory_space<vmem>> -> memref<128x16xf32, #tpu.memory_space<vmem>>
      %dma_start3A_127 = arith.constant 0 : i32
      %dma_start3A_128 = tpu.memref_slice %arg8[%add3A_123, %dma_start3A_127] : memref<128x128xi32, #tpu.memory_space<vmem>> -> memref<1x128xi32, #tpu.memory_space<vmem>>
      %dma_start3A_129 = tpu.memref_squeeze %dma_start3A_128 : memref<1x128xi32, #tpu.memory_space<vmem>> -> memref<128xi32, #tpu.memory_space<vmem>>
      %dma_start3A_130 = arith.constant 0 : i32
      %dma_start3A_131 = arith.constant 0 : i32
      %dma_start3A_132 = tpu.memref_slice %arg11[%dma_start3A_130, %dma_start3A_131] : memref<10112x16xf32, #tpu.memory_space<vmem_shared>> -> memref<10112x16xf32, #tpu.memory_space<vmem_shared>>
      tpu.enqueue_indirect_dma source(%dma_start3A_126 : memref<128x16xf32, #tpu.memory_space<vmem>>) target(%dma_start3A_132 : memref<10112x16xf32, #tpu.memory_space<vmem_shared>>) offsets(%dma_start3A_129 : memref<128xi32, #tpu.memory_space<vmem>>) semaphore(%arg13 : memref<!tpu.dma_semaphore, #tpu.memory_space<semaphore_mem>>) {add = true}
      %mul3A_133 = arith.constant 4 : i32
      %mul3A_134 = arith.muli %add3A_79, %mul3A_133 : i32
      %add3A_135 = arith.constant 3 : i32
      %add3A_136 = arith.addi %mul3A_134, %add3A_135 : i32
      %dma_start3A_137 = arith.constant 384 : i32
      %dma_start3A_138 = arith.constant 0 : i32
      %dma_start3A_139 = tpu.memref_slice %arg9[%dma_start3A_137, %dma_start3A_138] : memref<512x16xf32, #tpu.memory_space<vmem>> -> memref<128x16xf32, #tpu.memory_space<vmem>>
      %dma_start3A_140 = arith.constant 0 : i32
      %dma_start3A_141 = tpu.memref_slice %arg8[%add3A_136, %dma_start3A_140] : memref<128x128xi32, #tpu.memory_space<vmem>> -> memref<1x128xi32, #tpu.memory_space<vmem>>
      %dma_start3A_142 = tpu.memref_squeeze %dma_start3A_141 : memref<1x128xi32, #tpu.memory_space<vmem>> -> memref<128xi32, #tpu.memory_space<vmem>>
      %dma_start3A_143 = arith.constant 0 : i32
      %dma_start3A_144 = arith.constant 0 : i32
      %dma_start3A_145 = tpu.memref_slice %arg11[%dma_start3A_143, %dma_start3A_144] : memref<10112x16xf32, #tpu.memory_space<vmem_shared>> -> memref<10112x16xf32, #tpu.memory_space<vmem_shared>>
      tpu.enqueue_indirect_dma source(%dma_start3A_139 : memref<128x16xf32, #tpu.memory_space<vmem>>) target(%dma_start3A_145 : memref<10112x16xf32, #tpu.memory_space<vmem_shared>>) offsets(%dma_start3A_142 : memref<128xi32, #tpu.memory_space<vmem>>) semaphore(%arg13 : memref<!tpu.dma_semaphore, #tpu.memory_space<semaphore_mem>>) {add = true}
      %mul3A_146 = arith.constant 2 : i32
      %mul3A_147 = arith.muli %mul3A_146, %while3A_75 : i32
      %add3A_148 = arith.constant 1 : i32
      %add3A_149 = arith.addi %mul3A_147, %add3A_148 : i32
      %ge3A_150 = arith.constant 1 : i32
      %ge3A_151 = arith.cmpi sge, %add3A_149, %ge3A_150 : i32
      %convert_element_type3A_152 = arith.extui %ge3A_151 : i1 to i32
      %cond3A_153 = arith.constant 0 : i32
      %cond3A_154 = arith.cmpi ne, %convert_element_type3A_152, %cond3A_153 : i32
      scf.if %cond3A_154 {
        %dma_wait3A_218 = arith.constant 0 : i32
        %dma_wait3A_219 = arith.constant 0 : i32
        %dma_wait3A_220 = arith.constant 0 : i32
        %dma_wait3A_221 = tpu.memref_slice %arg9[%dma_wait3A_219, %dma_wait3A_220] : memref<512x16xf32, #tpu.memory_space<vmem>> -> memref<128x16xf32, #tpu.memory_space<vmem>>
        %dma_wait3A_222 = arith.constant 0 : i32
        %dma_wait3A_223 = tpu.memref_slice %arg8[%dma_wait3A_218, %dma_wait3A_222] : memref<128x128xi32, #tpu.memory_space<vmem>> -> memref<1x128xi32, #tpu.memory_space<vmem>>
        %dma_wait3A_224 = tpu.memref_squeeze %dma_wait3A_223 : memref<1x128xi32, #tpu.memory_space<vmem>> -> memref<128xi32, #tpu.memory_space<vmem>>
        %dma_wait3A_225 = arith.constant 0 : i32
        %dma_wait3A_226 = arith.constant 0 : i32
        %dma_wait3A_227 = tpu.memref_slice %arg11[%dma_wait3A_225, %dma_wait3A_226] : memref<10112x16xf32, #tpu.memory_space<vmem_shared>> -> memref<10112x16xf32, #tpu.memory_space<vmem_shared>>
        tpu.wait_indirect_dma semaphore(%arg13 : memref<!tpu.dma_semaphore, #tpu.memory_space<semaphore_mem>>) src(%dma_wait3A_221 : memref<128x16xf32, #tpu.memory_space<vmem>>) dst(%dma_wait3A_227 : memref<10112x16xf32, #tpu.memory_space<vmem_shared>>)
        %dma_wait3A_228 = arith.constant 0 : i32
        %dma_wait3A_229 = arith.constant 128 : i32
        %dma_wait3A_230 = arith.constant 0 : i32
        %dma_wait3A_231 = tpu.memref_slice %arg9[%dma_wait3A_229, %dma_wait3A_230] : memref<512x16xf32, #tpu.memory_space<vmem>> -> memref<128x16xf32, #tpu.memory_space<vmem>>
        %dma_wait3A_232 = arith.constant 0 : i32
        %dma_wait3A_233 = tpu.memref_slice %arg8[%dma_wait3A_228, %dma_wait3A_232] : memref<128x128xi32, #tpu.memory_space<vmem>> -> memref<1x128xi32, #tpu.memory_space<vmem>>
        %dma_wait3A_234 = tpu.memref_squeeze %dma_wait3A_233 : memref<1x128xi32, #tpu.memory_space<vmem>> -> memref<128xi32, #tpu.memory_space<vmem>>
        %dma_wait3A_235 = arith.constant 0 : i32
        %dma_wait3A_236 = arith.constant 0 : i32
        %dma_wait3A_237 = tpu.memref_slice %arg11[%dma_wait3A_235, %dma_wait3A_236] : memref<10112x16xf32, #tpu.memory_space<vmem_shared>> -> memref<10112x16xf32, #tpu.memory_space<vmem_shared>>
        tpu.wait_indirect_dma semaphore(%arg13 : memref<!tpu.dma_semaphore, #tpu.memory_space<semaphore_mem>>) src(%dma_wait3A_231 : memref<128x16xf32, #tpu.memory_space<vmem>>) dst(%dma_wait3A_237 : memref<10112x16xf32, #tpu.memory_space<vmem_shared>>)
        %dma_wait3A_238 = arith.constant 0 : i32
        %dma_wait3A_239 = arith.constant 256 : i32
        %dma_wait3A_240 = arith.constant 0 : i32
        %dma_wait3A_241 = tpu.memref_slice %arg9[%dma_wait3A_239, %dma_wait3A_240] : memref<512x16xf32, #tpu.memory_space<vmem>> -> memref<128x16xf32, #tpu.memory_space<vmem>>
        %dma_wait3A_242 = arith.constant 0 : i32
        %dma_wait3A_243 = tpu.memref_slice %arg8[%dma_wait3A_238, %dma_wait3A_242] : memref<128x128xi32, #tpu.memory_space<vmem>> -> memref<1x128xi32, #tpu.memory_space<vmem>>
        %dma_wait3A_244 = tpu.memref_squeeze %dma_wait3A_243 : memref<1x128xi32, #tpu.memory_space<vmem>> -> memref<128xi32, #tpu.memory_space<vmem>>
        %dma_wait3A_245 = arith.constant 0 : i32
        %dma_wait3A_246 = arith.constant 0 : i32
        %dma_wait3A_247 = tpu.memref_slice %arg11[%dma_wait3A_245, %dma_wait3A_246] : memref<10112x16xf32, #tpu.memory_space<vmem_shared>> -> memref<10112x16xf32, #tpu.memory_space<vmem_shared>>
        tpu.wait_indirect_dma semaphore(%arg13 : memref<!tpu.dma_semaphore, #tpu.memory_space<semaphore_mem>>) src(%dma_wait3A_241 : memref<128x16xf32, #tpu.memory_space<vmem>>) dst(%dma_wait3A_247 : memref<10112x16xf32, #tpu.memory_space<vmem_shared>>)
        %dma_wait3A_248 = arith.constant 0 : i32
        %dma_wait3A_249 = arith.constant 384 : i32
        %dma_wait3A_250 = arith.constant 0 : i32
        %dma_wait3A_251 = tpu.memref_slice %arg9[%dma_wait3A_249, %dma_wait3A_250] : memref<512x16xf32, #tpu.memory_space<vmem>> -> memref<128x16xf32, #tpu.memory_space<vmem>>
        %dma_wait3A_252 = arith.constant 0 : i32
        %dma_wait3A_253 = tpu.memref_slice %arg8[%dma_wait3A_248, %dma_wait3A_252] : memref<128x128xi32, #tpu.memory_space<vmem>> -> memref<1x128xi32, #tpu.memory_space<vmem>>
        %dma_wait3A_254 = tpu.memref_squeeze %dma_wait3A_253 : memref<1x128xi32, #tpu.memory_space<vmem>> -> memref<128xi32, #tpu.memory_space<vmem>>
        %dma_wait3A_255 = arith.constant 0 : i32
        %dma_wait3A_256 = arith.constant 0 : i32
        %dma_wait3A_257 = tpu.memref_slice %arg11[%dma_wait3A_255, %dma_wait3A_256] : memref<10112x16xf32, #tpu.memory_space<vmem_shared>> -> memref<10112x16xf32, #tpu.memory_space<vmem_shared>>
        tpu.wait_indirect_dma semaphore(%arg13 : memref<!tpu.dma_semaphore, #tpu.memory_space<semaphore_mem>>) src(%dma_wait3A_251 : memref<128x16xf32, #tpu.memory_space<vmem>>) dst(%dma_wait3A_257 : memref<10112x16xf32, #tpu.memory_space<vmem_shared>>)
      } else {
      }
      %dma_wait3A_155 = arith.constant 0 : i32
      %dma_wait3A_156 = tpu.memref_slice %arg7[%dma_wait3A_155] : memref<16384xi32, #tpu.memory_space<vmem>> -> memref<512xi32, #tpu.memory_space<vmem>>
      %dma_wait3A_157 = arith.constant 0 : i32
      %dma_wait3A_158 = arith.constant 0 : i32
      %dma_wait3A_159 = tpu.memref_slice %arg2[%dma_wait3A_157, %dma_wait3A_158] : memref<10112x16xf32, #tpu.memory_space<hbm>> -> memref<10112x16xf32, #tpu.memory_space<hbm>>
      tpu.wait_indirect_dma semaphore(%arg12 : memref<!tpu.dma_semaphore, #tpu.memory_space<semaphore_mem>>) src(%dma_wait3A_159 : memref<10112x16xf32, #tpu.memory_space<hbm>>) dst(%arg10 : memref<512x16xf32, #tpu.memory_space<vmem>>)
      %add3A_160 = arith.constant 1 : i32
      %add3A_161 = arith.addi %add3A_149, %add3A_160 : i32
      %lt3A_162 = arith.cmpi slt, %add3A_161, %mul3A_12 : i32
      %convert_element_type3A_163 = arith.extui %lt3A_162 : i1 to i32
      %cond3A_164 = arith.constant 0 : i32
      %cond3A_165 = arith.cmpi ne, %convert_element_type3A_163, %cond3A_164 : i32
      scf.if %cond3A_165 {
        %add3A_218 = arith.constant 1 : i32
        %add3A_219 = arith.addi %add3A_149, %add3A_218 : i32
        %mul3A_220 = arith.constant 512 : i32
        %mul3A_221 = arith.muli %add3A_219, %mul3A_220 : i32
        %dma_start3A_222 = tpu.memref_slice %arg7[%mul3A_221] : memref<16384xi32, #tpu.memory_space<vmem>> -> memref<512xi32, #tpu.memory_space<vmem>>
        %dma_start3A_223 = arith.constant 0 : i32
        %dma_start3A_224 = arith.constant 0 : i32
        %dma_start3A_225 = tpu.memref_slice %arg2[%dma_start3A_223, %dma_start3A_224] : memref<10112x16xf32, #tpu.memory_space<hbm>> -> memref<10112x16xf32, #tpu.memory_space<hbm>>
        tpu.enqueue_indirect_dma source(%dma_start3A_225 : memref<10112x16xf32, #tpu.memory_space<hbm>>) target(%arg9 : memref<512x16xf32, #tpu.memory_space<vmem>>) offsets(%dma_start3A_222 : memref<512xi32, #tpu.memory_space<vmem>>) semaphore(%arg12 : memref<!tpu.dma_semaphore, #tpu.memory_space<semaphore_mem>>)
      } else {
      }
      %mul3A_166 = arith.constant 4 : i32
      %mul3A_167 = arith.muli %add3A_149, %mul3A_166 : i32
      %add3A_168 = arith.constant 0 : i32
      %add3A_169 = arith.addi %mul3A_167, %add3A_168 : i32
      %dma_start3A_170 = arith.constant 0 : i32
      %dma_start3A_171 = arith.constant 0 : i32
      %dma_start3A_172 = tpu.memref_slice %arg10[%dma_start3A_170, %dma_start3A_171] : memref<512x16xf32, #tpu.memory_space<vmem>> -> memref<128x16xf32, #tpu.memory_space<vmem>>
      %dma_start3A_173 = arith.constant 0 : i32
      %dma_start3A_174 = tpu.memref_slice %arg8[%add3A_169, %dma_start3A_173] : memref<128x128xi32, #tpu.memory_space<vmem>> -> memref<1x128xi32, #tpu.memory_space<vmem>>
      %dma_start3A_175 = tpu.memref_squeeze %dma_start3A_174 : memref<1x128xi32, #tpu.memory_space<vmem>> -> memref<128xi32, #tpu.memory_space<vmem>>
      %dma_start3A_176 = arith.constant 0 : i32
      %dma_start3A_177 = arith.constant 0 : i32
      %dma_start3A_178 = tpu.memref_slice %arg11[%dma_start3A_176, %dma_start3A_177] : memref<10112x16xf32, #tpu.memory_space<vmem_shared>> -> memref<10112x16xf32, #tpu.memory_space<vmem_shared>>
      tpu.enqueue_indirect_dma source(%dma_start3A_172 : memref<128x16xf32, #tpu.memory_space<vmem>>) target(%dma_start3A_178 : memref<10112x16xf32, #tpu.memory_space<vmem_shared>>) offsets(%dma_start3A_175 : memref<128xi32, #tpu.memory_space<vmem>>) semaphore(%arg13 : memref<!tpu.dma_semaphore, #tpu.memory_space<semaphore_mem>>) {add = true}
      %mul3A_179 = arith.constant 4 : i32
      %mul3A_180 = arith.muli %add3A_149, %mul3A_179 : i32
      %add3A_181 = arith.constant 1 : i32
      %add3A_182 = arith.addi %mul3A_180, %add3A_181 : i32
      %dma_start3A_183 = arith.constant 128 : i32
      %dma_start3A_184 = arith.constant 0 : i32
      %dma_start3A_185 = tpu.memref_slice %arg10[%dma_start3A_183, %dma_start3A_184] : memref<512x16xf32, #tpu.memory_space<vmem>> -> memref<128x16xf32, #tpu.memory_space<vmem>>
      %dma_start3A_186 = arith.constant 0 : i32
      %dma_start3A_187 = tpu.memref_slice %arg8[%add3A_182, %dma_start3A_186] : memref<128x128xi32, #tpu.memory_space<vmem>> -> memref<1x128xi32, #tpu.memory_space<vmem>>
      %dma_start3A_188 = tpu.memref_squeeze %dma_start3A_187 : memref<1x128xi32, #tpu.memory_space<vmem>> -> memref<128xi32, #tpu.memory_space<vmem>>
      %dma_start3A_189 = arith.constant 0 : i32
      %dma_start3A_190 = arith.constant 0 : i32
      %dma_start3A_191 = tpu.memref_slice %arg11[%dma_start3A_189, %dma_start3A_190] : memref<10112x16xf32, #tpu.memory_space<vmem_shared>> -> memref<10112x16xf32, #tpu.memory_space<vmem_shared>>
      tpu.enqueue_indirect_dma source(%dma_start3A_185 : memref<128x16xf32, #tpu.memory_space<vmem>>) target(%dma_start3A_191 : memref<10112x16xf32, #tpu.memory_space<vmem_shared>>) offsets(%dma_start3A_188 : memref<128xi32, #tpu.memory_space<vmem>>) semaphore(%arg13 : memref<!tpu.dma_semaphore, #tpu.memory_space<semaphore_mem>>) {add = true}
      %mul3A_192 = arith.constant 4 : i32
      %mul3A_193 = arith.muli %add3A_149, %mul3A_192 : i32
      %add3A_194 = arith.constant 2 : i32
      %add3A_195 = arith.addi %mul3A_193, %add3A_194 : i32
      %dma_start3A_196 = arith.constant 256 : i32
      %dma_start3A_197 = arith.constant 0 : i32
      %dma_start3A_198 = tpu.memref_slice %arg10[%dma_start3A_196, %dma_start3A_197] : memref<512x16xf32, #tpu.memory_space<vmem>> -> memref<128x16xf32, #tpu.memory_space<vmem>>
      %dma_start3A_199 = arith.constant 0 : i32
      %dma_start3A_200 = tpu.memref_slice %arg8[%add3A_195, %dma_start3A_199] : memref<128x128xi32, #tpu.memory_space<vmem>> -> memref<1x128xi32, #tpu.memory_space<vmem>>
      %dma_start3A_201 = tpu.memref_squeeze %dma_start3A_200 : memref<1x128xi32, #tpu.memory_space<vmem>> -> memref<128xi32, #tpu.memory_space<vmem>>
      %dma_start3A_202 = arith.constant 0 : i32
      %dma_start3A_203 = arith.constant 0 : i32
      %dma_start3A_204 = tpu.memref_slice %arg11[%dma_start3A_202, %dma_start3A_203] : memref<10112x16xf32, #tpu.memory_space<vmem_shared>> -> memref<10112x16xf32, #tpu.memory_space<vmem_shared>>
      tpu.enqueue_indirect_dma source(%dma_start3A_198 : memref<128x16xf32, #tpu.memory_space<vmem>>) target(%dma_start3A_204 : memref<10112x16xf32, #tpu.memory_space<vmem_shared>>) offsets(%dma_start3A_201 : memref<128xi32, #tpu.memory_space<vmem>>) semaphore(%arg13 : memref<!tpu.dma_semaphore, #tpu.memory_space<semaphore_mem>>) {add = true}
      %mul3A_205 = arith.constant 4 : i32
      %mul3A_206 = arith.muli %add3A_149, %mul3A_205 : i32
      %add3A_207 = arith.constant 3 : i32
      %add3A_208 = arith.addi %mul3A_206, %add3A_207 : i32
      %dma_start3A_209 = arith.constant 384 : i32
      %dma_start3A_210 = arith.constant 0 : i32
      %dma_start3A_211 = tpu.memref_slice %arg10[%dma_start3A_209, %dma_start3A_210] : memref<512x16xf32, #tpu.memory_space<vmem>> -> memref<128x16xf32, #tpu.memory_space<vmem>>
      %dma_start3A_212 = arith.constant 0 : i32
      %dma_start3A_213 = tpu.memref_slice %arg8[%add3A_208, %dma_start3A_212] : memref<128x128xi32, #tpu.memory_space<vmem>> -> memref<1x128xi32, #tpu.memory_space<vmem>>
      %dma_start3A_214 = tpu.memref_squeeze %dma_start3A_213 : memref<1x128xi32, #tpu.memory_space<vmem>> -> memref<128xi32, #tpu.memory_space<vmem>>
      %dma_start3A_215 = arith.constant 0 : i32
      %dma_start3A_216 = arith.constant 0 : i32
      %dma_start3A_217 = tpu.memref_slice %arg11[%dma_start3A_215, %dma_start3A_216] : memref<10112x16xf32, #tpu.memory_space<vmem_shared>> -> memref<10112x16xf32, #tpu.memory_space<vmem_shared>>
      tpu.enqueue_indirect_dma source(%dma_start3A_211 : memref<128x16xf32, #tpu.memory_space<vmem>>) target(%dma_start3A_217 : memref<10112x16xf32, #tpu.memory_space<vmem_shared>>) offsets(%dma_start3A_214 : memref<128xi32, #tpu.memory_space<vmem>>) semaphore(%arg13 : memref<!tpu.dma_semaphore, #tpu.memory_space<semaphore_mem>>) {add = true}
    }
    %dma_wait3A = arith.constant 0 : i32
    %dma_wait3A_35 = arith.constant 0 : i32
    %dma_wait3A_36 = arith.constant 0 : i32
    %dma_wait3A_37 = tpu.memref_slice %arg10[%dma_wait3A_35, %dma_wait3A_36] : memref<512x16xf32, #tpu.memory_space<vmem>> -> memref<128x16xf32, #tpu.memory_space<vmem>>
    %dma_wait3A_38 = arith.constant 0 : i32
    %dma_wait3A_39 = tpu.memref_slice %arg8[%dma_wait3A, %dma_wait3A_38] : memref<128x128xi32, #tpu.memory_space<vmem>> -> memref<1x128xi32, #tpu.memory_space<vmem>>
    %dma_wait3A_40 = tpu.memref_squeeze %dma_wait3A_39 : memref<1x128xi32, #tpu.memory_space<vmem>> -> memref<128xi32, #tpu.memory_space<vmem>>
    %dma_wait3A_41 = arith.constant 0 : i32
    %dma_wait3A_42 = arith.constant 0 : i32
    %dma_wait3A_43 = tpu.memref_slice %arg11[%dma_wait3A_41, %dma_wait3A_42] : memref<10112x16xf32, #tpu.memory_space<vmem_shared>> -> memref<10112x16xf32, #tpu.memory_space<vmem_shared>>
    tpu.wait_indirect_dma semaphore(%arg13 : memref<!tpu.dma_semaphore, #tpu.memory_space<semaphore_mem>>) src(%dma_wait3A_37 : memref<128x16xf32, #tpu.memory_space<vmem>>) dst(%dma_wait3A_43 : memref<10112x16xf32, #tpu.memory_space<vmem_shared>>)
    %dma_wait3A_44 = arith.constant 0 : i32
    %dma_wait3A_45 = arith.constant 128 : i32
    %dma_wait3A_46 = arith.constant 0 : i32
    %dma_wait3A_47 = tpu.memref_slice %arg10[%dma_wait3A_45, %dma_wait3A_46] : memref<512x16xf32, #tpu.memory_space<vmem>> -> memref<128x16xf32, #tpu.memory_space<vmem>>
    %dma_wait3A_48 = arith.constant 0 : i32
    %dma_wait3A_49 = tpu.memref_slice %arg8[%dma_wait3A_44, %dma_wait3A_48] : memref<128x128xi32, #tpu.memory_space<vmem>> -> memref<1x128xi32, #tpu.memory_space<vmem>>
    %dma_wait3A_50 = tpu.memref_squeeze %dma_wait3A_49 : memref<1x128xi32, #tpu.memory_space<vmem>> -> memref<128xi32, #tpu.memory_space<vmem>>
    %dma_wait3A_51 = arith.constant 0 : i32
    %dma_wait3A_52 = arith.constant 0 : i32
    %dma_wait3A_53 = tpu.memref_slice %arg11[%dma_wait3A_51, %dma_wait3A_52] : memref<10112x16xf32, #tpu.memory_space<vmem_shared>> -> memref<10112x16xf32, #tpu.memory_space<vmem_shared>>
    tpu.wait_indirect_dma semaphore(%arg13 : memref<!tpu.dma_semaphore, #tpu.memory_space<semaphore_mem>>) src(%dma_wait3A_47 : memref<128x16xf32, #tpu.memory_space<vmem>>) dst(%dma_wait3A_53 : memref<10112x16xf32, #tpu.memory_space<vmem_shared>>)
    %dma_wait3A_54 = arith.constant 0 : i32
    %dma_wait3A_55 = arith.constant 256 : i32
    %dma_wait3A_56 = arith.constant 0 : i32
    %dma_wait3A_57 = tpu.memref_slice %arg10[%dma_wait3A_55, %dma_wait3A_56] : memref<512x16xf32, #tpu.memory_space<vmem>> -> memref<128x16xf32, #tpu.memory_space<vmem>>
    %dma_wait3A_58 = arith.constant 0 : i32
    %dma_wait3A_59 = tpu.memref_slice %arg8[%dma_wait3A_54, %dma_wait3A_58] : memref<128x128xi32, #tpu.memory_space<vmem>> -> memref<1x128xi32, #tpu.memory_space<vmem>>
    %dma_wait3A_60 = tpu.memref_squeeze %dma_wait3A_59 : memref<1x128xi32, #tpu.memory_space<vmem>> -> memref<128xi32, #tpu.memory_space<vmem>>
    %dma_wait3A_61 = arith.constant 0 : i32
    %dma_wait3A_62 = arith.constant 0 : i32
    %dma_wait3A_63 = tpu.memref_slice %arg11[%dma_wait3A_61, %dma_wait3A_62] : memref<10112x16xf32, #tpu.memory_space<vmem_shared>> -> memref<10112x16xf32, #tpu.memory_space<vmem_shared>>
    tpu.wait_indirect_dma semaphore(%arg13 : memref<!tpu.dma_semaphore, #tpu.memory_space<semaphore_mem>>) src(%dma_wait3A_57 : memref<128x16xf32, #tpu.memory_space<vmem>>) dst(%dma_wait3A_63 : memref<10112x16xf32, #tpu.memory_space<vmem_shared>>)
    %dma_wait3A_64 = arith.constant 0 : i32
    %dma_wait3A_65 = arith.constant 384 : i32
    %dma_wait3A_66 = arith.constant 0 : i32
    %dma_wait3A_67 = tpu.memref_slice %arg10[%dma_wait3A_65, %dma_wait3A_66] : memref<512x16xf32, #tpu.memory_space<vmem>> -> memref<128x16xf32, #tpu.memory_space<vmem>>
    %dma_wait3A_68 = arith.constant 0 : i32
    %dma_wait3A_69 = tpu.memref_slice %arg8[%dma_wait3A_64, %dma_wait3A_68] : memref<128x128xi32, #tpu.memory_space<vmem>> -> memref<1x128xi32, #tpu.memory_space<vmem>>
    %dma_wait3A_70 = tpu.memref_squeeze %dma_wait3A_69 : memref<1x128xi32, #tpu.memory_space<vmem>> -> memref<128xi32, #tpu.memory_space<vmem>>
    %dma_wait3A_71 = arith.constant 0 : i32
    %dma_wait3A_72 = arith.constant 0 : i32
    %dma_wait3A_73 = tpu.memref_slice %arg11[%dma_wait3A_71, %dma_wait3A_72] : memref<10112x16xf32, #tpu.memory_space<vmem_shared>> -> memref<10112x16xf32, #tpu.memory_space<vmem_shared>>
    tpu.wait_indirect_dma semaphore(%arg13 : memref<!tpu.dma_semaphore, #tpu.memory_space<semaphore_mem>>) src(%dma_wait3A_67 : memref<128x16xf32, #tpu.memory_space<vmem>>) dst(%dma_wait3A_73 : memref<10112x16xf32, #tpu.memory_space<vmem_shared>>)
    %barrier3A_74 = arith.constant 0 : index
    tpu.barrier barrier_id(%barrier3A_74)
    "tpu.region"() ({
      %run_scoped3A = tpu.sem_alloc : memref<!tpu.dma_semaphore, #tpu.memory_space<semaphore_mem>>
      %dma_start3A_75 = arith.constant 0 : i32
      %dma_start3A_76 = tpu.memref_slice %arg6[%arg0, %mul3A_0, %dma_start3A_75] : memref<2x10112x16xf32, #tpu.memory_space<hbm>> -> memref<1x632x16xf32, #tpu.memory_space<hbm>>
      %dma_start3A_77 = tpu.memref_squeeze %dma_start3A_76 : memref<1x632x16xf32, #tpu.memory_space<hbm>> -> memref<632x16xf32, #tpu.memory_space<hbm>>
      %dma_start3A_78 = arith.constant 0 : i32
      %dma_start3A_79 = tpu.memref_slice %arg11[%mul3A_0, %dma_start3A_78] : memref<10112x16xf32, #tpu.memory_space<vmem_shared>> -> memref<632x16xf32, #tpu.memory_space<vmem_shared>>
      tpu.enqueue_dma source(%dma_start3A_79 : memref<632x16xf32, #tpu.memory_space<vmem_shared>>) target(%dma_start3A_77 : memref<632x16xf32, #tpu.memory_space<hbm>>) target_semaphore(%run_scoped3A : memref<!tpu.dma_semaphore, #tpu.memory_space<semaphore_mem>>)
      %dma_wait3A_80 = arith.constant 0 : i32
      %dma_wait3A_81 = tpu.memref_slice %arg6[%arg0, %mul3A_0, %dma_wait3A_80] : memref<2x10112x16xf32, #tpu.memory_space<hbm>> -> memref<1x632x16xf32, #tpu.memory_space<hbm>>
      %dma_wait3A_82 = tpu.memref_squeeze %dma_wait3A_81 : memref<1x632x16xf32, #tpu.memory_space<hbm>> -> memref<632x16xf32, #tpu.memory_space<hbm>>
      %dma_wait3A_83 = arith.constant 0 : i32
      %dma_wait3A_84 = tpu.memref_slice %arg11[%mul3A_0, %dma_wait3A_83] : memref<10112x16xf32, #tpu.memory_space<vmem_shared>> -> memref<632x16xf32, #tpu.memory_space<vmem_shared>>
      tpu.wait_dma2 semaphore(%run_scoped3A : memref<!tpu.dma_semaphore, #tpu.memory_space<semaphore_mem>>) src(%dma_wait3A_84 : memref<632x16xf32, #tpu.memory_space<vmem_shared>>) dst(%dma_wait3A_82 : memref<632x16xf32, #tpu.memory_space<hbm>>)
      tpu.yield
    }) : () -> ()
    return
  }
}

module attributes {stable_mosaic.version = 14 : i64} {
  func.func @_tc_stage1(%arg0: memref<10112x128xf32, #tpu.memory_space<vmem>>, %arg1: memref<128x16xf32, #tpu.memory_space<vmem>>, %arg2: memref<2x10112x16xf32, #tpu.memory_space<vmem>>, %arg3: memref<10112x16xf32, #tpu.memory_space<vmem>>, %arg4: memref<10112x16xf32, #tpu.memory_space<vmem>>) attributes {dimension_semantics = [], scalar_prefetch = 0 : i64, scratch_operands = 0 : i64, tpu.core_type = #tpu.core_type<tc>} {
    %get3A = arith.constant 0 : index
    %get3A_0 = arith.constant 0 : index
    %get3A_1 = arith.constant 0 : index
    %get3A_2 = vector.load %arg2[%get3A, %get3A_0, %get3A_1] : memref<2x10112x16xf32, #tpu.memory_space<vmem>>, vector<1x10112x16xf32>
    %get3A_3 = vector.shape_cast %get3A_2 : vector<1x10112x16xf32> to vector<10112x16xf32>
    %get3A_4 = arith.constant 1 : index
    %get3A_5 = arith.constant 0 : index
    %get3A_6 = arith.constant 0 : index
    %get3A_7 = vector.load %arg2[%get3A_4, %get3A_5, %get3A_6] : memref<2x10112x16xf32, #tpu.memory_space<vmem>>, vector<1x10112x16xf32>
    %get3A_8 = vector.shape_cast %get3A_7 : vector<1x10112x16xf32> to vector<10112x16xf32>
    %add3A = arith.addf %get3A_3, %get3A_8 : vector<10112x16xf32>
    %add3A_9 = arith.constant 1.000000e+00 : f32
    %add3A_10 = vector.broadcast %add3A_9 : f32 to vector<10112x16xf32>
    %add3A_11 = arith.addf %add3A, %add3A_10 : vector<10112x16xf32>
    %rsqrt3A = math.rsqrt %add3A_11 : vector<10112x16xf32>
    %swap3A = arith.constant 0 : index
    %swap3A_12 = arith.constant 0 : index
    %swap3A_13 = vector.load %arg4[%swap3A, %swap3A_12] : memref<10112x16xf32, #tpu.memory_space<vmem>>, vector<10112x16xf32>
    tpu.vector_store %arg4[%swap3A, %swap3A_12], %rsqrt3A {strides = array<i32>} : memref<10112x16xf32, #tpu.memory_space<vmem>>, vector<10112x16xf32>,
    %get3A_14 = arith.constant 0 : index
    %get3A_15 = arith.constant 0 : index
    %get3A_16 = vector.load %arg0[%get3A_14, %get3A_15] : memref<10112x128xf32, #tpu.memory_space<vmem>>, vector<10112x128xf32>
    %get3A_17 = arith.constant 0 : index
    %get3A_18 = arith.constant 0 : index
    %get3A_19 = vector.load %arg1[%get3A_17, %get3A_18] : memref<128x16xf32, #tpu.memory_space<vmem>>, vector<128x16xf32>
    %dot_general3A = arith.constant dense<0.000000e+00> : vector<10112x16xf32>
    %dot_general3A_20 = tpu.matmul %get3A_16, %get3A_19, %dot_general3A {dimension_numbers = #tpu.dot_dimension_numbers<[1], [0], [0], [1], [0, 0, 1, 1], [], []>, transpose_lhs_hint = false} : vector<10112x128xf32>, vector<128x16xf32>, vector<10112x16xf32> -> vector<10112x16xf32>
    %slice3A = vector.extract_strided_slice %rsqrt3A {offsets = [0, 0], sizes = [10112, 1], strides = [1, 1]} : vector<10112x16xf32> to vector<10112x1xf32>
    %mul3A = vector.broadcast %slice3A : vector<10112x1xf32> to vector<10112x16xf32>
    %mul3A_21 = arith.mulf %dot_general3A_20, %mul3A : vector<10112x16xf32>
    %swap3A_22 = arith.constant 0 : index
    %swap3A_23 = arith.constant 0 : index
    %swap3A_24 = vector.load %arg3[%swap3A_22, %swap3A_23] : memref<10112x16xf32, #tpu.memory_space<vmem>>, vector<10112x16xf32>
    tpu.vector_store %arg3[%swap3A_22, %swap3A_23], %mul3A_21 {strides = array<i32>} : memref<10112x16xf32, #tpu.memory_space<vmem>>, vector<10112x16xf32>,
    return
  }
}

module attributes {stable_mosaic.version = 14 : i64} {
  func.func @_tc_stage2(%arg0: memref<2x10112x16xf32, #tpu.memory_space<vmem>>, %arg1: memref<10112x16xf32, #tpu.memory_space<vmem>>, %arg2: memref<1x16xf32, #tpu.memory_space<vmem>>, %arg3: memref<10112x16xf32, #tpu.memory_space<vmem>>) attributes {dimension_semantics = [], scalar_prefetch = 0 : i64, scratch_operands = 0 : i64, tpu.core_type = #tpu.core_type<tc>} {
    %get3A = arith.constant 0 : index
    %get3A_0 = arith.constant 0 : index
    %get3A_1 = vector.load %arg1[%get3A, %get3A_0] : memref<10112x16xf32, #tpu.memory_space<vmem>>, vector<10112x1xf32>
    %get3A_2 = arith.constant 0 : index
    %get3A_3 = arith.constant 0 : index
    %get3A_4 = arith.constant 0 : index
    %get3A_5 = vector.load %arg0[%get3A_2, %get3A_3, %get3A_4] : memref<2x10112x16xf32, #tpu.memory_space<vmem>>, vector<1x10112x16xf32>
    %get3A_6 = vector.shape_cast %get3A_5 : vector<1x10112x16xf32> to vector<10112x16xf32>
    %get3A_7 = arith.constant 1 : index
    %get3A_8 = arith.constant 0 : index
    %get3A_9 = arith.constant 0 : index
    %get3A_10 = vector.load %arg0[%get3A_7, %get3A_8, %get3A_9] : memref<2x10112x16xf32, #tpu.memory_space<vmem>>, vector<1x10112x16xf32>
    %get3A_11 = vector.shape_cast %get3A_10 : vector<1x10112x16xf32> to vector<10112x16xf32>
    %add3A = arith.addf %get3A_6, %get3A_11 : vector<10112x16xf32>
    %mul3A = vector.broadcast %get3A_1 : vector<10112x1xf32> to vector<10112x16xf32>
    %mul3A_12 = arith.mulf %add3A, %mul3A : vector<10112x16xf32>
    %get3A_13 = arith.constant 0 : index
    %get3A_14 = arith.constant 0 : index
    %get3A_15 = vector.load %arg2[%get3A_13, %get3A_14] : memref<1x16xf32, #tpu.memory_space<vmem>>, vector<1x16xf32>
    %add3A_16 = vector.broadcast %get3A_15 : vector<1x16xf32> to vector<10112x16xf32>
    %add3A_17 = arith.addf %mul3A_12, %add3A_16 : vector<10112x16xf32>
    %max3A = arith.constant 0.000000e+00 : f32
    %max3A_18 = vector.broadcast %max3A : f32 to vector<10112x16xf32>
    %max3A_19 = arith.maximumf %add3A_17, %max3A_18 : vector<10112x16xf32>
    %mul3A_20 = vector.broadcast %get3A_1 : vector<10112x1xf32> to vector<10112x16xf32>
    %mul3A_21 = arith.mulf %max3A_19, %mul3A_20 : vector<10112x16xf32>
    %swap3A = arith.constant 0 : index
    %swap3A_22 = arith.constant 0 : index
    %swap3A_23 = vector.load %arg3[%swap3A, %swap3A_22] : memref<10112x16xf32, #tpu.memory_space<vmem>>, vector<10112x16xf32>
    tpu.vector_store %arg3[%swap3A, %swap3A_22], %mul3A_21 {strides = array<i32>} : memref<10112x16xf32, #tpu.memory_space<vmem>>, vector<10112x16xf32>,
    return
  }
}

module attributes {stable_mosaic.version = 14 : i64} {
  func.func @_tc_stage3(%arg0: memref<2x10112x16xf32, #tpu.memory_space<vmem>>, %arg1: memref<10112x16xf32, #tpu.memory_space<vmem>>, %arg2: memref<16x48xf32, #tpu.memory_space<vmem>>, %arg3: memref<1x48xf32, #tpu.memory_space<vmem>>, %arg4: memref<10000x48xf32, #tpu.memory_space<vmem>>) attributes {dimension_semantics = [], scalar_prefetch = 0 : i64, scratch_operands = 0 : i64, tpu.core_type = #tpu.core_type<tc>} {
    %get3A = arith.constant 0 : index
    %get3A_0 = arith.constant 0 : index
    %get3A_1 = arith.constant 0 : index
    %get3A_2 = vector.load %arg0[%get3A, %get3A_0, %get3A_1] : memref<2x10112x16xf32, #tpu.memory_space<vmem>>, vector<1x10000x16xf32>
    %get3A_3 = vector.shape_cast %get3A_2 : vector<1x10000x16xf32> to vector<10000x16xf32>
    %get3A_4 = arith.constant 1 : index
    %get3A_5 = arith.constant 0 : index
    %get3A_6 = arith.constant 0 : index
    %get3A_7 = vector.load %arg0[%get3A_4, %get3A_5, %get3A_6] : memref<2x10112x16xf32, #tpu.memory_space<vmem>>, vector<1x10000x16xf32>
    %get3A_8 = vector.shape_cast %get3A_7 : vector<1x10000x16xf32> to vector<10000x16xf32>
    %add3A = arith.addf %get3A_3, %get3A_8 : vector<10000x16xf32>
    %get3A_9 = arith.constant 0 : index
    %get3A_10 = arith.constant 0 : index
    %get3A_11 = vector.load %arg1[%get3A_9, %get3A_10] : memref<10112x16xf32, #tpu.memory_space<vmem>>, vector<10000x1xf32>
    %mul3A = vector.broadcast %get3A_11 : vector<10000x1xf32> to vector<10000x16xf32>
    %mul3A_12 = arith.mulf %add3A, %mul3A : vector<10000x16xf32>
    %get3A_13 = arith.constant 0 : index
    %get3A_14 = arith.constant 0 : index
    %get3A_15 = vector.load %arg2[%get3A_13, %get3A_14] : memref<16x48xf32, #tpu.memory_space<vmem>>, vector<16x48xf32>
    %dot_general3A = arith.constant dense<0.000000e+00> : vector<10000x48xf32>
    %dot_general3A_16 = tpu.matmul %mul3A_12, %get3A_15, %dot_general3A {dimension_numbers = #tpu.dot_dimension_numbers<[1], [0], [0], [1], [0, 0, 1, 1], [], []>, transpose_lhs_hint = false} : vector<10000x16xf32>, vector<16x48xf32>, vector<10000x48xf32> -> vector<10000x48xf32>
    %get3A_17 = arith.constant 0 : index
    %get3A_18 = arith.constant 0 : index
    %get3A_19 = vector.load %arg3[%get3A_17, %get3A_18] : memref<1x48xf32, #tpu.memory_space<vmem>>, vector<1x48xf32>
    %add3A_20 = vector.broadcast %get3A_19 : vector<1x48xf32> to vector<10000x48xf32>
    %add3A_21 = arith.addf %dot_general3A_16, %add3A_20 : vector<10000x48xf32>
    %swap3A = arith.constant 0 : index
    %swap3A_22 = arith.constant 0 : index
    %swap3A_23 = vector.load %arg4[%swap3A, %swap3A_22] : memref<10000x48xf32, #tpu.memory_space<vmem>>, vector<10000x48xf32>
    tpu.vector_store %arg4[%swap3A, %swap3A_22], %add3A_21 {strides = array<i32>} : memref<10000x48xf32, #tpu.memory_space<vmem>>, vector<10000x48xf32>,
    return
  }
}

</mosaic_0001>

<sc_bundles>
// kernel: kernel.11.cloned.1.call-start
scs
__scs_entry_jumppad:
0x0: {  	(pc) =	sbr.rel $0x88, $3  }
0x1: {  	(tag) =	ssettag $0x0;
	lr =	simm.s32 $0x1  }
0x2: {  	[smem:$0x3F9B] =	sst lr;
	_ =	strace $0xD0000000  }
0x3: {  	_ = 	snop  }
0x4: {  	_ = 	snop  }
0x5: {  	_ = 	snop  }
0x6: {  	_ = 	snop  }
0x7: {  	_ = 	snop  }
__scs_overlays_trampoline_lowered:
0x8: {  	[smem:$0x3FAA] =	sst s0  }
0x9: {  	[smem:$0x3FAB] =	sst s1  }
0xa: {  	[smem:$0x3FAC] =	sst s2  }
0xb: {  	[smem:$0x3FAD] =	sst s3  }
0xc: {  	[smem:$0x3FAE] =	sst s4  }
0xd: {  	[smem:$0x3FAF] =	sst s5  }
0xe: {  	[smem:$0x3FB0] =	sst s6  }
0xf: {  	[smem:$0x3FB1] =	sst s7  }
0x10: {  	[smem:$0x3FB2] =	sst s8  }
0x11: {  	[smem:$0x3FB3] =	sst s9;
	s0 =	simm.s32 @!p0 $0x0  }
0x12: {  	s1 =	sld [smem:$0x3F99];
	s0 =	simm.s32 @p0 $0x1  }
0x13: {  	[smem:$0x3FB4] =	sst s0;
	s0 =	simm.s32 @!p1 $0x0  }
0x14: {  	s2 =	sld [smem:$0x3F98];
	s0 =	simm.s32 @p1 $0x1  }
0x15: {  	[smem:$0x3FB5] =	sst s0;
	s0 =	simm.s32 @!p2 $0x0  }
0x16: {  	s3 =	sld [smem:$0x3FDB];
	s0 =	simm.s32 @p2 $0x1  }
0x17: {  	s4 =	simm.s32 $0x1BF5;
	[smem:$0x3FB7] =	sst s0  }
0x18: {  	s0 =	sld [smem:$0x3F9A];
	_ =	swait.ge [sflag:s4], $0x0  }
0x19: {  	s7 =	sld [smem:$0x3F9B]  }
0x1a: {  	s8 =	sadd.s32 $0xFFFFE003, lr  }
0x1b: {  	s9 =	sadd.s32 $0xFFFFFEF7, lr;
	s5 =	simm.s32 $0xFFFFFFFF;
	p2 =	slt.u32 s8, $0xFFFFF086  }
0x1c: {  	p1 =	slt.u32 s9, $0xF7A;
	s5 =	simm.s32 @!p2 $0x0  }
0x1d: {  	s5 =	simm.s32 @p1 $0x1;
	p0 =	seq.s32 s7, s2  }
0x1e: {  	s7 =	smul.u32 @!p0 $0xF7A, s2;
	p2 =	seq.s32 @!p0 s5, $0x0  }
0x1f: {  	s9 =	smul.u32 $0xF7A, s1;
	s8 =	simm.s32 @!p0 $0x1BF5;
	p2 =	por !p2, p0  }
0x20: {  	[sflag:s8] =	ssyncset.s32 @!p0 $0xFFFFF086;
	s6 =	sadd.s32 @!p0 s3, s7;
	s7 =	simm.s32 @!p0 $0x108  }
0x21: {  	s3 =	sadd.s32 s3, s9;
	s6 =	sadd.s32 @!p0 $0x88, s6;
	s7 =	simm.s32 @p2 $0x1082  }
0x22: {  	[simem:s7], [sflag:s8] =	dma.local @!p0 [hbm:s6], $0xF7A  }
0x23: {  	s9 =	sor.u32 $0xD0000000, s2;
	s6 =	simm.s32 $0x108;
	_ =	swait.ge @!p0 [sflag:s8], $0x0  }
0x24: {  	s3 =	sadd.s32 $0x88, s3;
	s6 =	simm.s32 @!p1 $0x1082;
	[sflag:s4] =	ssyncset.s32 $0xFFFFF086  }
0x25: {  	[simem:s6], [sflag:s4] =	dma.local [hbm:s3], $0xF7A  }
0x26: {  	[smem:$0x3F9B] =	sst s1;
	(tag) =	ssettag s2;
	_ =	strace s9  }
0x27: {  	s1 =	sld [smem:$0x3FAB]  }
0x28: {  	s2 =	sld [smem:$0x3FAC]  }
0x29: {  	s4 =	sld [smem:$0x3FAE]  }
0x2a: {  	p0 =	seq.s32 s5, $0x0;
	s5 =	sld [smem:$0x3FAF]  }
0x2b: {  	s6 =	sld [smem:$0x3FB0]  }
0x2c: {  	s7 =	sld [smem:$0x3FB1]  }
0x2d: {  	s3 =	simm.s32 $0x108;
	s8 =	sld [smem:$0x3FB2]  }
0x2e: {  	s3 =	simm.s32 @!p0 $0x1082;
	s9 =	sld [smem:$0x3FB3]  }
0x2f: {  	lr =	sadd.s32 s0, s3;
	s0 =	sld [smem:$0x3FAA]  }
0x30: {  	s3 =	sld [smem:$0x3FAD]  }
0x31: {  	[smem:$0x3FB6] =	sst s10  }
0x32: {  	s10 =	sld [smem:$0x3FB4];
	_ =	sdelay $0x3  }
0x33: {  	p0 =	seq.s32 s10, $0x1;
	s10 =	sld [smem:$0x3FB6];
	_ =	sdelay $0x3  }
0x34: {  	[smem:$0x3FB6] =	sst s10  }
0x35: {  	s10 =	sld [smem:$0x3FB5];
	_ =	sdelay $0x3  }
0x36: {  	p1 =	seq.s32 s10, $0x1;
	s10 =	sld [smem:$0x3FB6];
	_ =	sdelay $0x3  }
0x37: {  	[smem:$0x3FB6] =	sst s10  }
0x38: {  	s10 =	sld [smem:$0x3FB7]  }
0x39: {  	_ = 	snop;
	(pc) =	sbr.ind lr, $3  }
0x3a: {  	_ = 	snop  }
0x3b: {  	_ = 	snop  }
0x3c: {  	p2 =	seq.s32 s10, $0x1;
	s10 =	sld [smem:$0x3FB6]  }
0x3d: {  	_ =	shalt  }
0x3e: {  	_ =	shalt  }
0x3f: {  	_ =	shalt  }
0x40: {  	_ =	shalt  }
0x41: {  	_ =	shalt  }
0x42: {  	_ =	shalt  }
0x43: {  	_ =	shalt  }
0x44: {  	_ =	shalt  }
0x45: {  	_ =	shalt  }
0x46: {  	_ =	shalt  }
0x47: {  	_ =	shalt  }
0x48: {  	_ =	shalt  }
0x49: {  	_ =	shalt  }
0x4a: {  	_ =	shalt  }
0x4b: {  	_ =	shalt  }
0x4c: {  	_ =	shalt  }
0x4d: {  	_ =	shalt  }
0x4e: {  	_ =	shalt  }
0x4f: {  	_ =	shalt  }
0x50: {  	_ =	shalt  }
0x51: {  	_ =	shalt  }
0x52: {  	_ =	shalt  }
0x53: {  	_ =	shalt  }
0x54: {  	_ =	shalt  }
0x55: {  	_ =	shalt  }
0x56: {  	_ =	shalt  }
0x57: {  	_ =	shalt  }
0x58: {  	_ =	shalt  }
0x59: {  	_ =	shalt  }
0x5a: {  	_ =	shalt  }
0x5b: {  	_ =	shalt  }
0x5c: {  	_ =	shalt  }
0x5d: {  	_ =	shalt  }
0x5e: {  	_ =	shalt  }
0x5f: {  	_ =	shalt  }
0x60: {  	_ =	shalt  }
0x61: {  	_ =	shalt  }
0x62: {  	_ =	shalt  }
0x63: {  	_ =	shalt  }
0x64: {  	_ =	shalt  }
0x65: {  	_ =	shalt  }
0x66: {  	_ =	shalt  }
0x67: {  	_ =	shalt  }
0x68: {  	_ =	shalt  }
0x69: {  	_ =	shalt  }
0x6a: {  	_ =	shalt  }
0x6b: {  	_ =	shalt  }
0x6c: {  	_ =	shalt  }
0x6d: {  	_ =	shalt  }
0x6e: {  	_ =	shalt  }
0x6f: {  	_ =	shalt  }
0x70: {  	_ =	shalt  }
0x71: {  	_ =	shalt  }
0x72: {  	_ =	shalt  }
0x73: {  	_ =	shalt  }
0x74: {  	_ =	shalt  }
0x75: {  	_ =	shalt  }
0x76: {  	_ =	shalt  }
0x77: {  	_ =	shalt  }
0x78: {  	_ =	shalt  }
0x79: {  	_ =	shalt  }
0x7a: {  	_ =	shalt  }
0x7b: {  	_ =	shalt  }
0x7c: {  	_ =	shalt  }
0x7d: {  	_ =	shalt  }
0x7e: {  	_ =	shalt  }
0x7f: {  	_ =	shalt  }
0x80: {  	_ =	shalt  }
0x81: {  	_ =	shalt  }
0x82: {  	_ =	shalt  }
0x83: {  	_ =	shalt  }
0x84: {  	_ =	shalt  }
0x85: {  	_ =	shalt  }
0x86: {  	_ =	shalt  }
0x87: {  	_ =	shalt  }
.Lfunc_end0:
.L_simem_size_0:
called_computation.1_lowered:
.L_overlay_start_0:
0x88: {  	s2 =	sld [smem:$0x3FD9]  }
0x89: {  	s3 =	sld [smem:$0x3FFE];
	_ =	sdelay $0x1  }
0x8a: {  	s1 =	srdreg.scid  }
0x8b: {  	s0 =	sand.u32 $0x1, s1  }
0x8c: {  	s17 =	sshll.u32 s0, $0xA;
	s2 =	sadd.s32 s3, s2  }
0x8d: {  	s2 =	sadd.s32 s2, s17  }
0x8e: {  	[smem:$0x3FC2] =	sst s2  }
0x8f: {  	_ = 	snop  }
0x90: {  	s2 =	sld [smem:$0x3FD0];
	(tm) =	ssettm $0x1  }
0x91: {  	s18 =	sld [smem:$0x3FFB];
	_ =	sdelay $0x3  }
0x92: {  	_ =	strace s18  }
0x93: {  	s3 =	sld [smem:$0x3FFC];
	_ =	sdelay $0x3  }
0x94: {  	_ =	strace s3  }
0x95: {  	s3 =	sld [smem:$0x3FFD];
	_ =	sdelay $0x3  }
0x96: {  	_ =	strace s3  }
0x97: {  	_ =	strace $0x8FFFFFFF  }
0x98: {  	s19 =	sld [smem:$0x3FDB];
	_ =	sdelay $0x1  }
0x99: {  	s4 =	simm.s32 $_scs_section_size  }
0x9a: {  	s5 =	simm.s32 $_size__tile_overlayer_lowered;
	s6 =	simm.s32 $_tile_overlayer_lowered  }
0x9b: {  	s22 =	simm.s32 $0x1BFF;
	s21 =	sshll.u32 s6, $0x1;
	s3 =	sadd.s32 s4, s19  }
0x9c: {  	s7 =	simm.s32 $0x0;
	s20 =	sshll.u32 s5, $0x1;
	s5 =	sadd.s32 s21, s3  }
0x9d: {  	[timem:s7], [sflag:s22] =	dma.local [hbm:s5], s20  }
0x9e: {  	_ =	swait.ge [sflag:s22], s20  }
0x9f: {  	s4 =	ssub.s32 $0x0, s20;
	[sflag:s22] =	ssyncset.done $0x0  }
0xa0: {  	[sflag:s22] =	ssyncadd.s32 s4;
	_ =	sdelay $0x1  }
0xa1: {  	s23 =	simm.s32 $0x1B8B  }
0xa2: {  	_ =	swait.ge [sflag:s23], $0x1  }
0xa3: {  	[sflag:s23] =	ssyncset.done $0x0  }
0xa4: {  	s25 =	simm.s32 $0x1B8E;
	s24 =	sld [smem:$0x3FFE];
	[sflag:s23] =	ssyncadd.s32 $0xFFFFFFFF  }
0xa5: {  	s26 =	simm.s32 $execute0_lowered;
	[smem:$0x3FD2] =	sst s25  }
0xa6: {  	s5 =	sshll.u32 s26, $0x1;
	_ =	strace $0x80000049;
	[dreg:$0x1] =	wrdreg $0xFFFFFFFF  }
0xa7: {  	s28 =	simm.s32 $_size_execute0_lowered;
	s3 =	sadd.s32 s3, s5;
	[dreg:$0x0] =	wrdreg $0x0  }
0xa8: {  	s5 =	sshll.u32 s28, $0x1;
	[dreg:$0x2] =	wrdreg s3  }
0xa9: {  	[dreg:$0x3] =	wrdreg s5  }
0xaa: {  	[dreg:$0x4] =	wrdreg $0xC0  }
0xab: {  	_ =	task [dreg:s7], $0x5FFFF  }
0xac: {  	[dreg:$0x1] =	wrdreg $0xFFFFFFFF  }
0xad: {  	[dreg:$0x0] =	wrdreg $0x60  }
0xae: {  	[dreg:$0x2] =	wrdreg s24  }
0xaf: {  	[dreg:$0x3] =	wrdreg s2  }
0xb0: {  	[dreg:$0x4] =	wrdreg $0xC0000  }
0xb1: {  	[dreg:$0x5] =	wrdreg $0x9  }
0xb2: {  	_ =	task.clear_ibuf [dreg:s7], $0x6FFFF;
	_ =	strace $0x90000049  }
0xb3: {  	s29 =	simm.s32 $0x9;
	_ =	strace $0x8000004B  }
0xb4: {  	_ =	swait.ge [sflag:s29], $0x1  }
0xb5: {  	[sflag:s29] =	ssyncadd.s32 $0xFFFFFFFF  }
0xb6: {  	_ =	strace $0x9000004B  }
0xb7: {  	_ =	sfence  }
0xb8: {  	s30 =	sld [smem:$0x0];
	_ =	sdelay $0x2  }
0xb9: {  	s31 =	sshll.u32 s1, $0xD;
	s1 =	sshrl.u32 s1, $0x2  }
0xba: {  	s3 =	sand.u32 $0x4000, s31;
	s1 =	sadd.s32 s1, s30  }
0xbb: {  	s0 =	sor.u32 s3, s0;
	s1 =	sshll.u32 s1, $0x11  }
0xbc: {  	s0 =	sor.u32 s1, s0  }
0xbd: {  	s0 =	sadd.s32 $0x8F2B, s0  }
0xbe: {  	[sflag:s0] =	ssyncadd.remote.s32 $0x1  }
0xbf: {  	_ =	sfence.sel $0xFFFF  }
0xc0: {  	[dreg:$0x0] =	wrdreg $0xFFFFFFFF;
	(pc) =	sbr.abs _section_cstart, $3  }
0xc1: {  	[dreg:$0x1] =	wrdreg $0xFFFFFFFF  }
0xc2: {  	_ =	task.clear_ibuf [dreg:s7], $0x2FFFF;
	_ =	strace $0x9FFFFFFF  }
0xc3: {  	(tm) =	ssettm $0x7FFFFFFF  }
tec
execute0_lowered:
.L_overlay_start_1:
0x0: {  	(tag) =	ssettag $0x1  }
0x1: {  	s0 =	rddreg [dreg:$0x0]  }
0x2: {  	s1 =	rddreg [dreg:$0x1]  }
0x3: {  	s2 =	rddreg [dreg:$0x2];
	s4 =	srdreg.scid  }
0x4: {  	s3 =	simm.s32 $0x0;
	s15 =	stileid.u32;
	s12 =	simm.s32 $0x10  }
0x5: {  	s16 =	simm.s32 $0x8000;
	s17 =	simm.s32 $0x1;
	s18 =	simm.s32 $0xA000  }
0x6: {  	s19 =	simm.s32 $0x80;
	s21 =	simm.s32 $0x8800;
	s23 =	simm.s32 $0x9000  }
0x7: {  	s31 =	simm.s32 $0xA800;
	s22 =	simm.s32 $0xB800;
	s24 =	simm.s32 $0x3  }
0x8: {  	s28 =	simm.s32 $0x0;
	s5 =	sand.u32 $0x1, s4;
	[smem:$0x7FF] =	sst s3  }
0x9: {  	s25 =	sshll.u32 s15, $0x9;
	s6 =	sshll.u32 s15, $0xB;
	s8 =	smul.u32 $0x2780, s15  }
0xa: {  	s4 =	sadd.s32 $0x6600, s0;
	s10 =	sadd.s32 $0x1600, s0;
	s30 =	sshll.u32 s15, $0x6  }
0xb: {  	s15 =	simm.s32 $0x200;
	p0 =	seq.s32 s5, $0x0;
	s7 =	sor.u32 $0x8000, s25  }
0xc: {  	s26 =	smul.u32 $0x27800, s5;
	_ =	strace $0x8000004A;
	s5 =	ssub.s32 $0x2, s5  }
0xd: {  	s25 =	simm.s32 $0x9800;
	s7 =	smov.u32 @p0 s6;
	s11 =	sshrl.u32 s5, $0x1  }
0xe: {  	s12 =	simm.s32 @!p0 $0x4;
	s13 =	sadd.s32 s8, s2;
	s14 =	sshrl.u32 s8, $0x3  }
0xf: {  	s10 =	smov.u32 @p0 s4;
	s9 =	sadd.s32 s7, s0;
	s6 =	sadd.s32 s8, s26  }
0x10: {  	s11 =	ssub.s32 s5, s11;
	s5 =	sshll.u32 s12, $0x1;
	s1 =	sadd.s32 s1, s7  }
0x11: {  	s10 =	sadd.s32 s10, s14;
	s12 =	sadd.s32 $0xFFFFFFFF, s12;
	s13 =	sshrl.u32 s13, $0x3  }
0x12: {  	s14 =	simm.s32 $0x4000;
	s26 =	simm.s32 $0x2;
	s6 =	sshrl.u32 s6, $0x3  }
0x13: {  	s29 =	sadd.s32 $0x10600, s9;
	[dreg:$0x5] =	wrdreg s1;
	s0 =	sadd.s32 s6, s0  }
0x14: {  	s9 =	smax.u32 s11, $0x1;
	[dreg:$0x4] =	wrdreg s29;
	s0 =	sadd.s32 $0x1AE00, s0  }
0x15: {  	s11 =	sor.u32 $0x1C03, s30;
	s1 =	simm.s32 $0xB000;
	[dreg:$0x6] =	wrdreg s0  }
.LBB2_1:
0x16: {  	[spmem:s13], [sflag:s11] =	dma.local [hbm:s10], $0x4F0  }
0x17: {  	_ =	swait.ge [sflag:s24], $0x4F0  }
0x18: {  	[sflag:s24] =	ssyncset.done $0x0  }
0x19: {  	s0 =	rddreg [dreg:$0x4];
	[sflag:s24] =	ssyncadd.s32 $0xFFFFFB10  }
0x1a: {  	[tilespmem:s3], [sflag:$0x3] =	stream.linear.gather [hbm4b:s0+s3], $0x4000, $0x38;
	[tilespmem:$0xE780] =	vst v63  }
0x1b: {  	_ =	swait.ge [sflag:s24], $0x4000  }
0x1c: {  	[sflag:s24] =	ssyncset.done $0x0  }
0x1d: {  	s6 =	rddreg [dreg:$0x5];
	[sflag:s24] =	ssyncadd.s32 $0xFFFFC000  }
0x1e: {  	[tilespmem:s14], [sflag:$0x3] =	stream.linear.gather [hbm4b:s6+s3], $0x4000, $0x38;
	[tilespmem:$0xE780] =	vst v63  }
0x1f: {  	_ =	swait.ge [sflag:s24], $0x4000  }
0x20: {  	[sflag:s24] =	ssyncset.done $0x0  }
0x21: {  	[sflag:s24] =	ssyncadd.s32 $0xFFFFC000  }
0x22: {  	[bflag:$0x0] =	sbarrier.arrive $0xFFFF  }
0x23: {  	[tilespmem:s16], [sflag:$0x1] =	stream.indirect.gather [hbm4b:s4+s15], $0x10, s3, s15, $0xb8;
	[tilespmem:$0xE780] =	vst v63  }
0x24: {  	_ =	swait.ge [sflag:s17], $0x2000  }
0x25: {  	[sflag:s17] =	ssyncset.done $0x0  }
0x26: {  	[sflag:s17] =	ssyncadd.s32 $0xFFFFE000  }
0x27: {  	[tilespmem:s18], [sflag:$0x1] =	stream.indirect.gather [hbm4b:s4+s15], $0x10, s15, s15, $0xb8;
	[tilespmem:$0xE780] =	vst v63  }
0x28: {  	_ = 	snop  }
0x29: {  	[spmem:s2] =	stream.indirect.scatter.add.f32 [tilespmem:s16], [sflag:$0x2], $0x10, s14, s19, $0xb8;
	[tilespmem:$0xE780] =	vst v63  }
0x2a: {  	s7 =	simm.s32 $0x4080  }
0x2b: {  	[spmem:s2] =	stream.indirect.scatter.add.f32 [tilespmem:s21], [sflag:$0x2], $0x10, s7, s19, $0xb8;
	[tilespmem:$0xE780] =	vst v63  }
0x2c: {  	s8 =	simm.s32 $0x4100  }
0x2d: {  	[spmem:s2] =	stream.indirect.scatter.add.f32 [tilespmem:s23], [sflag:$0x2], $0x10, s8, s19, $0xb8;
	[tilespmem:$0xE780] =	vst v63  }
0x2e: {  	s20 =	simm.s32 $0x4180  }
0x2f: {  	[spmem:s2] =	stream.indirect.scatter.add.f32 [tilespmem:s25], [sflag:$0x2], $0x10, s20, s19, $0xb8;
	[tilespmem:$0xE780] =	vst v63  }
0x30: {  	_ =	swait.ge [sflag:s26], $0x800  }
0x31: {  	[sflag:s26] =	ssyncset.done $0x0  }
0x32: {  	[sflag:s26] =	ssyncadd.s32 $0xFFFFF800  }
0x33: {  	_ =	swait.ge [sflag:s26], $0x800  }
0x34: {  	[sflag:s26] =	ssyncset.done $0x0  }
0x35: {  	[sflag:s26] =	ssyncadd.s32 $0xFFFFF800  }
0x36: {  	_ =	swait.ge [sflag:s26], $0x800  }
0x37: {  	[sflag:s26] =	ssyncset.done $0x0  }
0x38: {  	[sflag:s26] =	ssyncadd.s32 $0xFFFFF800  }
0x39: {  	_ =	swait.ge [sflag:s26], $0x800  }
0x3a: {  	[sflag:s26] =	ssyncset.done $0x0  }
0x3b: {  	[sflag:s26] =	ssyncadd.s32 $0xFFFFF800  }
0x3c: {  	_ =	swait.ge [sflag:s17], $0x2000  }
0x3d: {  	[sflag:s17] =	ssyncset.done $0x0  }
0x3e: {  	s6 =	simm.s32 $0x400;
	[sflag:s17] =	ssyncadd.s32 $0xFFFFE000  }
0x3f: {  	[tilespmem:s16], [sflag:$0x1] =	stream.indirect.gather [hbm4b:s4+s15], $0x10, s6, s15, $0xb8;
	[tilespmem:$0xE780] =	vst v63  }
0x40: {  	s7 =	simm.s32 $0x4200  }
0x41: {  	[spmem:s2] =	stream.indirect.scatter.add.f32 [tilespmem:s18], [sflag:$0x2], $0x10, s7, s19, $0xb8;
	[tilespmem:$0xE780] =	vst v63  }
0x42: {  	s8 =	simm.s32 $0x4280  }
0x43: {  	[spmem:s2] =	stream.indirect.scatter.add.f32 [tilespmem:s31], [sflag:$0x2], $0x10, s8, s19, $0xb8;
	[tilespmem:$0xE780] =	vst v63  }
0x44: {  	s20 =	simm.s32 $0x4300  }
0x45: {  	[spmem:s2] =	stream.indirect.scatter.add.f32 [tilespmem:s1], [sflag:$0x2], $0x10, s20, s19, $0xb8;
	[tilespmem:$0xE780] =	vst v63  }
0x46: {  	s6 =	simm.s32 $0x4380  }
0x47: {  	[spmem:s2] =	stream.indirect.scatter.add.f32 [tilespmem:s22], [sflag:$0x2], $0x10, s6, s19, $0xb8;
	[tilespmem:$0xE780] =	vst v63  }
0x48: {  	_ =	swait.ge [sflag:s26], $0x800  }
0x49: {  	[sflag:s26] =	ssyncset.done $0x0  }
0x4a: {  	[sflag:s26] =	ssyncadd.s32 $0xFFFFF800  }
0x4b: {  	_ =	swait.ge [sflag:s26], $0x800  }
0x4c: {  	[sflag:s26] =	ssyncset.done $0x0  }
0x4d: {  	[sflag:s26] =	ssyncadd.s32 $0xFFFFF800  }
0x4e: {  	_ =	swait.ge [sflag:s26], $0x800  }
0x4f: {  	[sflag:s26] =	ssyncset.done $0x0  }
0x50: {  	[sflag:s26] =	ssyncadd.s32 $0xFFFFF800  }
0x51: {  	_ =	swait.ge [sflag:s26], $0x800  }
0x52: {  	[sflag:s26] =	ssyncset.done $0x0  }
0x53: {  	[sflag:s26] =	ssyncadd.s32 $0xFFFFF800  }
0x54: {  	p0 =	sle.u32 s5, $0x3;
	_ =	swait.ge [sflag:s17], $0x2000  }
0x55: {  	s29 =	simm.s32 @!p0 $0x200;
	[sflag:s17] =	ssyncset.done $0x0  }
0x56: {  	s0 =	simm.s32 @!p0 $0xA000;
	s20 =	simm.s32 @!p0 $0x600;
	[sflag:s17] =	ssyncadd.s32 $0xFFFFE000  }
0x57: {  	[tilespmem:s0], [sflag:$0x1] =	stream.indirect.gather @!p0 [hbm4b:s4+s29], $0x10, s20, s29, $0xb8;
	[tilespmem:$0xE780] =	vst v63  }
0x58: {  	s7 =	simm.s32 $0x4400  }
0x59: {  	[spmem:s2] =	stream.indirect.scatter.add.f32 [tilespmem:s16], [sflag:$0x2], $0x10, s7, s19, $0xb8;
	[tilespmem:$0xE780] =	vst v63  }
0x5a: {  	s8 =	simm.s32 $0x4480  }
0x5b: {  	[spmem:s2] =	stream.indirect.scatter.add.f32 [tilespmem:s21], [sflag:$0x2], $0x10, s8, s19, $0xb8;
	[tilespmem:$0xE780] =	vst v63  }
0x5c: {  	s20 =	simm.s32 $0x4500  }
0x5d: {  	[spmem:s2] =	stream.indirect.scatter.add.f32 [tilespmem:s23], [sflag:$0x2], $0x10, s20, s19, $0xb8;
	[tilespmem:$0xE780] =	vst v63  }
0x5e: {  	s6 =	simm.s32 $0x4580  }
0x5f: {  	[spmem:s2] =	stream.indirect.scatter.add.f32 [tilespmem:s25], [sflag:$0x2], $0x10, s6, s19, $0xb8;
	[tilespmem:$0xE780] =	vst v63  }
0x60: {  	_ =	swait.ge [sflag:s26], $0x800  }
0x61: {  	[sflag:s26] =	ssyncset.done $0x0  }
0x62: {  	[sflag:s26] =	ssyncadd.s32 $0xFFFFF800  }
0x63: {  	_ =	swait.ge [sflag:s26], $0x800  }
0x64: {  	[sflag:s26] =	ssyncset.done $0x0  }
0x65: {  	[sflag:s26] =	ssyncadd.s32 $0xFFFFF800  }
0x66: {  	_ =	swait.ge [sflag:s26], $0x800  }
0x67: {  	[sflag:s26] =	ssyncset.done $0x0  }
0x68: {  	[sflag:s26] =	ssyncadd.s32 $0xFFFFF800  }
0x69: {  	_ =	swait.ge [sflag:s26], $0x800  }
0x6a: {  	[sflag:s26] =	ssyncset.done $0x0  }
0x6b: {  	[sflag:s26] =	ssyncadd.s32 $0xFFFFF800  }
0x6c: {  	p0 =	sle.u32 s5, $0x4;
	_ =	swait.ge [sflag:s17], $0x2000  }
0x6d: {  	s0 =	simm.s32 @!p0 $0x8000;
	[sflag:s17] =	ssyncset.done $0x0  }
0x6e: {  	s29 =	simm.s32 @!p0 $0x200;
	s20 =	simm.s32 @!p0 $0x800;
	[sflag:s17] =	ssyncadd.s32 $0xFFFFE000  }
0x6f: {  	[tilespmem:s0], [sflag:$0x1] =	stream.indirect.gather @!p0 [hbm4b:s4+s29], $0x10, s20, s29, $0xb8;
	[tilespmem:$0xE780] =	vst v63  }
0x70: {  	s29 =	sadd.s32 $0xFFFFFFFF, s12  }
0x71: {  	s7 =	simm.s32 $0x4600;
	p0 =	sne.s32 s29, $0x0  }
0x72: {  	[spmem:s2] =	stream.indirect.scatter.add.f32 [tilespmem:s18], [sflag:$0x2], $0x10, s7, s19, $0xb8;
	[tilespmem:$0xE780] =	vst v63  }
.Ltmp0:
0x73: {  	s8 =	simm.s32 $0x4680;
	(pc) =	sbr.rel @!p0 .LBB2_3-.Ltmp0, $4  }
0x74: {  	[spmem:s2] =	stream.indirect.scatter.add.f32 [tilespmem:s31], [sflag:$0x2], $0x10, s8, s19, $0xb8;
	[tilespmem:$0xE780] =	vst v63  }
0x75: {  	s20 =	simm.s32 $0x4700  }
0x76: {  	[spmem:s2] =	stream.indirect.scatter.add.f32 [tilespmem:s1], [sflag:$0x2], $0x10, s20, s19, $0xb8;
	[tilespmem:$0xE780] =	vst v63  }
0x77: {  	s30 =	simm.s32 $0x1000;
	s0 =	simm.s32 $0x5;
	s20 =	simm.s32 $0x4780  }
.LBB2_2:
0x78: {  	[spmem:s2] =	stream.indirect.scatter.add.f32 [tilespmem:s22], [sflag:$0x2], $0x10, s20, s19, $0xb8;
	[tilespmem:$0xE780] =	vst v63  }
0x79: {  	s29 =	sadd.s32 $0xFFFFFFFF, s29;
	_ =	swait.ge [sflag:s26], $0x800  }
0x7a: {  	p0 =	sne.s32 s29, $0x0;
	[sflag:s26] =	ssyncset.done $0x0  }
0x7b: {  	[sflag:s26] =	ssyncadd.s32 $0xFFFFF800  }
0x7c: {  	_ =	swait.ge [sflag:s26], $0x800  }
0x7d: {  	[sflag:s26] =	ssyncset.done $0x0  }
0x7e: {  	[sflag:s26] =	ssyncadd.s32 $0xFFFFF800  }
0x7f: {  	_ =	swait.ge [sflag:s26], $0x800  }
0x80: {  	[sflag:s26] =	ssyncset.done $0x0  }
0x81: {  	[sflag:s26] =	ssyncadd.s32 $0xFFFFF800  }
0x82: {  	_ =	swait.ge [sflag:s26], $0x800  }
0x83: {  	[sflag:s26] =	ssyncset.done $0x0  }
0x84: {  	[sflag:s26] =	ssyncadd.s32 $0xFFFFF800  }
0x85: {  	p1 =	sge.u32 s0, s5;
	s20 =	sshra.s32 s30, $0x2;
	_ =	swait.ge [sflag:s17], $0x2000  }
0x86: {  	s6 =	sshra.s32 @!p1 s30, $0x2;
	s7 =	simm.s32 @!p1 $0xA000;
	[sflag:s17] =	ssyncset.done $0x0  }
0x87: {  	s8 =	simm.s32 @!p1 $0x200;
	s6 =	sadd.s32 @!p1 $0x600, s6;
	[sflag:s17] =	ssyncadd.s32 $0xFFFFE000  }
0x88: {  	[tilespmem:s7], [sflag:$0x1] =	stream.indirect.gather @!p1 [hbm4b:s4+s8], $0x10, s6, s8, $0xb8;
	[tilespmem:$0xE780] =	vst v63  }
0x89: {  	s6 =	sadd.s32 $0x4400, s20  }
0x8a: {  	[spmem:s2] =	stream.indirect.scatter.add.f32 [tilespmem:s16], [sflag:$0x2], $0x10, s6, s19, $0xb8;
	[tilespmem:$0xE780] =	vst v63  }
0x8b: {  	s6 =	sadd.s32 $0x4480, s20  }
0x8c: {  	[spmem:s2] =	stream.indirect.scatter.add.f32 [tilespmem:s21], [sflag:$0x2], $0x10, s6, s19, $0xb8;
	[tilespmem:$0xE780] =	vst v63  }
0x8d: {  	s6 =	sadd.s32 $0x4500, s20  }
0x8e: {  	[spmem:s2] =	stream.indirect.scatter.add.f32 [tilespmem:s23], [sflag:$0x2], $0x10, s6, s19, $0xb8;
	[tilespmem:$0xE780] =	vst v63  }
0x8f: {  	s6 =	sadd.s32 $0x4580, s20  }
0x90: {  	[spmem:s2] =	stream.indirect.scatter.add.f32 [tilespmem:s25], [sflag:$0x2], $0x10, s6, s19, $0xb8;
	[tilespmem:$0xE780] =	vst v63  }
0x91: {  	_ =	swait.ge [sflag:s26], $0x800  }
0x92: {  	[sflag:s26] =	ssyncset.done $0x0  }
0x93: {  	[sflag:s26] =	ssyncadd.s32 $0xFFFFF800  }
0x94: {  	_ =	swait.ge [sflag:s26], $0x800  }
0x95: {  	[sflag:s26] =	ssyncset.done $0x0  }
0x96: {  	[sflag:s26] =	ssyncadd.s32 $0xFFFFF800  }
0x97: {  	_ =	swait.ge [sflag:s26], $0x800  }
0x98: {  	[sflag:s26] =	ssyncset.done $0x0  }
0x99: {  	[sflag:s26] =	ssyncadd.s32 $0xFFFFF800  }
0x9a: {  	_ =	swait.ge [sflag:s26], $0x800  }
0x9b: {  	[sflag:s26] =	ssyncset.done $0x0  }
0x9c: {  	s6 =	sadd.s32 $0x1, s0;
	[sflag:s26] =	ssyncadd.s32 $0xFFFFF800  }
0x9d: {  	p1 =	sge.u32 s6, s5;
	_ =	swait.ge [sflag:s17], $0x2000  }
0x9e: {  	s6 =	sshra.s32 @!p1 s30, $0x2;
	s7 =	simm.s32 @!p1 $0x8000;
	[sflag:s17] =	ssyncset.done $0x0  }
0x9f: {  	s8 =	simm.s32 @!p1 $0x200;
	s6 =	sadd.s32 @!p1 $0x800, s6;
	[sflag:s17] =	ssyncadd.s32 $0xFFFFE000  }
0xa0: {  	[tilespmem:s7], [sflag:$0x1] =	stream.indirect.gather @!p1 [hbm4b:s4+s8], $0x10, s6, s8, $0xb8;
	[tilespmem:$0xE780] =	vst v63  }
0xa1: {  	s6 =	sadd.s32 $0x4600, s20  }
0xa2: {  	[spmem:s2] =	stream.indirect.scatter.add.f32 [tilespmem:s18], [sflag:$0x2], $0x10, s6, s19, $0xb8;
	[tilespmem:$0xE780] =	vst v63  }
.Ltmp1:
0xa3: {  	s6 =	sadd.s32 $0x4680, s20;
	(pc) =	sbr.rel @p0 .LBB2_2-.Ltmp1, $4  }
0xa4: {  	[spmem:s2] =	stream.indirect.scatter.add.f32 [tilespmem:s31], [sflag:$0x2], $0x10, s6, s19, $0xb8;
	[tilespmem:$0xE780] =	vst v63  }
0xa5: {  	s6 =	sadd.s32 $0x4700, s20  }
0xa6: {  	[spmem:s2] =	stream.indirect.scatter.add.f32 [tilespmem:s1], [sflag:$0x2], $0x10, s6, s19, $0xb8;
	[tilespmem:$0xE780] =	vst v63  }
0xa7: {  	s0 =	sadd.s32 $0x2, s0;
	s30 =	sadd.s32 $0x1000, s30;
	s20 =	sadd.s32 $0x4780, s20  }
.LBB2_3:
0xa8: {  	[spmem:s2] =	stream.indirect.scatter.add.f32 [tilespmem:s22], [sflag:$0x2], $0x10, s20, s19, $0xb8;
	[tilespmem:$0xE780] =	vst v63  }
0xa9: {  	_ =	swait.ge [sflag:s26], $0x800  }
0xaa: {  	[sflag:s26] =	ssyncset.done $0x0  }
0xab: {  	[sflag:s26] =	ssyncadd.s32 $0xFFFFF800  }
0xac: {  	_ =	swait.ge [sflag:s26], $0x800  }
0xad: {  	[sflag:s26] =	ssyncset.done $0x0  }
0xae: {  	[sflag:s26] =	ssyncadd.s32 $0xFFFFF800  }
0xaf: {  	_ =	swait.ge [sflag:s26], $0x800  }
0xb0: {  	[sflag:s26] =	ssyncset.done $0x0  }
0xb1: {  	[sflag:s26] =	ssyncadd.s32 $0xFFFFF800  }
0xb2: {  	_ =	swait.ge [sflag:s26], $0x800  }
0xb3: {  	[sflag:s26] =	ssyncset.done $0x0  }
0xb4: {  	s28 =	sadd.s32 $0x1, s28;
	[sflag:s26] =	ssyncadd.s32 $0xFFFFF800  }
0xb5: {  	p0 =	sne.s32 s28, s9;
	[bflag:$0x0] =	sbarrier.arrive $0xFFFF  }
.Ltmp2:
0xb6: {  	s0 =	rddreg [dreg:$0x6];
	(pc) =	sbr.rel @p0 .LBB2_1-.Ltmp2, $4  }
0xb7: {  	[hbm:s0], [sflag:s11] =	dma.local [spmem:s13], $0x4F0  }
0xb8: {  	_ =	swait.ge [sflag:s24], $0x4F0  }
0xb9: {  	[sflag:s24] =	ssyncset.done $0x0  }
0xba: {  	[sflag:s24] =	ssyncadd.s32 $0xFFFFFB10  }
0xbb: {  	_ =	sfence.sel $0x180000  }
0xbc: {  	[bflag:$0x0] =	sbarrier.arrive $0xFFFF  }
0xbd: {  	_ =	strace $0x9000004A  }
0xbe: {  	s0 =	stileid.u32;
	[bflag:$0x2] =	sbarrier.arrive $0xFFFF  }
0xbf: {  	p0 =	sne.s32 s0, $0x0;
	s0 =	rddreg [dreg:$0x3]  }
0xc0: {  	s0 =	sadd.s32 @!p0 $0x100000, s0  }
0xc1: {  	[sflag:s0] =	ssyncadd.tile.s32 @!p0 $0x1;
	_ =	shalt  }
.Lfunc_end2:
_tile_overlayer_lowered:
.L_overlay_start_2:
0xc2: {  	(tag) =	ssettag $0x2  }
0xc3: {  	s0 =	rddreg [dreg:$0x0];
	s2 =	stileid.u32  }
0xc4: {  	s1 =	rddreg [dreg:$0x1];
	p0 =	sne.s32 s2, $0x0  }
0xc5: {  	s3 =	rddreg [dreg:$0x2];
	[bflag:$0x3] =	sbarrier.arrive $0xFFFF;
	s2 =	simm.s32 @!p0 $0x1C03  }
0xc6: {  	[timem:s3], [sflag:s2] =	dma.local @!p0 [hbm:s0], s1  }
0xc7: {  	s0 =	simm.s32 @!p0 $0x3  }
0xc8: {  	_ =	swait.ge @!p0 [sflag:s0], s1  }
0xc9: {  	s1 =	ssub.s32 @!p0 $0x0, s1;
	[sflag:s0] =	ssyncset.done @!p0 $0x0  }
0xca: {  	[sflag:s0] =	ssyncadd.s32 @!p0 s1  }
0xcb: {  	[bflag:$0x3] =	sbarrier.arrive $0xFFFF  }
0xcc: {  	_ =	shalt  }

// kernel: kernel.14.cloned.1.call-start
scs
__scs_entry_jumppad:
0x0: {  	(pc) =	sbr.rel $0x88, $3  }
0x1: {  	(tag) =	ssettag $0x0;
	lr =	simm.s32 $0x1  }
0x2: {  	[smem:$0x3F9B] =	sst lr;
	_ =	strace $0xD0000000  }
0x3: {  	_ = 	snop  }
0x4: {  	_ = 	snop  }
0x5: {  	_ = 	snop  }
0x6: {  	_ = 	snop  }
0x7: {  	_ = 	snop  }
__scs_overlays_trampoline_lowered:
0x8: {  	[smem:$0x3FAA] =	sst s0  }
0x9: {  	[smem:$0x3FAB] =	sst s1  }
0xa: {  	[smem:$0x3FAC] =	sst s2  }
0xb: {  	[smem:$0x3FAD] =	sst s3  }
0xc: {  	[smem:$0x3FAE] =	sst s4  }
0xd: {  	[smem:$0x3FAF] =	sst s5  }
0xe: {  	[smem:$0x3FB0] =	sst s6  }
0xf: {  	[smem:$0x3FB1] =	sst s7  }
0x10: {  	[smem:$0x3FB2] =	sst s8  }
0x11: {  	[smem:$0x3FB3] =	sst s9;
	s0 =	simm.s32 @!p0 $0x0  }
0x12: {  	s1 =	sld [smem:$0x3F99];
	s0 =	simm.s32 @p0 $0x1  }
0x13: {  	[smem:$0x3FB4] =	sst s0;
	s0 =	simm.s32 @!p1 $0x0  }
0x14: {  	s2 =	sld [smem:$0x3F98];
	s0 =	simm.s32 @p1 $0x1  }
0x15: {  	[smem:$0x3FB5] =	sst s0;
	s0 =	simm.s32 @!p2 $0x0  }
0x16: {  	s3 =	sld [smem:$0x3FDB];
	s0 =	simm.s32 @p2 $0x1  }
0x17: {  	s4 =	simm.s32 $0x1BF5;
	[smem:$0x3FB7] =	sst s0  }
0x18: {  	s0 =	sld [smem:$0x3F9A];
	_ =	swait.ge [sflag:s4], $0x0  }
0x19: {  	s7 =	sld [smem:$0x3F9B]  }
0x1a: {  	s8 =	sadd.s32 $0xFFFFE003, lr  }
0x1b: {  	s9 =	sadd.s32 $0xFFFFFEF7, lr;
	s5 =	simm.s32 $0xFFFFFFFF;
	p2 =	slt.u32 s8, $0xFFFFF086  }
0x1c: {  	p1 =	slt.u32 s9, $0xF7A;
	s5 =	simm.s32 @!p2 $0x0  }
0x1d: {  	s5 =	simm.s32 @p1 $0x1;
	p0 =	seq.s32 s7, s2  }
0x1e: {  	s7 =	smul.u32 @!p0 $0xF7A, s2;
	p2 =	seq.s32 @!p0 s5, $0x0  }
0x1f: {  	s9 =	smul.u32 $0xF7A, s1;
	s8 =	simm.s32 @!p0 $0x1BF5;
	p2 =	por !p2, p0  }
0x20: {  	[sflag:s8] =	ssyncset.s32 @!p0 $0xFFFFF086;
	s6 =	sadd.s32 @!p0 s3, s7;
	s7 =	simm.s32 @!p0 $0x108  }
0x21: {  	s3 =	sadd.s32 s3, s9;
	s6 =	sadd.s32 @!p0 $0x88, s6;
	s7 =	simm.s32 @p2 $0x1082  }
0x22: {  	[simem:s7], [sflag:s8] =	dma.local @!p0 [hbm:s6], $0xF7A  }
0x23: {  	s9 =	sor.u32 $0xD0000000, s2;
	s6 =	simm.s32 $0x108;
	_ =	swait.ge @!p0 [sflag:s8], $0x0  }
0x24: {  	s3 =	sadd.s32 $0x88, s3;
	s6 =	simm.s32 @!p1 $0x1082;
	[sflag:s4] =	ssyncset.s32 $0xFFFFF086  }
0x25: {  	[simem:s6], [sflag:s4] =	dma.local [hbm:s3], $0xF7A  }
0x26: {  	[smem:$0x3F9B] =	sst s1;
	(tag) =	ssettag s2;
	_ =	strace s9  }
0x27: {  	s1 =	sld [smem:$0x3FAB]  }
0x28: {  	s2 =	sld [smem:$0x3FAC]  }
0x29: {  	s4 =	sld [smem:$0x3FAE]  }
0x2a: {  	p0 =	seq.s32 s5, $0x0;
	s5 =	sld [smem:$0x3FAF]  }
0x2b: {  	s6 =	sld [smem:$0x3FB0]  }
0x2c: {  	s7 =	sld [smem:$0x3FB1]  }
0x2d: {  	s3 =	simm.s32 $0x108;
	s8 =	sld [smem:$0x3FB2]  }
0x2e: {  	s3 =	simm.s32 @!p0 $0x1082;
	s9 =	sld [smem:$0x3FB3]  }
0x2f: {  	lr =	sadd.s32 s0, s3;
	s0 =	sld [smem:$0x3FAA]  }
0x30: {  	s3 =	sld [smem:$0x3FAD]  }
0x31: {  	[smem:$0x3FB6] =	sst s10  }
0x32: {  	s10 =	sld [smem:$0x3FB4];
	_ =	sdelay $0x3  }
0x33: {  	p0 =	seq.s32 s10, $0x1;
	s10 =	sld [smem:$0x3FB6];
	_ =	sdelay $0x3  }
0x34: {  	[smem:$0x3FB6] =	sst s10  }
0x35: {  	s10 =	sld [smem:$0x3FB5];
	_ =	sdelay $0x3  }
0x36: {  	p1 =	seq.s32 s10, $0x1;
	s10 =	sld [smem:$0x3FB6];
	_ =	sdelay $0x3  }
0x37: {  	[smem:$0x3FB6] =	sst s10  }
0x38: {  	s10 =	sld [smem:$0x3FB7]  }
0x39: {  	_ = 	snop;
	(pc) =	sbr.ind lr, $3  }
0x3a: {  	_ = 	snop  }
0x3b: {  	_ = 	snop  }
0x3c: {  	p2 =	seq.s32 s10, $0x1;
	s10 =	sld [smem:$0x3FB6]  }
0x3d: {  	_ =	shalt  }
0x3e: {  	_ =	shalt  }
0x3f: {  	_ =	shalt  }
0x40: {  	_ =	shalt  }
0x41: {  	_ =	shalt  }
0x42: {  	_ =	shalt  }
0x43: {  	_ =	shalt  }
0x44: {  	_ =	shalt  }
0x45: {  	_ =	shalt  }
0x46: {  	_ =	shalt  }
0x47: {  	_ =	shalt  }
0x48: {  	_ =	shalt  }
0x49: {  	_ =	shalt  }
0x4a: {  	_ =	shalt  }
0x4b: {  	_ =	shalt  }
0x4c: {  	_ =	shalt  }
0x4d: {  	_ =	shalt  }
0x4e: {  	_ =	shalt  }
0x4f: {  	_ =	shalt  }
0x50: {  	_ =	shalt  }
0x51: {  	_ =	shalt  }
0x52: {  	_ =	shalt  }
0x53: {  	_ =	shalt  }
0x54: {  	_ =	shalt  }
0x55: {  	_ =	shalt  }
0x56: {  	_ =	shalt  }
0x57: {  	_ =	shalt  }
0x58: {  	_ =	shalt  }
0x59: {  	_ =	shalt  }
0x5a: {  	_ =	shalt  }
0x5b: {  	_ =	shalt  }
0x5c: {  	_ =	shalt  }
0x5d: {  	_ =	shalt  }
0x5e: {  	_ =	shalt  }
0x5f: {  	_ =	shalt  }
0x60: {  	_ =	shalt  }
0x61: {  	_ =	shalt  }
0x62: {  	_ =	shalt  }
0x63: {  	_ =	shalt  }
0x64: {  	_ =	shalt  }
0x65: {  	_ =	shalt  }
0x66: {  	_ =	shalt  }
0x67: {  	_ =	shalt  }
0x68: {  	_ =	shalt  }
0x69: {  	_ =	shalt  }
0x6a: {  	_ =	shalt  }
0x6b: {  	_ =	shalt  }
0x6c: {  	_ =	shalt  }
0x6d: {  	_ =	shalt  }
0x6e: {  	_ =	shalt  }
0x6f: {  	_ =	shalt  }
0x70: {  	_ =	shalt  }
0x71: {  	_ =	shalt  }
0x72: {  	_ =	shalt  }
0x73: {  	_ =	shalt  }
0x74: {  	_ =	shalt  }
0x75: {  	_ =	shalt  }
0x76: {  	_ =	shalt  }
0x77: {  	_ =	shalt  }
0x78: {  	_ =	shalt  }
0x79: {  	_ =	shalt  }
0x7a: {  	_ =	shalt  }
0x7b: {  	_ =	shalt  }
0x7c: {  	_ =	shalt  }
0x7d: {  	_ =	shalt  }
0x7e: {  	_ =	shalt  }
0x7f: {  	_ =	shalt  }
0x80: {  	_ =	shalt  }
0x81: {  	_ =	shalt  }
0x82: {  	_ =	shalt  }
0x83: {  	_ =	shalt  }
0x84: {  	_ =	shalt  }
0x85: {  	_ =	shalt  }
0x86: {  	_ =	shalt  }
0x87: {  	_ =	shalt  }
.Lfunc_end0:
.L_simem_size_0:
called_computation.2_lowered:
.L_overlay_start_0:
0x88: {  	s2 =	sld [smem:$0x3FD9]  }
0x89: {  	s3 =	sld [smem:$0x3FFE];
	_ =	sdelay $0x1  }
0x8a: {  	s1 =	srdreg.scid  }
0x8b: {  	s0 =	sand.u32 $0x1, s1  }
0x8c: {  	s17 =	sshll.u32 s0, $0xA;
	s2 =	sadd.s32 s3, s2  }
0x8d: {  	s2 =	sadd.s32 s2, s17  }
0x8e: {  	[smem:$0x3FC2] =	sst s2  }
0x8f: {  	_ = 	snop  }
0x90: {  	s2 =	sld [smem:$0x3FD0];
	(tm) =	ssettm $0x1  }
0x91: {  	s18 =	sld [smem:$0x3FFB];
	_ =	sdelay $0x3  }
0x92: {  	_ =	strace s18  }
0x93: {  	s3 =	sld [smem:$0x3FFC];
	_ =	sdelay $0x3  }
0x94: {  	_ =	strace s3  }
0x95: {  	s3 =	sld [smem:$0x3FFD];
	_ =	sdelay $0x3  }
0x96: {  	_ =	strace s3  }
0x97: {  	_ =	strace $0x8FFFFFFF  }
0x98: {  	s19 =	sld [smem:$0x3FDB];
	_ =	sdelay $0x1  }
0x99: {  	s4 =	simm.s32 $_scs_section_size  }
0x9a: {  	s5 =	simm.s32 $_size__tile_overlayer_lowered;
	s6 =	simm.s32 $_tile_overlayer_lowered  }
0x9b: {  	s22 =	simm.s32 $0x1BFF;
	s21 =	sshll.u32 s6, $0x1;
	s3 =	sadd.s32 s4, s19  }
0x9c: {  	s7 =	simm.s32 $0x0;
	s20 =	sshll.u32 s5, $0x1;
	s5 =	sadd.s32 s21, s3  }
0x9d: {  	[timem:s7], [sflag:s22] =	dma.local [hbm:s5], s20  }
0x9e: {  	_ =	swait.ge [sflag:s22], s20  }
0x9f: {  	s4 =	ssub.s32 $0x0, s20;
	[sflag:s22] =	ssyncset.done $0x0  }
0xa0: {  	[sflag:s22] =	ssyncadd.s32 s4;
	_ =	sdelay $0x1  }
0xa1: {  	s23 =	simm.s32 $0x1B8B  }
0xa2: {  	_ =	swait.ge [sflag:s23], $0x1  }
0xa3: {  	[sflag:s23] =	ssyncset.done $0x0  }
0xa4: {  	s25 =	simm.s32 $0x1B8E;
	s24 =	sld [smem:$0x3FFE];
	[sflag:s23] =	ssyncadd.s32 $0xFFFFFFFF  }
0xa5: {  	s26 =	simm.s32 $execute0_lowered;
	[smem:$0x3FD2] =	sst s25  }
0xa6: {  	s5 =	sshll.u32 s26, $0x1;
	_ =	strace $0x8000004C;
	[dreg:$0x1] =	wrdreg $0xFFFFFFFF  }
0xa7: {  	s28 =	simm.s32 $_size_execute0_lowered;
	s3 =	sadd.s32 s3, s5;
	[dreg:$0x0] =	wrdreg $0x0  }
0xa8: {  	s5 =	sshll.u32 s28, $0x1;
	[dreg:$0x2] =	wrdreg s3  }
0xa9: {  	[dreg:$0x3] =	wrdreg s5  }
0xaa: {  	[dreg:$0x4] =	wrdreg $0xC0  }
0xab: {  	_ =	task [dreg:s7], $0x5FFFF  }
0xac: {  	[dreg:$0x1] =	wrdreg $0xFFFFFFFF  }
0xad: {  	[dreg:$0x0] =	wrdreg $0x60  }
0xae: {  	[dreg:$0x2] =	wrdreg s24  }
0xaf: {  	[dreg:$0x3] =	wrdreg s2  }
0xb0: {  	[dreg:$0x4] =	wrdreg $0xC0000  }
0xb1: {  	[dreg:$0x5] =	wrdreg $0x9  }
0xb2: {  	_ =	task.clear_ibuf [dreg:s7], $0x6FFFF;
	_ =	strace $0x9000004C  }
0xb3: {  	s29 =	simm.s32 $0x9;
	_ =	strace $0x8000004E  }
0xb4: {  	_ =	swait.ge [sflag:s29], $0x1  }
0xb5: {  	[sflag:s29] =	ssyncadd.s32 $0xFFFFFFFF  }
0xb6: {  	_ =	strace $0x9000004E  }
0xb7: {  	_ =	sfence  }
0xb8: {  	s30 =	sld [smem:$0x0];
	_ =	sdelay $0x2  }
0xb9: {  	s31 =	sshll.u32 s1, $0xD;
	s1 =	sshrl.u32 s1, $0x2  }
0xba: {  	s3 =	sand.u32 $0x4000, s31;
	s1 =	sadd.s32 s1, s30  }
0xbb: {  	s0 =	sor.u32 s3, s0;
	s1 =	sshll.u32 s1, $0x11  }
0xbc: {  	s0 =	sor.u32 s1, s0  }
0xbd: {  	s0 =	sadd.s32 $0x8F2B, s0  }
0xbe: {  	[sflag:s0] =	ssyncadd.remote.s32 $0x1  }
0xbf: {  	_ =	sfence.sel $0xFFFF  }
0xc0: {  	[dreg:$0x0] =	wrdreg $0xFFFFFFFF;
	(pc) =	sbr.abs _section_cstart, $3  }
0xc1: {  	[dreg:$0x1] =	wrdreg $0xFFFFFFFF  }
0xc2: {  	_ =	task.clear_ibuf [dreg:s7], $0x2FFFF;
	_ =	strace $0x9FFFFFFF  }
0xc3: {  	(tm) =	ssettm $0x7FFFFFFF  }
tec
execute0_lowered:
.L_overlay_start_1:
0x0: {  	(tag) =	ssettag $0x1  }
0x1: {  	s0 =	rddreg [dreg:$0x0]  }
0x2: {  	s1 =	rddreg [dreg:$0x1]  }
0x3: {  	s2 =	rddreg [dreg:$0x2];
	s4 =	srdreg.scid  }
0x4: {  	s3 =	simm.s32 $0x0;
	s15 =	stileid.u32;
	s12 =	simm.s32 $0x10  }
0x5: {  	s16 =	simm.s32 $0x8000;
	s17 =	simm.s32 $0x1;
	s18 =	simm.s32 $0xA000  }
0x6: {  	s19 =	simm.s32 $0x80;
	s21 =	simm.s32 $0x8800;
	s23 =	simm.s32 $0x9000  }
0x7: {  	s31 =	simm.s32 $0xA800;
	s22 =	simm.s32 $0xB800;
	s24 =	simm.s32 $0x3  }
0x8: {  	s28 =	simm.s32 $0x0;
	s5 =	sand.u32 $0x1, s4;
	[smem:$0x7FF] =	sst s3  }
0x9: {  	s25 =	sshll.u32 s15, $0x9;
	s6 =	sshll.u32 s15, $0xB;
	s8 =	smul.u32 $0x2780, s15  }
0xa: {  	s4 =	sadd.s32 $0x6600, s0;
	s10 =	sadd.s32 $0x1600, s0;
	s30 =	sshll.u32 s15, $0x6  }
0xb: {  	s15 =	simm.s32 $0x200;
	p0 =	seq.s32 s5, $0x0;
	s7 =	sor.u32 $0x8000, s25  }
0xc: {  	s26 =	smul.u32 $0x27800, s5;
	_ =	strace $0x8000004D;
	s5 =	ssub.s32 $0x2, s5  }
0xd: {  	s25 =	simm.s32 $0x9800;
	s7 =	smov.u32 @p0 s6;
	s11 =	sshrl.u32 s5, $0x1  }
0xe: {  	s12 =	simm.s32 @!p0 $0x4;
	s13 =	sadd.s32 s8, s2;
	s14 =	sshrl.u32 s8, $0x3  }
0xf: {  	s10 =	smov.u32 @p0 s4;
	s9 =	sadd.s32 s7, s0;
	s6 =	sadd.s32 s8, s26  }
0x10: {  	s11 =	ssub.s32 s5, s11;
	s5 =	sshll.u32 s12, $0x1;
	s1 =	sadd.s32 s1, s7  }
0x11: {  	s10 =	sadd.s32 s10, s14;
	s12 =	sadd.s32 $0xFFFFFFFF, s12;
	s13 =	sshrl.u32 s13, $0x3  }
0x12: {  	s14 =	simm.s32 $0x4000;
	s26 =	simm.s32 $0x2;
	s6 =	sshrl.u32 s6, $0x3  }
0x13: {  	s29 =	sadd.s32 $0x10600, s9;
	[dreg:$0x5] =	wrdreg s1;
	s0 =	sadd.s32 s6, s0  }
0x14: {  	s9 =	smax.u32 s11, $0x1;
	[dreg:$0x4] =	wrdreg s29;
	s0 =	sadd.s32 $0x1AE00, s0  }
0x15: {  	s11 =	sor.u32 $0x1C03, s30;
	s1 =	simm.s32 $0xB000;
	[dreg:$0x6] =	wrdreg s0  }
.LBB2_1:
0x16: {  	[spmem:s13], [sflag:s11] =	dma.local [hbm:s10], $0x4F0  }
0x17: {  	_ =	swait.ge [sflag:s24], $0x4F0  }
0x18: {  	[sflag:s24] =	ssyncset.done $0x0  }
0x19: {  	s0 =	rddreg [dreg:$0x4];
	[sflag:s24] =	ssyncadd.s32 $0xFFFFFB10  }
0x1a: {  	[tilespmem:s3], [sflag:$0x3] =	stream.linear.gather [hbm4b:s0+s3], $0x4000, $0x38;
	[tilespmem:$0xE780] =	vst v63  }
0x1b: {  	_ =	swait.ge [sflag:s24], $0x4000  }
0x1c: {  	[sflag:s24] =	ssyncset.done $0x0  }
0x1d: {  	s6 =	rddreg [dreg:$0x5];
	[sflag:s24] =	ssyncadd.s32 $0xFFFFC000  }
0x1e: {  	[tilespmem:s14], [sflag:$0x3] =	stream.linear.gather [hbm4b:s6+s3], $0x4000, $0x38;
	[tilespmem:$0xE780] =	vst v63  }
0x1f: {  	_ =	swait.ge [sflag:s24], $0x4000  }
0x20: {  	[sflag:s24] =	ssyncset.done $0x0  }
0x21: {  	[sflag:s24] =	ssyncadd.s32 $0xFFFFC000  }
0x22: {  	[bflag:$0x0] =	sbarrier.arrive $0xFFFF  }
0x23: {  	[tilespmem:s16], [sflag:$0x1] =	stream.indirect.gather [hbm4b:s4+s15], $0x10, s3, s15, $0xb8;
	[tilespmem:$0xE780] =	vst v63  }
0x24: {  	_ =	swait.ge [sflag:s17], $0x2000  }
0x25: {  	[sflag:s17] =	ssyncset.done $0x0  }
0x26: {  	[sflag:s17] =	ssyncadd.s32 $0xFFFFE000  }
0x27: {  	[tilespmem:s18], [sflag:$0x1] =	stream.indirect.gather [hbm4b:s4+s15], $0x10, s15, s15, $0xb8;
	[tilespmem:$0xE780] =	vst v63  }
0x28: {  	_ = 	snop  }
0x29: {  	[spmem:s2] =	stream.indirect.scatter.add.f32 [tilespmem:s16], [sflag:$0x2], $0x10, s14, s19, $0xb8;
	[tilespmem:$0xE780] =	vst v63  }
0x2a: {  	s7 =	simm.s32 $0x4080  }
0x2b: {  	[spmem:s2] =	stream.indirect.scatter.add.f32 [tilespmem:s21], [sflag:$0x2], $0x10, s7, s19, $0xb8;
	[tilespmem:$0xE780] =	vst v63  }
0x2c: {  	s8 =	simm.s32 $0x4100  }
0x2d: {  	[spmem:s2] =	stream.indirect.scatter.add.f32 [tilespmem:s23], [sflag:$0x2], $0x10, s8, s19, $0xb8;
	[tilespmem:$0xE780] =	vst v63  }
0x2e: {  	s20 =	simm.s32 $0x4180  }
0x2f: {  	[spmem:s2] =	stream.indirect.scatter.add.f32 [tilespmem:s25], [sflag:$0x2], $0x10, s20, s19, $0xb8;
	[tilespmem:$0xE780] =	vst v63  }
0x30: {  	_ =	swait.ge [sflag:s26], $0x800  }
0x31: {  	[sflag:s26] =	ssyncset.done $0x0  }
0x32: {  	[sflag:s26] =	ssyncadd.s32 $0xFFFFF800  }
0x33: {  	_ =	swait.ge [sflag:s26], $0x800  }
0x34: {  	[sflag:s26] =	ssyncset.done $0x0  }
0x35: {  	[sflag:s26] =	ssyncadd.s32 $0xFFFFF800  }
0x36: {  	_ =	swait.ge [sflag:s26], $0x800  }
0x37: {  	[sflag:s26] =	ssyncset.done $0x0  }
0x38: {  	[sflag:s26] =	ssyncadd.s32 $0xFFFFF800  }
0x39: {  	_ =	swait.ge [sflag:s26], $0x800  }
0x3a: {  	[sflag:s26] =	ssyncset.done $0x0  }
0x3b: {  	[sflag:s26] =	ssyncadd.s32 $0xFFFFF800  }
0x3c: {  	_ =	swait.ge [sflag:s17], $0x2000  }
0x3d: {  	[sflag:s17] =	ssyncset.done $0x0  }
0x3e: {  	s6 =	simm.s32 $0x400;
	[sflag:s17] =	ssyncadd.s32 $0xFFFFE000  }
0x3f: {  	[tilespmem:s16], [sflag:$0x1] =	stream.indirect.gather [hbm4b:s4+s15], $0x10, s6, s15, $0xb8;
	[tilespmem:$0xE780] =	vst v63  }
0x40: {  	s7 =	simm.s32 $0x4200  }
0x41: {  	[spmem:s2] =	stream.indirect.scatter.add.f32 [tilespmem:s18], [sflag:$0x2], $0x10, s7, s19, $0xb8;
	[tilespmem:$0xE780] =	vst v63  }
0x42: {  	s8 =	simm.s32 $0x4280  }
0x43: {  	[spmem:s2] =	stream.indirect.scatter.add.f32 [tilespmem:s31], [sflag:$0x2], $0x10, s8, s19, $0xb8;
	[tilespmem:$0xE780] =	vst v63  }
0x44: {  	s20 =	simm.s32 $0x4300  }
0x45: {  	[spmem:s2] =	stream.indirect.scatter.add.f32 [tilespmem:s1], [sflag:$0x2], $0x10, s20, s19, $0xb8;
	[tilespmem:$0xE780] =	vst v63  }
0x46: {  	s6 =	simm.s32 $0x4380  }
0x47: {  	[spmem:s2] =	stream.indirect.scatter.add.f32 [tilespmem:s22], [sflag:$0x2], $0x10, s6, s19, $0xb8;
	[tilespmem:$0xE780] =	vst v63  }
0x48: {  	_ =	swait.ge [sflag:s26], $0x800  }
0x49: {  	[sflag:s26] =	ssyncset.done $0x0  }
0x4a: {  	[sflag:s26] =	ssyncadd.s32 $0xFFFFF800  }
0x4b: {  	_ =	swait.ge [sflag:s26], $0x800  }
0x4c: {  	[sflag:s26] =	ssyncset.done $0x0  }
0x4d: {  	[sflag:s26] =	ssyncadd.s32 $0xFFFFF800  }
0x4e: {  	_ =	swait.ge [sflag:s26], $0x800  }
0x4f: {  	[sflag:s26] =	ssyncset.done $0x0  }
0x50: {  	[sflag:s26] =	ssyncadd.s32 $0xFFFFF800  }
0x51: {  	_ =	swait.ge [sflag:s26], $0x800  }
0x52: {  	[sflag:s26] =	ssyncset.done $0x0  }
0x53: {  	[sflag:s26] =	ssyncadd.s32 $0xFFFFF800  }
0x54: {  	p0 =	sle.u32 s5, $0x3;
	_ =	swait.ge [sflag:s17], $0x2000  }
0x55: {  	s29 =	simm.s32 @!p0 $0x200;
	[sflag:s17] =	ssyncset.done $0x0  }
0x56: {  	s0 =	simm.s32 @!p0 $0xA000;
	s20 =	simm.s32 @!p0 $0x600;
	[sflag:s17] =	ssyncadd.s32 $0xFFFFE000  }
0x57: {  	[tilespmem:s0], [sflag:$0x1] =	stream.indirect.gather @!p0 [hbm4b:s4+s29], $0x10, s20, s29, $0xb8;
	[tilespmem:$0xE780] =	vst v63  }
0x58: {  	s7 =	simm.s32 $0x4400  }
0x59: {  	[spmem:s2] =	stream.indirect.scatter.add.f32 [tilespmem:s16], [sflag:$0x2], $0x10, s7, s19, $0xb8;
	[tilespmem:$0xE780] =	vst v63  }
0x5a: {  	s8 =	simm.s32 $0x4480  }
0x5b: {  	[spmem:s2] =	stream.indirect.scatter.add.f32 [tilespmem:s21], [sflag:$0x2], $0x10, s8, s19, $0xb8;
	[tilespmem:$0xE780] =	vst v63  }
0x5c: {  	s20 =	simm.s32 $0x4500  }
0x5d: {  	[spmem:s2] =	stream.indirect.scatter.add.f32 [tilespmem:s23], [sflag:$0x2], $0x10, s20, s19, $0xb8;
	[tilespmem:$0xE780] =	vst v63  }
0x5e: {  	s6 =	simm.s32 $0x4580  }
0x5f: {  	[spmem:s2] =	stream.indirect.scatter.add.f32 [tilespmem:s25], [sflag:$0x2], $0x10, s6, s19, $0xb8;
	[tilespmem:$0xE780] =	vst v63  }
0x60: {  	_ =	swait.ge [sflag:s26], $0x800  }
0x61: {  	[sflag:s26] =	ssyncset.done $0x0  }
0x62: {  	[sflag:s26] =	ssyncadd.s32 $0xFFFFF800  }
0x63: {  	_ =	swait.ge [sflag:s26], $0x800  }
0x64: {  	[sflag:s26] =	ssyncset.done $0x0  }
0x65: {  	[sflag:s26] =	ssyncadd.s32 $0xFFFFF800  }
0x66: {  	_ =	swait.ge [sflag:s26], $0x800  }
0x67: {  	[sflag:s26] =	ssyncset.done $0x0  }
0x68: {  	[sflag:s26] =	ssyncadd.s32 $0xFFFFF800  }
0x69: {  	_ =	swait.ge [sflag:s26], $0x800  }
0x6a: {  	[sflag:s26] =	ssyncset.done $0x0  }
0x6b: {  	[sflag:s26] =	ssyncadd.s32 $0xFFFFF800  }
0x6c: {  	p0 =	sle.u32 s5, $0x4;
	_ =	swait.ge [sflag:s17], $0x2000  }
0x6d: {  	s0 =	simm.s32 @!p0 $0x8000;
	[sflag:s17] =	ssyncset.done $0x0  }
0x6e: {  	s29 =	simm.s32 @!p0 $0x200;
	s20 =	simm.s32 @!p0 $0x800;
	[sflag:s17] =	ssyncadd.s32 $0xFFFFE000  }
0x6f: {  	[tilespmem:s0], [sflag:$0x1] =	stream.indirect.gather @!p0 [hbm4b:s4+s29], $0x10, s20, s29, $0xb8;
	[tilespmem:$0xE780] =	vst v63  }
0x70: {  	s29 =	sadd.s32 $0xFFFFFFFF, s12  }
0x71: {  	s7 =	simm.s32 $0x4600;
	p0 =	sne.s32 s29, $0x0  }
0x72: {  	[spmem:s2] =	stream.indirect.scatter.add.f32 [tilespmem:s18], [sflag:$0x2], $0x10, s7, s19, $0xb8;
	[tilespmem:$0xE780] =	vst v63  }
.Ltmp0:
0x73: {  	s8 =	simm.s32 $0x4680;
	(pc) =	sbr.rel @!p0 .LBB2_3-.Ltmp0, $4  }
0x74: {  	[spmem:s2] =	stream.indirect.scatter.add.f32 [tilespmem:s31], [sflag:$0x2], $0x10, s8, s19, $0xb8;
	[tilespmem:$0xE780] =	vst v63  }
0x75: {  	s20 =	simm.s32 $0x4700  }
0x76: {  	[spmem:s2] =	stream.indirect.scatter.add.f32 [tilespmem:s1], [sflag:$0x2], $0x10, s20, s19, $0xb8;
	[tilespmem:$0xE780] =	vst v63  }
0x77: {  	s30 =	simm.s32 $0x1000;
	s0 =	simm.s32 $0x5;
	s20 =	simm.s32 $0x4780  }
.LBB2_2:
0x78: {  	[spmem:s2] =	stream.indirect.scatter.add.f32 [tilespmem:s22], [sflag:$0x2], $0x10, s20, s19, $0xb8;
	[tilespmem:$0xE780] =	vst v63  }
0x79: {  	s29 =	sadd.s32 $0xFFFFFFFF, s29;
	_ =	swait.ge [sflag:s26], $0x800  }
0x7a: {  	p0 =	sne.s32 s29, $0x0;
	[sflag:s26] =	ssyncset.done $0x0  }
0x7b: {  	[sflag:s26] =	ssyncadd.s32 $0xFFFFF800  }
0x7c: {  	_ =	swait.ge [sflag:s26], $0x800  }
0x7d: {  	[sflag:s26] =	ssyncset.done $0x0  }
0x7e: {  	[sflag:s26] =	ssyncadd.s32 $0xFFFFF800  }
0x7f: {  	_ =	swait.ge [sflag:s26], $0x800  }
0x80: {  	[sflag:s26] =	ssyncset.done $0x0  }
0x81: {  	[sflag:s26] =	ssyncadd.s32 $0xFFFFF800  }
0x82: {  	_ =	swait.ge [sflag:s26], $0x800  }
0x83: {  	[sflag:s26] =	ssyncset.done $0x0  }
0x84: {  	[sflag:s26] =	ssyncadd.s32 $0xFFFFF800  }
0x85: {  	p1 =	sge.u32 s0, s5;
	s20 =	sshra.s32 s30, $0x2;
	_ =	swait.ge [sflag:s17], $0x2000  }
0x86: {  	s6 =	sshra.s32 @!p1 s30, $0x2;
	s7 =	simm.s32 @!p1 $0xA000;
	[sflag:s17] =	ssyncset.done $0x0  }
0x87: {  	s8 =	simm.s32 @!p1 $0x200;
	s6 =	sadd.s32 @!p1 $0x600, s6;
	[sflag:s17] =	ssyncadd.s32 $0xFFFFE000  }
0x88: {  	[tilespmem:s7], [sflag:$0x1] =	stream.indirect.gather @!p1 [hbm4b:s4+s8], $0x10, s6, s8, $0xb8;
	[tilespmem:$0xE780] =	vst v63  }
0x89: {  	s6 =	sadd.s32 $0x4400, s20  }
0x8a: {  	[spmem:s2] =	stream.indirect.scatter.add.f32 [tilespmem:s16], [sflag:$0x2], $0x10, s6, s19, $0xb8;
	[tilespmem:$0xE780] =	vst v63  }
0x8b: {  	s6 =	sadd.s32 $0x4480, s20  }
0x8c: {  	[spmem:s2] =	stream.indirect.scatter.add.f32 [tilespmem:s21], [sflag:$0x2], $0x10, s6, s19, $0xb8;
	[tilespmem:$0xE780] =	vst v63  }
0x8d: {  	s6 =	sadd.s32 $0x4500, s20  }
0x8e: {  	[spmem:s2] =	stream.indirect.scatter.add.f32 [tilespmem:s23], [sflag:$0x2], $0x10, s6, s19, $0xb8;
	[tilespmem:$0xE780] =	vst v63  }
0x8f: {  	s6 =	sadd.s32 $0x4580, s20  }
0x90: {  	[spmem:s2] =	stream.indirect.scatter.add.f32 [tilespmem:s25], [sflag:$0x2], $0x10, s6, s19, $0xb8;
	[tilespmem:$0xE780] =	vst v63  }
0x91: {  	_ =	swait.ge [sflag:s26], $0x800  }
0x92: {  	[sflag:s26] =	ssyncset.done $0x0  }
0x93: {  	[sflag:s26] =	ssyncadd.s32 $0xFFFFF800  }
0x94: {  	_ =	swait.ge [sflag:s26], $0x800  }
0x95: {  	[sflag:s26] =	ssyncset.done $0x0  }
0x96: {  	[sflag:s26] =	ssyncadd.s32 $0xFFFFF800  }
0x97: {  	_ =	swait.ge [sflag:s26], $0x800  }
0x98: {  	[sflag:s26] =	ssyncset.done $0x0  }
0x99: {  	[sflag:s26] =	ssyncadd.s32 $0xFFFFF800  }
0x9a: {  	_ =	swait.ge [sflag:s26], $0x800  }
0x9b: {  	[sflag:s26] =	ssyncset.done $0x0  }
0x9c: {  	s6 =	sadd.s32 $0x1, s0;
	[sflag:s26] =	ssyncadd.s32 $0xFFFFF800  }
0x9d: {  	p1 =	sge.u32 s6, s5;
	_ =	swait.ge [sflag:s17], $0x2000  }
0x9e: {  	s6 =	sshra.s32 @!p1 s30, $0x2;
	s7 =	simm.s32 @!p1 $0x8000;
	[sflag:s17] =	ssyncset.done $0x0  }
0x9f: {  	s8 =	simm.s32 @!p1 $0x200;
	s6 =	sadd.s32 @!p1 $0x800, s6;
	[sflag:s17] =	ssyncadd.s32 $0xFFFFE000  }
0xa0: {  	[tilespmem:s7], [sflag:$0x1] =	stream.indirect.gather @!p1 [hbm4b:s4+s8], $0x10, s6, s8, $0xb8;
	[tilespmem:$0xE780] =	vst v63  }
0xa1: {  	s6 =	sadd.s32 $0x4600, s20  }
0xa2: {  	[spmem:s2] =	stream.indirect.scatter.add.f32 [tilespmem:s18], [sflag:$0x2], $0x10, s6, s19, $0xb8;
	[tilespmem:$0xE780] =	vst v63  }
.Ltmp1:
0xa3: {  	s6 =	sadd.s32 $0x4680, s20;
	(pc) =	sbr.rel @p0 .LBB2_2-.Ltmp1, $4  }
0xa4: {  	[spmem:s2] =	stream.indirect.scatter.add.f32 [tilespmem:s31], [sflag:$0x2], $0x10, s6, s19, $0xb8;
	[tilespmem:$0xE780] =	vst v63  }
0xa5: {  	s6 =	sadd.s32 $0x4700, s20  }
0xa6: {  	[spmem:s2] =	stream.indirect.scatter.add.f32 [tilespmem:s1], [sflag:$0x2], $0x10, s6, s19, $0xb8;
	[tilespmem:$0xE780] =	vst v63  }
0xa7: {  	s0 =	sadd.s32 $0x2, s0;
	s30 =	sadd.s32 $0x1000, s30;
	s20 =	sadd.s32 $0x4780, s20  }
.LBB2_3:
0xa8: {  	[spmem:s2] =	stream.indirect.scatter.add.f32 [tilespmem:s22], [sflag:$0x2], $0x10, s20, s19, $0xb8;
	[tilespmem:$0xE780] =	vst v63  }
0xa9: {  	_ =	swait.ge [sflag:s26], $0x800  }
0xaa: {  	[sflag:s26] =	ssyncset.done $0x0  }
0xab: {  	[sflag:s26] =	ssyncadd.s32 $0xFFFFF800  }
0xac: {  	_ =	swait.ge [sflag:s26], $0x800  }
0xad: {  	[sflag:s26] =	ssyncset.done $0x0  }
0xae: {  	[sflag:s26] =	ssyncadd.s32 $0xFFFFF800  }
0xaf: {  	_ =	swait.ge [sflag:s26], $0x800  }
0xb0: {  	[sflag:s26] =	ssyncset.done $0x0  }
0xb1: {  	[sflag:s26] =	ssyncadd.s32 $0xFFFFF800  }
0xb2: {  	_ =	swait.ge [sflag:s26], $0x800  }
0xb3: {  	[sflag:s26] =	ssyncset.done $0x0  }
0xb4: {  	s28 =	sadd.s32 $0x1, s28;
	[sflag:s26] =	ssyncadd.s32 $0xFFFFF800  }
0xb5: {  	p0 =	sne.s32 s28, s9;
	[bflag:$0x0] =	sbarrier.arrive $0xFFFF  }
.Ltmp2:
0xb6: {  	s0 =	rddreg [dreg:$0x6];
	(pc) =	sbr.rel @p0 .LBB2_1-.Ltmp2, $4  }
0xb7: {  	[hbm:s0], [sflag:s11] =	dma.local [spmem:s13], $0x4F0  }
0xb8: {  	_ =	swait.ge [sflag:s24], $0x4F0  }
0xb9: {  	[sflag:s24] =	ssyncset.done $0x0  }
0xba: {  	[sflag:s24] =	ssyncadd.s32 $0xFFFFFB10  }
0xbb: {  	_ =	sfence.sel $0x180000  }
0xbc: {  	[bflag:$0x0] =	sbarrier.arrive $0xFFFF  }
0xbd: {  	_ =	strace $0x9000004D  }
0xbe: {  	s0 =	stileid.u32;
	[bflag:$0x2] =	sbarrier.arrive $0xFFFF  }
0xbf: {  	p0 =	sne.s32 s0, $0x0;
	s0 =	rddreg [dreg:$0x3]  }
0xc0: {  	s0 =	sadd.s32 @!p0 $0x100000, s0  }
0xc1: {  	[sflag:s0] =	ssyncadd.tile.s32 @!p0 $0x1;
	_ =	shalt  }
.Lfunc_end2:
_tile_overlayer_lowered:
.L_overlay_start_2:
0xc2: {  	(tag) =	ssettag $0x2  }
0xc3: {  	s0 =	rddreg [dreg:$0x0];
	s2 =	stileid.u32  }
0xc4: {  	s1 =	rddreg [dreg:$0x1];
	p0 =	sne.s32 s2, $0x0  }
0xc5: {  	s3 =	rddreg [dreg:$0x2];
	[bflag:$0x3] =	sbarrier.arrive $0xFFFF;
	s2 =	simm.s32 @!p0 $0x1C03  }
0xc6: {  	[timem:s3], [sflag:s2] =	dma.local @!p0 [hbm:s0], s1  }
0xc7: {  	s0 =	simm.s32 @!p0 $0x3  }
0xc8: {  	_ =	swait.ge @!p0 [sflag:s0], s1  }
0xc9: {  	s1 =	ssub.s32 @!p0 $0x0, s1;
	[sflag:s0] =	ssyncset.done @!p0 $0x0  }
0xca: {  	[sflag:s0] =	ssyncadd.s32 @!p0 s1  }
0xcb: {  	[bflag:$0x3] =	sbarrier.arrive $0xFFFF  }
0xcc: {  	_ =	shalt  }

// kernel: kernel.8.cloned.1.call-start
scs
__scs_entry_jumppad:
0x0: {  	(pc) =	sbr.rel $0x88, $3  }
0x1: {  	(tag) =	ssettag $0x0;
	lr =	simm.s32 $0x1  }
0x2: {  	[smem:$0x3F9B] =	sst lr;
	_ =	strace $0xD0000000  }
0x3: {  	_ = 	snop  }
0x4: {  	_ = 	snop  }
0x5: {  	_ = 	snop  }
0x6: {  	_ = 	snop  }
0x7: {  	_ = 	snop  }
__scs_overlays_trampoline_lowered:
0x8: {  	[smem:$0x3FAA] =	sst s0  }
0x9: {  	[smem:$0x3FAB] =	sst s1  }
0xa: {  	[smem:$0x3FAC] =	sst s2  }
0xb: {  	[smem:$0x3FAD] =	sst s3  }
0xc: {  	[smem:$0x3FAE] =	sst s4  }
0xd: {  	[smem:$0x3FAF] =	sst s5  }
0xe: {  	[smem:$0x3FB0] =	sst s6  }
0xf: {  	[smem:$0x3FB1] =	sst s7  }
0x10: {  	[smem:$0x3FB2] =	sst s8  }
0x11: {  	[smem:$0x3FB3] =	sst s9;
	s0 =	simm.s32 @!p0 $0x0  }
0x12: {  	s1 =	sld [smem:$0x3F99];
	s0 =	simm.s32 @p0 $0x1  }
0x13: {  	[smem:$0x3FB4] =	sst s0;
	s0 =	simm.s32 @!p1 $0x0  }
0x14: {  	s2 =	sld [smem:$0x3F98];
	s0 =	simm.s32 @p1 $0x1  }
0x15: {  	[smem:$0x3FB5] =	sst s0;
	s0 =	simm.s32 @!p2 $0x0  }
0x16: {  	s3 =	sld [smem:$0x3FDB];
	s0 =	simm.s32 @p2 $0x1  }
0x17: {  	s4 =	simm.s32 $0x1BF5;
	[smem:$0x3FB7] =	sst s0  }
0x18: {  	s0 =	sld [smem:$0x3F9A];
	_ =	swait.ge [sflag:s4], $0x0  }
0x19: {  	s7 =	sld [smem:$0x3F9B]  }
0x1a: {  	s8 =	sadd.s32 $0xFFFFE003, lr  }
0x1b: {  	s9 =	sadd.s32 $0xFFFFFEF7, lr;
	s5 =	simm.s32 $0xFFFFFFFF;
	p2 =	slt.u32 s8, $0xFFFFF086  }
0x1c: {  	p1 =	slt.u32 s9, $0xF7A;
	s5 =	simm.s32 @!p2 $0x0  }
0x1d: {  	s5 =	simm.s32 @p1 $0x1;
	p0 =	seq.s32 s7, s2  }
0x1e: {  	s7 =	smul.u32 @!p0 $0xF7A, s2;
	p2 =	seq.s32 @!p0 s5, $0x0  }
0x1f: {  	s9 =	smul.u32 $0xF7A, s1;
	s8 =	simm.s32 @!p0 $0x1BF5;
	p2 =	por !p2, p0  }
0x20: {  	[sflag:s8] =	ssyncset.s32 @!p0 $0xFFFFF086;
	s6 =	sadd.s32 @!p0 s3, s7;
	s7 =	simm.s32 @!p0 $0x108  }
0x21: {  	s3 =	sadd.s32 s3, s9;
	s6 =	sadd.s32 @!p0 $0x88, s6;
	s7 =	simm.s32 @p2 $0x1082  }
0x22: {  	[simem:s7], [sflag:s8] =	dma.local @!p0 [hbm:s6], $0xF7A  }
0x23: {  	s9 =	sor.u32 $0xD0000000, s2;
	s6 =	simm.s32 $0x108;
	_ =	swait.ge @!p0 [sflag:s8], $0x0  }
0x24: {  	s3 =	sadd.s32 $0x88, s3;
	s6 =	simm.s32 @!p1 $0x1082;
	[sflag:s4] =	ssyncset.s32 $0xFFFFF086  }
0x25: {  	[simem:s6], [sflag:s4] =	dma.local [hbm:s3], $0xF7A  }
0x26: {  	[smem:$0x3F9B] =	sst s1;
	(tag) =	ssettag s2;
	_ =	strace s9  }
0x27: {  	s1 =	sld [smem:$0x3FAB]  }
0x28: {  	s2 =	sld [smem:$0x3FAC]  }
0x29: {  	s4 =	sld [smem:$0x3FAE]  }
0x2a: {  	p0 =	seq.s32 s5, $0x0;
	s5 =	sld [smem:$0x3FAF]  }
0x2b: {  	s6 =	sld [smem:$0x3FB0]  }
0x2c: {  	s7 =	sld [smem:$0x3FB1]  }
0x2d: {  	s3 =	simm.s32 $0x108;
	s8 =	sld [smem:$0x3FB2]  }
0x2e: {  	s3 =	simm.s32 @!p0 $0x1082;
	s9 =	sld [smem:$0x3FB3]  }
0x2f: {  	lr =	sadd.s32 s0, s3;
	s0 =	sld [smem:$0x3FAA]  }
0x30: {  	s3 =	sld [smem:$0x3FAD]  }
0x31: {  	[smem:$0x3FB6] =	sst s10  }
0x32: {  	s10 =	sld [smem:$0x3FB4];
	_ =	sdelay $0x3  }
0x33: {  	p0 =	seq.s32 s10, $0x1;
	s10 =	sld [smem:$0x3FB6];
	_ =	sdelay $0x3  }
0x34: {  	[smem:$0x3FB6] =	sst s10  }
0x35: {  	s10 =	sld [smem:$0x3FB5];
	_ =	sdelay $0x3  }
0x36: {  	p1 =	seq.s32 s10, $0x1;
	s10 =	sld [smem:$0x3FB6];
	_ =	sdelay $0x3  }
0x37: {  	[smem:$0x3FB6] =	sst s10  }
0x38: {  	s10 =	sld [smem:$0x3FB7]  }
0x39: {  	_ = 	snop;
	(pc) =	sbr.ind lr, $3  }
0x3a: {  	_ = 	snop  }
0x3b: {  	_ = 	snop  }
0x3c: {  	p2 =	seq.s32 s10, $0x1;
	s10 =	sld [smem:$0x3FB6]  }
0x3d: {  	_ =	shalt  }
0x3e: {  	_ =	shalt  }
0x3f: {  	_ =	shalt  }
0x40: {  	_ =	shalt  }
0x41: {  	_ =	shalt  }
0x42: {  	_ =	shalt  }
0x43: {  	_ =	shalt  }
0x44: {  	_ =	shalt  }
0x45: {  	_ =	shalt  }
0x46: {  	_ =	shalt  }
0x47: {  	_ =	shalt  }
0x48: {  	_ =	shalt  }
0x49: {  	_ =	shalt  }
0x4a: {  	_ =	shalt  }
0x4b: {  	_ =	shalt  }
0x4c: {  	_ =	shalt  }
0x4d: {  	_ =	shalt  }
0x4e: {  	_ =	shalt  }
0x4f: {  	_ =	shalt  }
0x50: {  	_ =	shalt  }
0x51: {  	_ =	shalt  }
0x52: {  	_ =	shalt  }
0x53: {  	_ =	shalt  }
0x54: {  	_ =	shalt  }
0x55: {  	_ =	shalt  }
0x56: {  	_ =	shalt  }
0x57: {  	_ =	shalt  }
0x58: {  	_ =	shalt  }
0x59: {  	_ =	shalt  }
0x5a: {  	_ =	shalt  }
0x5b: {  	_ =	shalt  }
0x5c: {  	_ =	shalt  }
0x5d: {  	_ =	shalt  }
0x5e: {  	_ =	shalt  }
0x5f: {  	_ =	shalt  }
0x60: {  	_ =	shalt  }
0x61: {  	_ =	shalt  }
0x62: {  	_ =	shalt  }
0x63: {  	_ =	shalt  }
0x64: {  	_ =	shalt  }
0x65: {  	_ =	shalt  }
0x66: {  	_ =	shalt  }
0x67: {  	_ =	shalt  }
0x68: {  	_ =	shalt  }
0x69: {  	_ =	shalt  }
0x6a: {  	_ =	shalt  }
0x6b: {  	_ =	shalt  }
0x6c: {  	_ =	shalt  }
0x6d: {  	_ =	shalt  }
0x6e: {  	_ =	shalt  }
0x6f: {  	_ =	shalt  }
0x70: {  	_ =	shalt  }
0x71: {  	_ =	shalt  }
0x72: {  	_ =	shalt  }
0x73: {  	_ =	shalt  }
0x74: {  	_ =	shalt  }
0x75: {  	_ =	shalt  }
0x76: {  	_ =	shalt  }
0x77: {  	_ =	shalt  }
0x78: {  	_ =	shalt  }
0x79: {  	_ =	shalt  }
0x7a: {  	_ =	shalt  }
0x7b: {  	_ =	shalt  }
0x7c: {  	_ =	shalt  }
0x7d: {  	_ =	shalt  }
0x7e: {  	_ =	shalt  }
0x7f: {  	_ =	shalt  }
0x80: {  	_ =	shalt  }
0x81: {  	_ =	shalt  }
0x82: {  	_ =	shalt  }
0x83: {  	_ =	shalt  }
0x84: {  	_ =	shalt  }
0x85: {  	_ =	shalt  }
0x86: {  	_ =	shalt  }
0x87: {  	_ =	shalt  }
.Lfunc_end0:
.L_simem_size_0:
called_computation_lowered:
.L_overlay_start_0:
0x88: {  	s2 =	sld [smem:$0x3FD9]  }
0x89: {  	s3 =	sld [smem:$0x3FFE];
	_ =	sdelay $0x1  }
0x8a: {  	s1 =	srdreg.scid  }
0x8b: {  	s0 =	sand.u32 $0x1, s1  }
0x8c: {  	s17 =	sshll.u32 s0, $0xA;
	s2 =	sadd.s32 s3, s2  }
0x8d: {  	s2 =	sadd.s32 s2, s17  }
0x8e: {  	[smem:$0x3FC2] =	sst s2  }
0x8f: {  	_ = 	snop  }
0x90: {  	s2 =	sld [smem:$0x3FD0];
	(tm) =	ssettm $0x1  }
0x91: {  	s18 =	sld [smem:$0x3FFB];
	_ =	sdelay $0x3  }
0x92: {  	_ =	strace s18  }
0x93: {  	s3 =	sld [smem:$0x3FFC];
	_ =	sdelay $0x3  }
0x94: {  	_ =	strace s3  }
0x95: {  	s3 =	sld [smem:$0x3FFD];
	_ =	sdelay $0x3  }
0x96: {  	_ =	strace s3  }
0x97: {  	_ =	strace $0x8FFFFFFF  }
0x98: {  	s19 =	sld [smem:$0x3FDB];
	_ =	sdelay $0x1  }
0x99: {  	s4 =	simm.s32 $_scs_section_size  }
0x9a: {  	s5 =	simm.s32 $_size__tile_overlayer_lowered;
	s6 =	simm.s32 $_tile_overlayer_lowered  }
0x9b: {  	s22 =	simm.s32 $0x1BFF;
	s21 =	sshll.u32 s6, $0x1;
	s3 =	sadd.s32 s4, s19  }
0x9c: {  	s7 =	simm.s32 $0x0;
	s20 =	sshll.u32 s5, $0x1;
	s5 =	sadd.s32 s21, s3  }
0x9d: {  	[timem:s7], [sflag:s22] =	dma.local [hbm:s5], s20  }
0x9e: {  	_ =	swait.ge [sflag:s22], s20  }
0x9f: {  	s4 =	ssub.s32 $0x0, s20;
	[sflag:s22] =	ssyncset.done $0x0  }
0xa0: {  	[sflag:s22] =	ssyncadd.s32 s4;
	_ =	sdelay $0x1  }
0xa1: {  	s23 =	simm.s32 $0x1B8B  }
0xa2: {  	_ =	swait.ge [sflag:s23], $0x1  }
0xa3: {  	[sflag:s23] =	ssyncset.done $0x0  }
0xa4: {  	s25 =	simm.s32 $0x1B8E;
	s24 =	sld [smem:$0x3FFE];
	[sflag:s23] =	ssyncadd.s32 $0xFFFFFFFF  }
0xa5: {  	s26 =	simm.s32 $execute0_lowered;
	[smem:$0x3FD2] =	sst s25  }
0xa6: {  	s5 =	sshll.u32 s26, $0x1;
	_ =	strace $0x80000046;
	[dreg:$0x1] =	wrdreg $0xFFFFFFFF  }
0xa7: {  	s28 =	simm.s32 $_size_execute0_lowered;
	s3 =	sadd.s32 s3, s5;
	[dreg:$0x0] =	wrdreg $0x0  }
0xa8: {  	s5 =	sshll.u32 s28, $0x1;
	[dreg:$0x2] =	wrdreg s3  }
0xa9: {  	[dreg:$0x3] =	wrdreg s5  }
0xaa: {  	[dreg:$0x4] =	wrdreg $0xC0  }
0xab: {  	_ =	task [dreg:s7], $0x5FFFF  }
0xac: {  	[dreg:$0x1] =	wrdreg $0xFFFFFFFF  }
0xad: {  	[dreg:$0x0] =	wrdreg $0x60  }
0xae: {  	[dreg:$0x2] =	wrdreg s2  }
0xaf: {  	[dreg:$0x3] =	wrdreg s24  }
0xb0: {  	[dreg:$0x4] =	wrdreg $0x44000  }
0xb1: {  	[dreg:$0x5] =	wrdreg $0x9  }
0xb2: {  	_ =	task.clear_ibuf [dreg:s7], $0x6FFFF;
	_ =	strace $0x90000046  }
0xb3: {  	s29 =	simm.s32 $0x9;
	_ =	strace $0x80000048  }
0xb4: {  	_ =	swait.ge [sflag:s29], $0x1  }
0xb5: {  	[sflag:s29] =	ssyncadd.s32 $0xFFFFFFFF  }
0xb6: {  	_ =	strace $0x90000048  }
0xb7: {  	_ =	sfence  }
0xb8: {  	s30 =	sld [smem:$0x0];
	_ =	sdelay $0x2  }
0xb9: {  	s31 =	sshll.u32 s1, $0xD;
	s1 =	sshrl.u32 s1, $0x2  }
0xba: {  	s3 =	sand.u32 $0x4000, s31;
	s1 =	sadd.s32 s1, s30  }
0xbb: {  	s0 =	sor.u32 s3, s0;
	s1 =	sshll.u32 s1, $0x11  }
0xbc: {  	s0 =	sor.u32 s1, s0  }
0xbd: {  	s0 =	sadd.s32 $0x8F2B, s0  }
0xbe: {  	[sflag:s0] =	ssyncadd.remote.s32 $0x1  }
0xbf: {  	_ =	sfence.sel $0xFFFF  }
0xc0: {  	[dreg:$0x0] =	wrdreg $0xFFFFFFFF;
	(pc) =	sbr.abs _section_cstart, $3  }
0xc1: {  	[dreg:$0x1] =	wrdreg $0xFFFFFFFF  }
0xc2: {  	_ =	task.clear_ibuf [dreg:s7], $0x2FFFF;
	_ =	strace $0x9FFFFFFF  }
0xc3: {  	(tm) =	ssettm $0x7FFFFFFF  }
tec
execute0_lowered:
.L_overlay_start_1:
0x0: {  	(tag) =	ssettag $0x1  }
0x1: {  	s8 =	rddreg [dreg:$0x0]  }
0x2: {  	s5 =	rddreg [dreg:$0x1]  }
0x3: {  	s2 =	rddreg [dreg:$0x2]  }
0x4: {  	s0 =	rddreg [dreg:$0x3];
	s1 =	stileid.u32  }
0x5: {  	s4 =	srdreg.scid;
	s3 =	simm.s32 $0x0;
	s15 =	simm.s32 $0x100  }
0x6: {  	s16 =	simm.s32 $0x180;
	s17 =	simm.s32 $0x1;
	s6 =	smul.u32 $0x2780, s1  }
0x7: {  	s18 =	simm.s32 $0x0;
	s7 =	sand.u32 $0x1, s4;
	s11 =	smul.u32 $0x28, s1  }
0x8: {  	[smem:$0x7FF] =	sst s3;
	s4 =	sadd.s32 $0x6600, s5;
	s13 =	smul.u32 $0x78, s1  }
0x9: {  	s30 =	sshll.u32 s1, $0x6;
	s9 =	smul.u32 $0x27800, s7;
	_ =	strace $0x80000047  }
0xa: {  	s12 =	ssub.s32 $0x2, s7;
	p0 =	seq.s32 s7, $0x0;
	s10 =	sshrl.u32 s6, $0x3  }
0xb: {  	s14 =	sshrl.u32 s12, $0x1;
	s7 =	sadd.s32 $0x780, s11;
	s29 =	sadd.s32 s6, s2  }
0xc: {  	s10 =	sadd.s32 s10, s5;
	s9 =	sadd.s32 s6, s9;
	s28 =	ssub.s32 s12, s14  }
0xd: {  	s7 =	smov.u32 @p0 s13;
	s6 =	sor.u32 $0x1C02, s30;
	s11 =	sshrl.u32 s29, $0x3  }
0xe: {  	s12 =	simm.s32 $0x2;
	s13 =	simm.s32 $0x3C00;
	s14 =	simm.s32 $0x80  }
0xf: {  	s9 =	sshrl.u32 s9, $0x3;
	s31 =	sshll.u32 s7, $0x4;
	s7 =	simm.s32 $0x1D  }
0x10: {  	s9 =	sadd.s32 s9, s5;
	s5 =	sadd.s32 $0x1600, s10;
	s8 =	sadd.s32 s8, s31  }
0x11: {  	s7 =	simm.s32 @!p0 $0x9;
	s10 =	smax.u32 s28, $0x1;
	s9 =	sadd.s32 $0x6800, s9  }
.LBB2_1:
0x12: {  	[spmem:s11], [sflag:s6] =	dma.local [hbm:s5], $0x4F0  }
0x13: {  	_ =	swait.ge [sflag:s12], $0x4F0  }
0x14: {  	[sflag:s12] =	ssyncset.done $0x0  }
0x15: {  	[sflag:s12] =	ssyncadd.s32 $0xFFFFFB10  }
0x16: {  	[tilespmem:s13], [sflag:$0x2] =	stream.linear.gather [hbm4b:s4+s3], $0x800, $0x38;
	[tilespmem:$0x6B80] =	vst v63  }
0x17: {  	_ =	swait.ge [sflag:s12], $0x800  }
0x18: {  	[sflag:s12] =	ssyncset.done $0x0  }
0x19: {  	[sflag:s12] =	ssyncadd.s32 $0xFFFFF800  }
0x1a: {  	[tilespmem:s3], [sflag:$0x2] =	stream.linear.gather [hbm4b:s8+s3], $0x3C00, $0x38;
	[tilespmem:$0x6B80] =	vst v63  }
0x1b: {  	_ =	swait.ge [sflag:s12], $0x3C00  }
0x1c: {  	[sflag:s12] =	ssyncset.done $0x0  }
0x1d: {  	[sflag:s12] =	ssyncadd.s32 $0xFFFFC400  }
0x1e: {  	[bflag:$0x0] =	sbarrier.arrive $0xFFFF  }
0x1f: {  	[spmem:s2] =	stream.indirect.scatter.add.f32 [tilespmem:s13], [sflag:$0x1], $0x10, s3, s14, $0xb8;
	[tilespmem:$0x6B80] =	vst v63  }
0x20: {  	p1 =	sne.s32 s7, $0x1  }
0x21: {  	[spmem:s2] =	stream.indirect.scatter.add.f32 [tilespmem:s13], [sflag:$0x1], $0x10, s14, s14, $0xb8;
	[tilespmem:$0x6B80] =	vst v63  }
.Ltmp0:
0x22: {  	_ = 	snop;
	(pc) =	sbr.rel @!p1 .LBB2_4-.Ltmp0, $4  }
0x23: {  	_ = 	snop  }
0x24: {  	[spmem:s2] =	stream.indirect.scatter.add.f32 [tilespmem:s13], [sflag:$0x1], $0x10, s15, s14, $0xb8;
	[tilespmem:$0x6B80] =	vst v63  }
0x25: {  	s19 =	simm.s32 $0x380;
	s20 =	sadd.s32 $0xFFFFFFFF, s7;
	p0 =	por $0x0, $0x0  }
0x26: {  	[spmem:s2] =	stream.indirect.scatter.add.f32 [tilespmem:s13], [sflag:$0x1], $0x10, s16, s14, $0xb8;
	[tilespmem:$0x6B80] =	vst v63  }
0x27: {  	s21 =	simm.s32 $0x200  }
0x28: {  	[spmem:s2] =	stream.indirect.scatter.add.f32 [tilespmem:s13], [sflag:$0x1], $0x10, s21, s14, $0xb8;
	[tilespmem:$0x6B80] =	vst v63  }
0x29: {  	s30 =	simm.s32 $0x280  }
0x2a: {  	[spmem:s2] =	stream.indirect.scatter.add.f32 [tilespmem:s13], [sflag:$0x1], $0x10, s30, s14, $0xb8;
	[tilespmem:$0x6B80] =	vst v63  }
0x2b: {  	s31 =	simm.s32 $0x300  }
0x2c: {  	[spmem:s2] =	stream.indirect.scatter.add.f32 [tilespmem:s13], [sflag:$0x1], $0x10, s31, s14, $0xb8;
	[tilespmem:$0x6B80] =	vst v63  }
0x2d: {  	_ = 	snop  }
0x2e: {  	[spmem:s2] =	stream.indirect.scatter.add.f32 [tilespmem:s13], [sflag:$0x1], $0x10, s19, s14, $0xb8;
	[tilespmem:$0x6B80] =	vst v63  }
0x2f: {  	_ =	swait.ge [sflag:s17], $0x800  }
0x30: {  	[sflag:s17] =	ssyncset.done $0x0  }
0x31: {  	[sflag:s17] =	ssyncadd.s32 $0xFFFFF800  }
0x32: {  	_ =	swait.ge [sflag:s17], $0x800  }
0x33: {  	[sflag:s17] =	ssyncset.done $0x0  }
0x34: {  	p1 =	sne.s32 s20, $0x1;
	[sflag:s17] =	ssyncadd.s32 $0xFFFFF800  }
.Ltmp1:
0x35: {  	_ =	swait.ge [sflag:s17], $0x800;
	(pc) =	sbr.rel @!p1 .LBB2_4-.Ltmp1, $4  }
0x36: {  	[sflag:s17] =	ssyncset.done $0x0  }
0x37: {  	[sflag:s17] =	ssyncadd.s32 $0xFFFFF800  }
0x38: {  	s20 =	sadd.s32 $0xFFFFFFFF, s20;
	_ =	swait.ge [sflag:s17], $0x800  }
0x39: {  	p0 =	por $0x1, $0x1;
	s19 =	simm.s32 $0x580;
	[sflag:s17] =	ssyncset.done $0x0  }
.LBB2_3:
0x3a: {  	p1 =	sne.s32 s20, $0x1;
	s21 =	sadd.s32 $0xFFFFFE80, s19;
	[sflag:s17] =	ssyncadd.s32 $0xFFFFF800  }
0x3b: {  	[spmem:s2] =	stream.indirect.scatter.add.f32 [tilespmem:s13], [sflag:$0x1], $0x10, s21, s14, $0xb8;
	[tilespmem:$0x6B80] =	vst v63  }
0x3c: {  	s20 =	sadd.s32 $0xFFFFFFFF, s20;
	s21 =	sadd.s32 $0xFFFFFF00, s19  }
0x3d: {  	[spmem:s2] =	stream.indirect.scatter.add.f32 [tilespmem:s13], [sflag:$0x1], $0x10, s21, s14, $0xb8;
	[tilespmem:$0x6B80] =	vst v63  }
0x3e: {  	s21 =	sadd.s32 $0xFFFFFF80, s19  }
0x3f: {  	[spmem:s2] =	stream.indirect.scatter.add.f32 [tilespmem:s13], [sflag:$0x1], $0x10, s21, s14, $0xb8;
	[tilespmem:$0x6B80] =	vst v63  }
0x40: {  	_ = 	snop  }
0x41: {  	[spmem:s2] =	stream.indirect.scatter.add.f32 [tilespmem:s13], [sflag:$0x1], $0x10, s19, s14, $0xb8;
	[tilespmem:$0x6B80] =	vst v63  }
0x42: {  	_ =	swait.ge [sflag:s17], $0x800  }
0x43: {  	[sflag:s17] =	ssyncset.done $0x0  }
0x44: {  	[sflag:s17] =	ssyncadd.s32 $0xFFFFF800  }
0x45: {  	_ =	swait.ge [sflag:s17], $0x800  }
0x46: {  	[sflag:s17] =	ssyncset.done $0x0  }
0x47: {  	[sflag:s17] =	ssyncadd.s32 $0xFFFFF800  }
.Ltmp2:
0x48: {  	_ =	swait.ge [sflag:s17], $0x800;
	(pc) =	sbr.rel @p1 .LBB2_3-.Ltmp2, $4  }
0x49: {  	[sflag:s17] =	ssyncset.done $0x0  }
0x4a: {  	[sflag:s17] =	ssyncadd.s32 $0xFFFFF800  }
0x4b: {  	_ =	swait.ge [sflag:s17], $0x800  }
0x4c: {  	s19 =	sadd.s32 $0x200, s19;
	[sflag:s17] =	ssyncset.done $0x0  }
.LBB2_4:
0x4d: {  	s20 =	sadd.s32 $0xFFFFFE80, s19;
	[sflag:s17] =	ssyncadd.s32 @p0 $0xFFFFF800  }
0x4e: {  	[spmem:s2] =	stream.indirect.scatter.add.f32 [tilespmem:s13], [sflag:$0x1], $0x10, s20, s14, $0xb8;
	[tilespmem:$0x6B80] =	vst v63  }
0x4f: {  	s30 =	sadd.s32 $0xFFFFFF00, s19  }
0x50: {  	[spmem:s2] =	stream.indirect.scatter.add.f32 [tilespmem:s13], [sflag:$0x1], $0x10, s30, s14, $0xb8;
	[tilespmem:$0x6B80] =	vst v63  }
0x51: {  	s31 =	sadd.s32 $0xFFFFFF80, s19  }
0x52: {  	[spmem:s2] =	stream.indirect.scatter.add.f32 [tilespmem:s13], [sflag:$0x1], $0x10, s31, s14, $0xb8;
	[tilespmem:$0x6B80] =	vst v63  }
0x53: {  	_ = 	snop  }
0x54: {  	[spmem:s2] =	stream.indirect.scatter.add.f32 [tilespmem:s13], [sflag:$0x1], $0x10, s19, s14, $0xb8;
	[tilespmem:$0x6B80] =	vst v63  }
0x55: {  	_ =	swait.ge [sflag:s17], $0x800  }
0x56: {  	[sflag:s17] =	ssyncset.done $0x0  }
0x57: {  	[sflag:s17] =	ssyncadd.s32 $0xFFFFF800  }
0x58: {  	_ =	swait.ge [sflag:s17], $0x800  }
0x59: {  	[sflag:s17] =	ssyncset.done $0x0  }
0x5a: {  	[sflag:s17] =	ssyncadd.s32 $0xFFFFF800  }
0x5b: {  	_ =	swait.ge [sflag:s17], $0x800  }
0x5c: {  	[sflag:s17] =	ssyncset.done $0x0  }
0x5d: {  	[sflag:s17] =	ssyncadd.s32 $0xFFFFF800  }
0x5e: {  	_ =	swait.ge [sflag:s17], $0x800  }
0x5f: {  	[sflag:s17] =	ssyncset.done $0x0  }
0x60: {  	[sflag:s17] =	ssyncadd.s32 $0xFFFFF800  }
0x61: {  	_ =	swait.ge [sflag:s17], $0x800  }
0x62: {  	[sflag:s17] =	ssyncset.done $0x0  }
0x63: {  	[sflag:s17] =	ssyncadd.s32 $0xFFFFF800  }
0x64: {  	_ =	swait.ge [sflag:s17], $0x800  }
0x65: {  	[sflag:s17] =	ssyncset.done $0x0  }
0x66: {  	[sflag:s17] =	ssyncadd.s32 $0xFFFFF800  }
0x67: {  	_ =	swait.ge [sflag:s17], $0x800  }
0x68: {  	[sflag:s17] =	ssyncset.done $0x0  }
0x69: {  	[sflag:s17] =	ssyncadd.s32 $0xFFFFF800  }
0x6a: {  	_ =	swait.ge [sflag:s17], $0x800  }
0x6b: {  	s18 =	sadd.s32 $0x1, s18;
	[sflag:s17] =	ssyncset.done $0x0  }
0x6c: {  	p0 =	sne.s32 s18, s10;
	[sflag:s17] =	ssyncadd.s32 $0xFFFFF800  }
.Ltmp3:
0x6d: {  	[bflag:$0x0] =	sbarrier.arrive $0xFFFF;
	(pc) =	sbr.rel @p0 .LBB2_1-.Ltmp3, $4  }
0x6e: {  	[hbm:s9], [sflag:s6] =	dma.local [spmem:s11], $0x4F0  }
0x6f: {  	_ =	swait.ge [sflag:s12], $0x4F0  }
0x70: {  	[sflag:s12] =	ssyncset.done $0x0  }
0x71: {  	[sflag:s12] =	ssyncadd.s32 $0xFFFFFB10  }
0x72: {  	_ =	sfence.sel $0x180000  }
0x73: {  	[bflag:$0x0] =	sbarrier.arrive $0xFFFF  }
0x74: {  	p0 =	sne.s32 s1, $0x0;
	_ =	strace $0x90000047  }
0x75: {  	s0 =	sadd.s32 @!p0 $0x100000, s0;
	[bflag:$0x2] =	sbarrier.arrive $0xFFFF  }
0x76: {  	[sflag:s0] =	ssyncadd.tile.s32 @!p0 $0x1;
	_ =	shalt  }
.Lfunc_end2:
_tile_overlayer_lowered:
.L_overlay_start_2:
0x77: {  	(tag) =	ssettag $0x2  }
0x78: {  	s0 =	rddreg [dreg:$0x0];
	s2 =	stileid.u32  }
0x79: {  	s1 =	rddreg [dreg:$0x1];
	p0 =	sne.s32 s2, $0x0  }
0x7a: {  	s3 =	rddreg [dreg:$0x2];
	[bflag:$0x3] =	sbarrier.arrive $0xFFFF;
	s2 =	simm.s32 @!p0 $0x1C02  }
0x7b: {  	[timem:s3], [sflag:s2] =	dma.local @!p0 [hbm:s0], s1  }
0x7c: {  	s0 =	simm.s32 @!p0 $0x2  }
0x7d: {  	_ =	swait.ge @!p0 [sflag:s0], s1  }
0x7e: {  	s1 =	ssub.s32 @!p0 $0x0, s1;
	[sflag:s0] =	ssyncset.done @!p0 $0x0  }
0x7f: {  	[sflag:s0] =	ssyncadd.s32 @!p0 s1  }
0x80: {  	[bflag:$0x3] =	sbarrier.arrive $0xFFFF  }
0x81: {  	_ =	shalt  }

</sc_bundles>
